<compile_context>
chip_gen: v7x
topology: tpu7x:2x2x1
jax: 0.10.2.dev20260603
libtpu: 0.0.44.dev20260713+nightly
codegen_flags: <defaults>
</compile_context>

<pallas_src>
import dataclasses
import functools

import jax
import jax.numpy as jnp
import numpy as np
from jax import lax
from jax.experimental import pallas as pl
from jax.experimental.pallas import tpu as pltpu
from jax.experimental.pallas import tpu_sc as plsc

N = 10000
E = 320000
NMAX = 16
NOUT = 10
NBOND = 6

SC_NC = 2
SC_NS = 16
SC_NW = SC_NC * SC_NS
WIN = 128
NWIN = E // WIN
WIN_PER_SUB = NWIN // SC_NW
WIN_REM = NWIN - WIN_PER_SUB * SC_NW

ROWS = E // 8
RB = 800
NCHUNK = 128

_P16_NP = np.zeros((8, 128), dtype=np.float32)
for _e in range(8):
    _P16_NP[_e, _e * 16:(_e + 1) * 16] = 1.0

_C_NP = np.zeros((128, 128), dtype=np.float32)
for _e in range(8):
    for _o in range(NOUT):
        _C_NP[_e * 16 + _o, _e * 10 + _o] = 1.0


PACK = WIN // 8
NCHK = 1
ECH = E // NCHK
WPS = ECH // (SC_NW * WIN)
WREM = ECH // WIN - WPS * SC_NW
SLAB = WPS * WIN


def _sc_body(nd_hbm, ih_hbm, jh_hbm, at_hbm, des_hbm, b16_hbm,
             at_v, bond_v, sli_v, slj_v,
             gi0, gj0, desw0, bw0,
             gi1, gj1, desw1, bw1,
             gi2, gj2, desw2, bw2,
             sg0, sg1, sg2, so0, so1, so2):
    wid = lax.axis_index("s") * SC_NC + lax.axis_index("c")
    pltpu.sync_copy(at_hbm, at_v)
    base = wid * SLAB
    pltpu.sync_copy(ih_hbm.at[pl.ds(base, SLAB)], sli_v)
    pltpu.sync_copy(jh_hbm.at[pl.ds(base, SLAB)], slj_v)

    bufs = ((gi0, gj0, desw0, bw0, sg0, so0),
            (gi1, gj1, desw1, bw1, sg1, so1),
            (gi2, gj2, desw2, bw2, sg2, so2))

    def fire(k, b):
        gi, gj, _, _, sg, _ = bufs[b]
        off = k * WIN
        pltpu.async_copy(nd_hbm.at[sli_v.at[pl.ds(off, WIN)]], gi, sg)
        pltpu.async_copy(nd_hbm.at[slj_v.at[pl.ds(off, WIN)]], gj, sg)

    def compute(k, out_row, b, outwait):
        gi, gj, desw, bw, sg, so = bufs[b]
        off = k * WIN
        pltpu.make_async_copy(nd_hbm.at[sli_v.at[pl.ds(off, WIN)]], gi, sg).wait()
        pltpu.make_async_copy(nd_hbm.at[slj_v.at[pl.ds(off, WIN)]], gj, sg).wait()

        @pl.loop(0, WIN, step=16)
        def _(g):
            iv = sli_v[pl.ds(off + g, 16)]
            jv = slj_v[pl.ds(off + g, 16)]
            ti = plsc.load_gather(at_v, [iv])
            tj = plsc.load_gather(at_v, [jv])
            s = ti * ti + tj * tj
            bnd = s - jnp.where(s >= 3, 1, 0) - jnp.where(s >= 6, 2, 0)
            bond_v[pl.ds(g, 16)] = bnd.astype(jnp.float32)

        @pl.when(outwait)
        def _():
            pltpu.make_async_copy(desw, des_hbm.at[pl.ds(0, PACK)], so).wait()
            pltpu.make_async_copy(bw, b16_hbm.at[pl.ds(0, PACK)], so).wait()

        @pl.loop(0, PACK)
        def _(r):
            for kk in range(8):
                e = r * 8 + kk
                desw[r, pl.ds(16 * kk, 16)] = gi[e, :] + gj[e, :]
                idxe = jnp.zeros((16,), jnp.int32) + e
                bw[r, pl.ds(16 * kk, 16)] = plsc.load_gather(bond_v, [idxe])

        pltpu.async_copy(desw, des_hbm.at[pl.ds(out_row, PACK)], so)
        pltpu.async_copy(bw, b16_hbm.at[pl.ds(out_row, PACK)], so)

    row0 = wid * (SLAB // 8)

    fire(0, 0)
    fire(1, 1)

    @pl.loop(0, WPS, step=3)
    def _(k):
        fire(k + 2, 2)
        compute(k, row0 + k * PACK, 0, outwait=k >= 3)

        @pl.when(k + 3 < WPS)
        def _():
            fire(k + 3, 0)
        compute(k + 1, row0 + (k + 1) * PACK, 1, outwait=k >= 2)

        @pl.when(k + 4 < WPS)
        def _():
            fire(k + 4, 1)
        compute(k + 2, row0 + (k + 2) * PACK, 2, outwait=k >= 1)

    for desw, bw, so in ((desw0, bw0, so0), (desw1, bw1, so1), (desw2, bw2, so2)):
        pltpu.make_async_copy(desw, des_hbm.at[pl.ds(0, PACK)], so).wait()
        pltpu.make_async_copy(bw, b16_hbm.at[pl.ds(0, PACK)], so).wait()

    @pl.when(wid < WREM)
    def _():
        tb = SC_NW * SLAB + wid * WIN
        pltpu.sync_copy(ih_hbm.at[pl.ds(tb, WIN)], sli_v.at[pl.ds(0, WIN)])
        pltpu.sync_copy(jh_hbm.at[pl.ds(tb, WIN)], slj_v.at[pl.ds(0, WIN)])
        fire(0, 0)
        compute(0, tb // 8, 0, outwait=False)
        pltpu.make_async_copy(desw0, des_hbm.at[pl.ds(0, PACK)], so0).wait()
        pltpu.make_async_copy(bw0, b16_hbm.at[pl.ds(0, PACK)], so0).wait()


@jax.jit
def _sc_gather(node_des, i_hop, j_hop, atomtype):
    mesh = plsc.VectorSubcoreMesh(core_axis_name="c", subcore_axis_name="s")
    cp = pltpu.CompilerParams(use_tc_tiling_on_sc=False)
    if "needs_layout_passes" in pltpu.CompilerParams.__dataclass_fields__:
        cp = dataclasses.replace(cp, needs_layout_passes=False)
    dbl = lambda t: [t, t]
    run = pl.kernel(
        _sc_body,
        out_type=(
            jax.ShapeDtypeStruct((ECH // 8, 128), jnp.float32),
            jax.ShapeDtypeStruct((ECH // 8, 128), jnp.float32),
        ),
        mesh=mesh,
        scratch_types=[
            pltpu.VMEM((N,), jnp.int32),
            pltpu.VMEM((WIN,), jnp.float32),
            pltpu.VMEM((SLAB,), jnp.int32),
            pltpu.VMEM((SLAB,), jnp.int32),
        ] + 3 * [
            pltpu.VMEM((WIN, NMAX), jnp.float32),
            pltpu.VMEM((WIN, NMAX), jnp.float32),
            pltpu.VMEM((PACK, 128), jnp.float32),
            pltpu.VMEM((PACK, 128), jnp.float32),
        ] + 6 * [
            pltpu.SemaphoreType.DMA,
        ],
        compiler_params=cp,
    )
    return run(node_des, i_hop, j_hop, atomtype)


CW = 6
THALF = NWIN // 2
TWPS = THALF // 16
TWREM = THALF - TWPS * 16
CGRP = TWPS // CW


def _sc_tr_body(hp0_hbm, hp1_hbm, out_hbm,
                s0, a0, c0, s1, a1, c1, sl0, sl1, so0, so1):
    wid = lax.axis_index("s") * SC_NC + lax.axis_index("c")
    lanes = lax.iota(jnp.int32, 16)
    rowpat = lanes >> 3
    colpat = (lanes & 7) * NOUT

    bufs = ((s0, a0, c0, sl0, so0), (s1, a1, c1, sl1, so1))

    def half(src, owb, swb, lwid):
        w0l = lwid * TWPS

        def load(g, b):
            s, _, _, sl, _ = bufs[b]
            pltpu.async_copy(
                src.at[pl.ds((swb + w0l + g * CW) * PACK, CW * PACK),
                       pl.ds(0, 80)], s, sl)

        def conv(g, b, outwait):
            s, aa, cc, sl, so = bufs[b]
            w = owb + w0l + g * CW
            pltpu.make_async_copy(
                src.at[pl.ds((swb + w0l + g * CW) * PACK, CW * PACK),
                       pl.ds(0, 80)],
                s, sl).wait()

            @pl.when(outwait)
            def _():
                pltpu.make_async_copy(aa, out_hbm.at[0, pl.ds(0, CW)], so).wait()
                pltpu.make_async_copy(
                    cc, out_hbm.at[1, pl.ds(0, CW), pl.ds(0, 2)], so).wait()

            @pl.loop(0, CW)
            def _(j):
                for r in range(8):
                    for gc in range(8):
                        ir = rowpat + (16 * j + 2 * gc)
                        aa[j, r, pl.ds(16 * gc, 16)] = plsc.load_gather(
                            s, [ir, colpat + r])
                for r in range(2):
                    for gc in range(8):
                        ir = rowpat + (16 * j + 2 * gc)
                        cc[j, r, pl.ds(16 * gc, 16)] = plsc.load_gather(
                            s, [ir, colpat + (8 + r)])

            pltpu.async_copy(aa, out_hbm.at[0, pl.ds(w, CW)], so)
            pltpu.async_copy(cc, out_hbm.at[1, pl.ds(w, CW), pl.ds(0, 2)], so)

        load(0, 0)

        @pl.loop(0, CGRP - 1, step=2)
        def _(g):
            load(g + 1, 1)
            conv(g, 0, outwait=g >= 2)

            @pl.when(g + 2 < CGRP)
            def _():
                load(g + 2, 0)
            conv(g + 1, 1, outwait=g >= 1)

        conv(CGRP - 1, 0, outwait=True)
        pltpu.make_async_copy(a0, out_hbm.at[0, pl.ds(0, CW)], so0).wait()
        pltpu.make_async_copy(
            c0, out_hbm.at[1, pl.ds(0, CW), pl.ds(0, 2)], so0).wait()
        pltpu.make_async_copy(a1, out_hbm.at[0, pl.ds(0, CW)], so1).wait()
        pltpu.make_async_copy(
            c1, out_hbm.at[1, pl.ds(0, CW), pl.ds(0, 2)], so1).wait()

        @pl.when(lwid < TWREM)
        def _():
            lw = 16 * TWPS + lwid
            w = owb + lw
            pltpu.sync_copy(src.at[pl.ds((swb + lw) * PACK, PACK), pl.ds(0, 80)],
                            s0.at[pl.ds(0, PACK)])

            for r in range(8):
                for gc in range(8):
                    a0[0, r, pl.ds(16 * gc, 16)] = plsc.load_gather(
                        s0, [rowpat + 2 * gc, colpat + r])
            for r in range(2):
                for gc in range(8):
                    c0[0, r, pl.ds(16 * gc, 16)] = plsc.load_gather(
                        s0, [rowpat + 2 * gc, colpat + (8 + r)])

            pltpu.sync_copy(a0.at[pl.ds(0, 1)], out_hbm.at[0, pl.ds(w, 1)])
            pltpu.sync_copy(c0.at[pl.ds(0, 1)],
                            out_hbm.at[1, pl.ds(w, 1), pl.ds(0, 2)])

    @pl.when(wid < 16)
    def _():
        half(hp0_hbm, 0, 0, wid)

    @pl.when(wid >= 16)
    def _():
        half(hp1_hbm, THALF, THALF if NCHK == 1 else 0, wid - 16)


@jax.jit
def _sc_transpose(hp0, hp1):
    mesh = plsc.VectorSubcoreMesh(core_axis_name="c", subcore_axis_name="s")
    cp = pltpu.CompilerParams(use_tc_tiling_on_sc=False)
    if "needs_layout_passes" in pltpu.CompilerParams.__dataclass_fields__:
        cp = dataclasses.replace(cp, needs_layout_passes=False)
    run = pl.kernel(
        _sc_tr_body,
        out_type=jax.ShapeDtypeStruct((2, NWIN, 8, 128), jnp.float32),
        mesh=mesh,
        scratch_types=2 * [
            pltpu.VMEM((CW * PACK, 80), jnp.float32),
            pltpu.VMEM((CW, 8, 128), jnp.float32),
            pltpu.VMEM((CW, 2, 128), jnp.float32),
        ] + 4 * [
            pltpu.SemaphoreType.DMA,
        ],
        compiler_params=cp,
    )
    return run(hp0, hp1)


def _tc_body(desp_ref, drhp_ref, b16_ref, kenv_ref, kedge_ref,
             cmat_ref, benv_ref, bedge_ref, out_ref):
    desp = desp_ref[...]
    b16 = b16_ref[...]
    masks = [b16 == float(b) for b in range(NBOND)]
    env_all = jnp.dot(desp.astype(jnp.bfloat16), kenv_ref[...],
                      preferred_element_type=jnp.float32)
    env_sel = jnp.where(masks[0], env_all[:, 0:NCHUNK], 0.0)
    for b in range(1, NBOND):
        env_sel = env_sel + jnp.where(
            masks[b], env_all[:, b * NCHUNK:(b + 1) * NCHUNK], 0.0)
    env = jnp.tanh(env_sel) + env_all[:, NBOND * NCHUNK:] + benv_ref[...]
    x = (env * drhp_ref[...]).astype(jnp.bfloat16)
    hop_all = jnp.dot(x, kedge_ref[...],
                      preferred_element_type=jnp.float32)
    hop_sel = jnp.where(masks[0], hop_all[:, 0:NCHUNK], 0.0)
    for b in range(1, NBOND):
        hop_sel = hop_sel + jnp.where(
            masks[b], hop_all[:, b * NCHUNK:(b + 1) * NCHUNK], 0.0)
    hop_c = jnp.dot(hop_sel.astype(jnp.bfloat16), cmat_ref[...],
                    preferred_element_type=jnp.float32)
    out_ref[...] = jnp.tanh(hop_c) + hop_all[:, NBOND * NCHUNK:] + bedge_ref[...]


def _tc_dense(desp, drhp, b16, kenv, kedge, cmat, benv, bedge, off):
    full = lambda shape: pl.BlockSpec(shape, lambda i: (0, 0))
    rows_c = desp.shape[0]
    return pl.pallas_call(
        _tc_body,
        grid=(rows_c // RB,),
        in_specs=[
            pl.BlockSpec((RB, 128), lambda i: (i, 0)),
            pl.BlockSpec((RB, 128), lambda i: (i + off, 0)),
            pl.BlockSpec((RB, 128), lambda i: (i, 0)),
            full((128, (NBOND + 1) * NCHUNK)),
            full((128, (NBOND + 1) * NCHUNK)),
            full((128, 128)),
            full((1, 128)),
            full((1, 128)),
        ],
        out_specs=pl.BlockSpec((RB, 128), lambda i: (i, 0)),
        out_shape=jax.ShapeDtypeStruct((rows_c, 128), jnp.float32),
    )(desp, drhp, b16, kenv, kedge, cmat, benv, bedge)


def kernel(node_des, edge_index, atomtype, des_radial_hop,
           W_env, W_env_adj, b_env, W_edge, W_edge_adj, b_edge):
    i_hop = edge_index[0]
    j_hop = edge_index[1]

    eye8 = jnp.eye(8, dtype=jnp.float32)
    kron8 = lambda w: jnp.kron(eye8, w)
    kenv = jnp.concatenate(
        [kron8(W_env[b].T) for b in range(NBOND)] + [kron8(W_env_adj.T)],
        axis=1)
    wep = jnp.pad(jnp.swapaxes(W_edge, 1, 2), ((0, 0), (0, 0), (0, NMAX - NOUT)))
    adjp = jnp.pad(kron8(W_edge_adj.T), ((0, 0), (0, 48)))
    kedge = jnp.concatenate(
        [kron8(wep[b]) for b in range(NBOND)] + [adjp],
        axis=1)
    benv128 = jnp.tile(b_env, 8)[None, :]
    bedge128 = jnp.tile(jnp.pad(b_edge, (0, NMAX - NOUT)), 8)[None, :]

    drhp = des_radial_hop.reshape(ROWS, 128)
    kenv16 = kenv.astype(jnp.bfloat16)
    kedge16 = kedge.astype(jnp.bfloat16)
    cmat16 = jnp.asarray(_C_NP).astype(jnp.bfloat16)

    hps = []
    for c in range(NCHK):
        sl = slice(c * ECH, (c + 1) * ECH)
        des_c, b16_c = _sc_gather(node_des, i_hop[sl], j_hop[sl], atomtype)
        hps.append(_tc_dense(des_c, drhp, b16_c, kenv16, kedge16, cmat16,
                             benv128, bedge128, off=c * (ECH // 8 // RB)))
    out4 = _sc_transpose(hps[0], hps[-1])
    hop_t16 = out4.transpose((0, 2, 1, 3)).reshape(2 * 8, E)
    return jnp.swapaxes(hop_t16[:NOUT], 0, 1)

# --- scband reference (transcript-rebuilt; emitter-appended) ---
"""Pipeline reference for scband-train-model-13795434954995 (READ-ONLY COPY).

The authoritative reference and input builder live on the scoring server;
editing this copy changes nothing except your own understanding.
"""

import jax, jax.numpy as jnp
import numpy as np

N = 10000
E = 320000
NMAX = 16
NOUT = 10
NTYPES = 3
NBOND = NTYPES * (NTYPES + 1) // 2  # 6
INIT = 0.01


def setup_inputs(seed: int = 0) -> dict:
    key = jax.random.key(seed)
    ks = jax.random.split(key, 10)
    node_des = jax.random.normal(ks[0], (N, NMAX), dtype=jnp.float32)
    des_radial_hop = jax.random.normal(ks[1], (E, NMAX), dtype=jnp.float32)
    edge_index = jax.random.randint(ks[2], (2, E), 0, N, dtype=jnp.int32)
    atomtype = jax.random.randint(ks[3], (N,), 0, NTYPES, dtype=jnp.int32)
    # Env_net params: per-bond-type [NBOND, NMAX, NMAX] + linear_adjust
    W_env = INIT * jax.random.normal(ks[4], (NBOND, NMAX, NMAX), dtype=jnp.float32)
    W_env_adj = INIT * jax.random.normal(ks[5], (NMAX, NMAX), dtype=jnp.float32)
    b_env = jnp.zeros((NMAX,), dtype=jnp.float32)
    # Edge_net params: per-bond-type [NBOND, NOUT, NMAX] + linear_adjust
    W_edge = INIT * jax.random.normal(ks[6], (NBOND, NOUT, NMAX), dtype=jnp.float32)
    W_edge_adj = INIT * jax.random.normal(ks[7], (NOUT, NMAX), dtype=jnp.float32)
    b_edge = jnp.zeros((NOUT,), dtype=jnp.float32)
    return {
        'node_des': node_des,
        'edge_index': edge_index,
        'atomtype': atomtype,
        'des_radial_hop': des_radial_hop,
        'W_env': W_env, 'W_env_adj': W_env_adj, 'b_env': b_env,
        'W_edge': W_edge, 'W_edge_adj': W_edge_adj, 'b_edge': b_edge,
    }


def reference(node_des, edge_index, atomtype, des_radial_hop,
              W_env, W_env_adj, b_env, W_edge, W_edge_adj, b_edge):
    # mapping[t_i^2 + t_j^2] -> bond type index (symmetric), mimics Train_Model.mapping
    mapping = jnp.array([0, 1, 2, -1, 3, 4, -1, -1, 5], dtype=jnp.int32)
    i_hop = edge_index[0]
    j_hop = edge_index[1]
    ti = atomtype[i_hop]
    tj = atomtype[j_hop]
    bond_type = mapping[ti * ti + tj * tj]
    # Des = descriptors of i + descriptors of j (gather + add)
    Des = node_des[i_hop] + node_des[j_hop]
    # Env_net: bmm(layer1[bond], Des) -> ACT -> + linear_adjust(Des)
    env = jnp.tanh(jnp.einsum('eoi,ei->eo', W_env[bond_type], Des))
    env = env + Des @ W_env_adj.T + b_env
    # element-wise modulate hop descriptor
    x = env * des_radial_hop
    # Edge_net: bmm(layer1[bond], x) -> ACT -> + linear_adjust(x)
    hop = jnp.tanh(jnp.einsum('eoi,ei->eo', W_edge[bond_type], x))
    hop = hop + x @ W_edge_adj.T + b_edge
    return hop

if __name__ == "__main__":
    import jax
    _d = setup_inputs()
    print(jax.jit(kernel)(*tuple(_d.values())))

</pallas_src>

<mosaic_0001>
#map = affine_map<(d0, d1) -> (0, 0)>
#map1 = affine_map<(d0, d1) -> (0)>
module attributes {stable_mosaic.version = 14 : i64} {
  func.func @_sc_body(%arg0: i32, %arg1: i32, %arg2: memref<10000x16xf32, #tpu.memory_space<hbm>>, %arg3: memref<320000xi32, #tpu.memory_space<hbm>>, %arg4: memref<320000xi32, #tpu.memory_space<hbm>>, %arg5: memref<10000xi32, #tpu.memory_space<hbm>>, %arg6: memref<40000x128xf32, #tpu.memory_space<hbm>>, %arg7: memref<40000x128xf32, #tpu.memory_space<hbm>>, %arg8: memref<10000xi32, #tpu.memory_space<vmem>>, %arg9: memref<128xf32, #tpu.memory_space<vmem>>, %arg10: memref<9984xi32, #tpu.memory_space<vmem>>, %arg11: memref<9984xi32, #tpu.memory_space<vmem>>, %arg12: memref<128x16xf32, #tpu.memory_space<vmem>>, %arg13: memref<128x16xf32, #tpu.memory_space<vmem>>, %arg14: memref<16x128xf32, #tpu.memory_space<vmem>>, %arg15: memref<16x128xf32, #tpu.memory_space<vmem>>, %arg16: memref<128x16xf32, #tpu.memory_space<vmem>>, %arg17: memref<128x16xf32, #tpu.memory_space<vmem>>, %arg18: memref<16x128xf32, #tpu.memory_space<vmem>>, %arg19: memref<16x128xf32, #tpu.memory_space<vmem>>, %arg20: memref<128x16xf32, #tpu.memory_space<vmem>>, %arg21: memref<128x16xf32, #tpu.memory_space<vmem>>, %arg22: memref<16x128xf32, #tpu.memory_space<vmem>>, %arg23: memref<16x128xf32, #tpu.memory_space<vmem>>, %arg24: memref<!tpu.dma_semaphore, #tpu.memory_space<semaphore_mem>>, %arg25: memref<!tpu.dma_semaphore, #tpu.memory_space<semaphore_mem>>, %arg26: memref<!tpu.dma_semaphore, #tpu.memory_space<semaphore_mem>>, %arg27: memref<!tpu.dma_semaphore, #tpu.memory_space<semaphore_mem>>, %arg28: memref<!tpu.dma_semaphore, #tpu.memory_space<semaphore_mem>>, %arg29: memref<!tpu.dma_semaphore, #tpu.memory_space<semaphore_mem>>) attributes {dimension_semantics = [#tpu.dimension_semantics<core_parallel>, #tpu.dimension_semantics<subcore_parallel>], iteration_bounds = array<i64: 2, 16>, scalar_prefetch = 0 : i64, scratch_operands = 22 : i64, tpu.core_type = #tpu.core_type<sc_vector_subcore>, window_params = [{transform_indices = #map}, {transform_indices = #map1}, {transform_indices = #map1}, {transform_indices = #map1}, {transform_indices = #map}, {transform_indices = #map}]} {
    %mul3A = arith.constant 2 : i32
    %mul3A_0 = arith.muli %arg1, %mul3A : i32
    %add3A = arith.addi %mul3A_0, %arg0 : i32
    "tpu.region"() ({
      %run_scoped3A = tpu.sem_alloc : memref<!tpu.dma_semaphore, #tpu.memory_space<semaphore_mem>>
      tpu.enqueue_dma source(%arg5 : memref<10000xi32, #tpu.memory_space<hbm>>) target(%arg8 : memref<10000xi32, #tpu.memory_space<vmem>>) target_semaphore(%run_scoped3A : memref<!tpu.dma_semaphore, #tpu.memory_space<semaphore_mem>>)
      tpu.wait_dma2 semaphore(%run_scoped3A : memref<!tpu.dma_semaphore, #tpu.memory_space<semaphore_mem>>) src(%arg5 : memref<10000xi32, #tpu.memory_space<hbm>>) dst(%arg8 : memref<10000xi32, #tpu.memory_space<vmem>>)
      tpu.yield
    }) : () -> ()
    %mul3A_1 = arith.constant 9984 : i32
    %mul3A_2 = arith.muli %add3A, %mul3A_1 : i32
    "tpu.region"() ({
      %run_scoped3A = tpu.sem_alloc : memref<!tpu.dma_semaphore, #tpu.memory_space<semaphore_mem>>
      %dma_start3A_65 = tpu.memref_slice %arg3[%mul3A_2] : memref<320000xi32, #tpu.memory_space<hbm>> -> memref<9984xi32, #tpu.memory_space<hbm>>
      %dma_start3A_66 = tpu.memref_slice %arg3[%mul3A_2] : memref<320000xi32, #tpu.memory_space<hbm>> -> memref<9984xi32, #tpu.memory_space<hbm>>
      tpu.enqueue_dma source(%dma_start3A_66 : memref<9984xi32, #tpu.memory_space<hbm>>) target(%arg10 : memref<9984xi32, #tpu.memory_space<vmem>>) target_semaphore(%run_scoped3A : memref<!tpu.dma_semaphore, #tpu.memory_space<semaphore_mem>>)
      %dma_wait3A_67 = tpu.memref_slice %arg3[%mul3A_2] : memref<320000xi32, #tpu.memory_space<hbm>> -> memref<9984xi32, #tpu.memory_space<hbm>>
      %dma_wait3A_68 = tpu.memref_slice %arg3[%mul3A_2] : memref<320000xi32, #tpu.memory_space<hbm>> -> memref<9984xi32, #tpu.memory_space<hbm>>
      tpu.wait_dma2 semaphore(%run_scoped3A : memref<!tpu.dma_semaphore, #tpu.memory_space<semaphore_mem>>) src(%dma_wait3A_68 : memref<9984xi32, #tpu.memory_space<hbm>>) dst(%arg10 : memref<9984xi32, #tpu.memory_space<vmem>>)
      tpu.yield
    }) : () -> ()
    "tpu.region"() ({
      %run_scoped3A = tpu.sem_alloc : memref<!tpu.dma_semaphore, #tpu.memory_space<semaphore_mem>>
      %dma_start3A_65 = tpu.memref_slice %arg4[%mul3A_2] : memref<320000xi32, #tpu.memory_space<hbm>> -> memref<9984xi32, #tpu.memory_space<hbm>>
      %dma_start3A_66 = tpu.memref_slice %arg4[%mul3A_2] : memref<320000xi32, #tpu.memory_space<hbm>> -> memref<9984xi32, #tpu.memory_space<hbm>>
      tpu.enqueue_dma source(%dma_start3A_66 : memref<9984xi32, #tpu.memory_space<hbm>>) target(%arg11 : memref<9984xi32, #tpu.memory_space<vmem>>) target_semaphore(%run_scoped3A : memref<!tpu.dma_semaphore, #tpu.memory_space<semaphore_mem>>)
      %dma_wait3A_67 = tpu.memref_slice %arg4[%mul3A_2] : memref<320000xi32, #tpu.memory_space<hbm>> -> memref<9984xi32, #tpu.memory_space<hbm>>
      %dma_wait3A_68 = tpu.memref_slice %arg4[%mul3A_2] : memref<320000xi32, #tpu.memory_space<hbm>> -> memref<9984xi32, #tpu.memory_space<hbm>>
      tpu.wait_dma2 semaphore(%run_scoped3A : memref<!tpu.dma_semaphore, #tpu.memory_space<semaphore_mem>>) src(%dma_wait3A_68 : memref<9984xi32, #tpu.memory_space<hbm>>) dst(%arg11 : memref<9984xi32, #tpu.memory_space<vmem>>)
      tpu.yield
    }) : () -> ()
    %mul3A_3 = arith.constant 1248 : i32
    %mul3A_4 = arith.muli %add3A, %mul3A_3 : i32
    %dma_start3A = arith.constant 0 : i32
    %dma_start3A_5 = tpu.memref_slice %arg10[%dma_start3A] : memref<9984xi32, #tpu.memory_space<vmem>> -> memref<128xi32, #tpu.memory_space<vmem>>
    %dma_start3A_6 = arith.constant 0 : i32
    %dma_start3A_7 = arith.constant 0 : i32
    %dma_start3A_8 = tpu.memref_slice %arg2[%dma_start3A_6, %dma_start3A_7] : memref<10000x16xf32, #tpu.memory_space<hbm>> -> memref<10000x16xf32, #tpu.memory_space<hbm>>
    tpu.enqueue_indirect_dma source(%dma_start3A_8 : memref<10000x16xf32, #tpu.memory_space<hbm>>) target(%arg12 : memref<128x16xf32, #tpu.memory_space<vmem>>) offsets(%dma_start3A_5 : memref<128xi32, #tpu.memory_space<vmem>>) semaphore(%arg24 : memref<!tpu.dma_semaphore, #tpu.memory_space<semaphore_mem>>)
    %dma_start3A_9 = arith.constant 0 : i32
    %dma_start3A_10 = tpu.memref_slice %arg11[%dma_start3A_9] : memref<9984xi32, #tpu.memory_space<vmem>> -> memref<128xi32, #tpu.memory_space<vmem>>
    %dma_start3A_11 = arith.constant 0 : i32
    %dma_start3A_12 = arith.constant 0 : i32
    %dma_start3A_13 = tpu.memref_slice %arg2[%dma_start3A_11, %dma_start3A_12] : memref<10000x16xf32, #tpu.memory_space<hbm>> -> memref<10000x16xf32, #tpu.memory_space<hbm>>
    tpu.enqueue_indirect_dma source(%dma_start3A_13 : memref<10000x16xf32, #tpu.memory_space<hbm>>) target(%arg13 : memref<128x16xf32, #tpu.memory_space<vmem>>) offsets(%dma_start3A_10 : memref<128xi32, #tpu.memory_space<vmem>>) semaphore(%arg24 : memref<!tpu.dma_semaphore, #tpu.memory_space<semaphore_mem>>)
    %dma_start3A_14 = arith.constant 128 : i32
    %dma_start3A_15 = tpu.memref_slice %arg10[%dma_start3A_14] : memref<9984xi32, #tpu.memory_space<vmem>> -> memref<128xi32, #tpu.memory_space<vmem>>
    %dma_start3A_16 = arith.constant 0 : i32
    %dma_start3A_17 = arith.constant 0 : i32
    %dma_start3A_18 = tpu.memref_slice %arg2[%dma_start3A_16, %dma_start3A_17] : memref<10000x16xf32, #tpu.memory_space<hbm>> -> memref<10000x16xf32, #tpu.memory_space<hbm>>
    tpu.enqueue_indirect_dma source(%dma_start3A_18 : memref<10000x16xf32, #tpu.memory_space<hbm>>) target(%arg16 : memref<128x16xf32, #tpu.memory_space<vmem>>) offsets(%dma_start3A_15 : memref<128xi32, #tpu.memory_space<vmem>>) semaphore(%arg25 : memref<!tpu.dma_semaphore, #tpu.memory_space<semaphore_mem>>)
    %dma_start3A_19 = arith.constant 128 : i32
    %dma_start3A_20 = tpu.memref_slice %arg11[%dma_start3A_19] : memref<9984xi32, #tpu.memory_space<vmem>> -> memref<128xi32, #tpu.memory_space<vmem>>
    %dma_start3A_21 = arith.constant 0 : i32
    %dma_start3A_22 = arith.constant 0 : i32
    %dma_start3A_23 = tpu.memref_slice %arg2[%dma_start3A_21, %dma_start3A_22] : memref<10000x16xf32, #tpu.memory_space<hbm>> -> memref<10000x16xf32, #tpu.memory_space<hbm>>
    tpu.enqueue_indirect_dma source(%dma_start3A_23 : memref<10000x16xf32, #tpu.memory_space<hbm>>) target(%arg17 : memref<128x16xf32, #tpu.memory_space<vmem>>) offsets(%dma_start3A_20 : memref<128xi32, #tpu.memory_space<vmem>>) semaphore(%arg25 : memref<!tpu.dma_semaphore, #tpu.memory_space<semaphore_mem>>)
    %scan3A = arith.constant 0 : i32
    %scan3A_24 = arith.constant 26 : i32
    %scan3A_25 = arith.addi %scan3A, %scan3A_24 : i32
    %scan3A_26 = arith.constant 1 : i32
    scf.for %scan3A_65 = %scan3A to %scan3A_25 step %scan3A_26  : i32 {
      %mul3A_66 = arith.constant 3 : i32
      %mul3A_67 = arith.muli %scan3A_65, %mul3A_66 : i32
      %add3A_68 = arith.constant 0 : i32
      %add3A_69 = arith.addi %add3A_68, %mul3A_67 : i32
      %add3A_70 = arith.constant 2 : i32
      %add3A_71 = arith.addi %add3A_69, %add3A_70 : i32
      %mul3A_72 = arith.constant 128 : i32
      %mul3A_73 = arith.muli %add3A_71, %mul3A_72 : i32
      %dma_start3A_74 = tpu.memref_slice %arg10[%mul3A_73] : memref<9984xi32, #tpu.memory_space<vmem>> -> memref<128xi32, #tpu.memory_space<vmem>>
      %dma_start3A_75 = arith.constant 0 : i32
      %dma_start3A_76 = arith.constant 0 : i32
      %dma_start3A_77 = tpu.memref_slice %arg2[%dma_start3A_75, %dma_start3A_76] : memref<10000x16xf32, #tpu.memory_space<hbm>> -> memref<10000x16xf32, #tpu.memory_space<hbm>>
      tpu.enqueue_indirect_dma source(%dma_start3A_77 : memref<10000x16xf32, #tpu.memory_space<hbm>>) target(%arg20 : memref<128x16xf32, #tpu.memory_space<vmem>>) offsets(%dma_start3A_74 : memref<128xi32, #tpu.memory_space<vmem>>) semaphore(%arg26 : memref<!tpu.dma_semaphore, #tpu.memory_space<semaphore_mem>>)
      %dma_start3A_78 = tpu.memref_slice %arg11[%mul3A_73] : memref<9984xi32, #tpu.memory_space<vmem>> -> memref<128xi32, #tpu.memory_space<vmem>>
      %dma_start3A_79 = arith.constant 0 : i32
      %dma_start3A_80 = arith.constant 0 : i32
      %dma_start3A_81 = tpu.memref_slice %arg2[%dma_start3A_79, %dma_start3A_80] : memref<10000x16xf32, #tpu.memory_space<hbm>> -> memref<10000x16xf32, #tpu.memory_space<hbm>>
      tpu.enqueue_indirect_dma source(%dma_start3A_81 : memref<10000x16xf32, #tpu.memory_space<hbm>>) target(%arg21 : memref<128x16xf32, #tpu.memory_space<vmem>>) offsets(%dma_start3A_78 : memref<128xi32, #tpu.memory_space<vmem>>) semaphore(%arg26 : memref<!tpu.dma_semaphore, #tpu.memory_space<semaphore_mem>>)
      %mul3A_82 = arith.constant 16 : i32
      %mul3A_83 = arith.muli %add3A_69, %mul3A_82 : i32
      %add3A_84 = arith.addi %mul3A_4, %mul3A_83 : i32
      %ge3A = arith.constant 3 : i32
      %ge3A_85 = arith.cmpi sge, %add3A_69, %ge3A : i32
      %mul3A_86 = arith.constant 128 : i32
      %mul3A_87 = arith.muli %add3A_69, %mul3A_86 : i32
      %dma_wait3A_88 = tpu.memref_slice %arg10[%mul3A_87] : memref<9984xi32, #tpu.memory_space<vmem>> -> memref<128xi32, #tpu.memory_space<vmem>>
      %dma_wait3A_89 = arith.constant 0 : i32
      %dma_wait3A_90 = arith.constant 0 : i32
      %dma_wait3A_91 = tpu.memref_slice %arg2[%dma_wait3A_89, %dma_wait3A_90] : memref<10000x16xf32, #tpu.memory_space<hbm>> -> memref<10000x16xf32, #tpu.memory_space<hbm>>
      tpu.wait_indirect_dma semaphore(%arg24 : memref<!tpu.dma_semaphore, #tpu.memory_space<semaphore_mem>>) src(%dma_wait3A_91 : memref<10000x16xf32, #tpu.memory_space<hbm>>) dst(%arg12 : memref<128x16xf32, #tpu.memory_space<vmem>>)
      %dma_wait3A_92 = tpu.memref_slice %arg11[%mul3A_87] : memref<9984xi32, #tpu.memory_space<vmem>> -> memref<128xi32, #tpu.memory_space<vmem>>
      %dma_wait3A_93 = arith.constant 0 : i32
      %dma_wait3A_94 = arith.constant 0 : i32
      %dma_wait3A_95 = tpu.memref_slice %arg2[%dma_wait3A_93, %dma_wait3A_94] : memref<10000x16xf32, #tpu.memory_space<hbm>> -> memref<10000x16xf32, #tpu.memory_space<hbm>>
      tpu.wait_indirect_dma semaphore(%arg24 : memref<!tpu.dma_semaphore, #tpu.memory_space<semaphore_mem>>) src(%dma_wait3A_95 : memref<10000x16xf32, #tpu.memory_space<hbm>>) dst(%arg13 : memref<128x16xf32, #tpu.memory_space<vmem>>)
      %scan3A_96 = arith.constant 0 : i32
      %scan3A_97 = arith.constant 8 : i32
      %scan3A_98 = arith.addi %scan3A_96, %scan3A_97 : i32
      %scan3A_99 = arith.constant 1 : i32
      scf.for %scan3A_211 = %scan3A_96 to %scan3A_98 step %scan3A_99  : i32 {
        %mul3A_212 = arith.constant 16 : i32
        %mul3A_213 = arith.muli %scan3A_211, %mul3A_212 : i32
        %add3A_214 = arith.constant 0 : i32
        %add3A_215 = arith.addi %add3A_214, %mul3A_213 : i32
        %add3A_216 = arith.addi %mul3A_87, %add3A_215 : i32
        %get3A = arith.index_cast %add3A_216 : i32 to index
        %get3A_217 = tpu.vector_load %arg10[%get3A] {strides = array<i32>} : memref<9984xi32, #tpu.memory_space<vmem>>, vector<16xi32>,
        %add3A_218 = arith.addi %mul3A_87, %add3A_215 : i32
        %get3A_219 = arith.index_cast %add3A_218 : i32 to index
        %get3A_220 = tpu.vector_load %arg11[%get3A_219] {strides = array<i32>} : memref<9984xi32, #tpu.memory_space<vmem>>, vector<16xi32>,
        %gather3A = tpu.vector_load_idx %arg8[%get3A_217] : memref<10000xi32, #tpu.memory_space<vmem>>[vector<16xi32>], vector<16xi32>,
        %gather3A_221 = tpu.vector_load_idx %arg8[%get3A_220] : memref<10000xi32, #tpu.memory_space<vmem>>[vector<16xi32>], vector<16xi32>,
        %mul3A_222 = arith.muli %gather3A, %gather3A : vector<16xi32>
        %mul3A_223 = arith.muli %gather3A_221, %gather3A_221 : vector<16xi32>
        %add3A_224 = arith.addi %mul3A_222, %mul3A_223 : vector<16xi32>
        %ge3A_225 = arith.constant 3 : i32
        %ge3A_226 = vector.broadcast %ge3A_225 : i32 to vector<16xi32>
        %ge3A_227 = arith.cmpi sge, %add3A_224, %ge3A_226 : vector<16xi32>
        %jit3A = arith.constant 1 : i32
        %jit3A_228 = arith.constant 0 : i32
        %broadcast_in_dim3A = vector.broadcast %jit3A : i32 to vector<16xi32>
        %broadcast_in_dim3A_229 = vector.broadcast %jit3A_228 : i32 to vector<16xi32>
        %select_n3A = arith.select %ge3A_227, %broadcast_in_dim3A, %broadcast_in_dim3A_229 : vector<16xi1>, vector<16xi32>
        %sub3A = arith.subi %add3A_224, %select_n3A : vector<16xi32>
        %ge3A_230 = arith.constant 6 : i32
        %ge3A_231 = vector.broadcast %ge3A_230 : i32 to vector<16xi32>
        %ge3A_232 = arith.cmpi sge, %add3A_224, %ge3A_231 : vector<16xi32>
        %jit3A_233 = arith.constant 2 : i32
        %jit3A_234 = arith.constant 0 : i32
        %broadcast_in_dim3A_235 = vector.broadcast %jit3A_233 : i32 to vector<16xi32>
        %broadcast_in_dim3A_236 = vector.broadcast %jit3A_234 : i32 to vector<16xi32>
        %select_n3A_237 = arith.select %ge3A_232, %broadcast_in_dim3A_235, %broadcast_in_dim3A_236 : vector<16xi1>, vector<16xi32>
        %sub3A_238 = arith.subi %sub3A, %select_n3A_237 : vector<16xi32>
        %convert_element_type3A_239 = arith.sitofp %sub3A_238 : vector<16xi32> to vector<16xf32>
        %swap3A = arith.index_cast %add3A_215 : i32 to index
        %swap3A_240 = tpu.vector_load %arg9[%swap3A] {strides = array<i32>} : memref<128xf32, #tpu.memory_space<vmem>>, vector<16xf32>,
        tpu.vector_store %arg9[%swap3A], %convert_element_type3A_239 {strides = array<i32>} : memref<128xf32, #tpu.memory_space<vmem>>, vector<16xf32>,
      }
      %scan3A_100 = arith.constant 8 : i32
      %convert_element_type3A_101 = arith.extui %ge3A_85 : i1 to i32
      %cond3A_102 = arith.constant 0 : i32
      %cond3A_103 = arith.cmpi ne, %convert_element_type3A_101, %cond3A_102 : i32
      scf.if %cond3A_103 {
        %dma_wait3A_211 = arith.constant 0 : i32
        %dma_wait3A_212 = arith.constant 0 : i32
        %dma_wait3A_213 = tpu.memref_slice %arg6[%dma_wait3A_211, %dma_wait3A_212] : memref<40000x128xf32, #tpu.memory_space<hbm>> -> memref<16x128xf32, #tpu.memory_space<hbm>>
        %dma_wait3A_214 = arith.constant 0 : i32
        %dma_wait3A_215 = arith.constant 0 : i32
        %dma_wait3A_216 = tpu.memref_slice %arg6[%dma_wait3A_214, %dma_wait3A_215] : memref<40000x128xf32, #tpu.memory_space<hbm>> -> memref<16x128xf32, #tpu.memory_space<hbm>>
        tpu.wait_dma2 semaphore(%arg27 : memref<!tpu.dma_semaphore, #tpu.memory_space<semaphore_mem>>) src(%arg14 : memref<16x128xf32, #tpu.memory_space<vmem>>) dst(%dma_wait3A_216 : memref<16x128xf32, #tpu.memory_space<hbm>>)
        %dma_wait3A_217 = arith.constant 0 : i32
        %dma_wait3A_218 = arith.constant 0 : i32
        %dma_wait3A_219 = tpu.memref_slice %arg7[%dma_wait3A_217, %dma_wait3A_218] : memref<40000x128xf32, #tpu.memory_space<hbm>> -> memref<16x128xf32, #tpu.memory_space<hbm>>
        %dma_wait3A_220 = arith.constant 0 : i32
        %dma_wait3A_221 = arith.constant 0 : i32
        %dma_wait3A_222 = tpu.memref_slice %arg7[%dma_wait3A_220, %dma_wait3A_221] : memref<40000x128xf32, #tpu.memory_space<hbm>> -> memref<16x128xf32, #tpu.memory_space<hbm>>
        tpu.wait_dma2 semaphore(%arg27 : memref<!tpu.dma_semaphore, #tpu.memory_space<semaphore_mem>>) src(%arg15 : memref<16x128xf32, #tpu.memory_space<vmem>>) dst(%dma_wait3A_222 : memref<16x128xf32, #tpu.memory_space<hbm>>)
      } else {
      }
      %scan3A_104 = arith.constant 0 : i32
      %scan3A_105 = arith.constant 16 : i32
      %scan3A_106 = arith.addi %scan3A_104, %scan3A_105 : i32
      %scan3A_107 = arith.constant 1 : i32
      scf.for %scan3A_211 = %scan3A_104 to %scan3A_106 step %scan3A_107  : i32 {
        %mul3A_212 = arith.constant 1 : i32
        %mul3A_213 = arith.muli %scan3A_211, %mul3A_212 : i32
        %add3A_214 = arith.constant 0 : i32
        %add3A_215 = arith.addi %add3A_214, %mul3A_213 : i32
        %mul3A_216 = arith.constant 8 : i32
        %mul3A_217 = arith.muli %add3A_215, %mul3A_216 : i32
        %add3A_218 = arith.constant 0 : i32
        %add3A_219 = arith.addi %mul3A_217, %add3A_218 : i32
        %get3A = arith.index_cast %add3A_219 : i32 to index
        %get3A_220 = arith.constant 0 : index
        %get3A_221 = tpu.vector_load %arg12[%get3A, %get3A_220] {strides = array<i32>} : memref<128x16xf32, #tpu.memory_space<vmem>>, vector<16xf32>,
        %get3A_222 = arith.index_cast %add3A_219 : i32 to index
        %get3A_223 = arith.constant 0 : index
        %get3A_224 = tpu.vector_load %arg13[%get3A_222, %get3A_223] {strides = array<i32>} : memref<128x16xf32, #tpu.memory_space<vmem>>, vector<16xf32>,
        %add3A_225 = arith.addf %get3A_221, %get3A_224 : vector<16xf32>
        %swap3A = arith.index_cast %add3A_215 : i32 to index
        %swap3A_226 = arith.constant 0 : index
        %swap3A_227 = tpu.vector_load %arg14[%swap3A, %swap3A_226] {strides = array<i32>} : memref<16x128xf32, #tpu.memory_space<vmem>>, vector<16xf32>,
        tpu.vector_store %arg14[%swap3A, %swap3A_226], %add3A_225 {strides = array<i32>} : memref<16x128xf32, #tpu.memory_space<vmem>>, vector<16xf32>,
        %broadcast_in_dim3A = arith.constant 0 : i32
        %broadcast_in_dim3A_228 = vector.broadcast %broadcast_in_dim3A : i32 to vector<16xi32>
        %add3A_229 = vector.broadcast %add3A_219 : i32 to vector<16xi32>
        %add3A_230 = arith.addi %broadcast_in_dim3A_228, %add3A_229 : vector<16xi32>
        %gather3A = tpu.vector_load_idx %arg9[%add3A_230] : memref<128xf32, #tpu.memory_space<vmem>>[vector<16xi32>], vector<16xf32>,
        %swap3A_231 = arith.index_cast %add3A_215 : i32 to index
        %swap3A_232 = arith.constant 0 : index
        %swap3A_233 = tpu.vector_load %arg15[%swap3A_231, %swap3A_232] {strides = array<i32>} : memref<16x128xf32, #tpu.memory_space<vmem>>, vector<16xf32>,
        tpu.vector_store %arg15[%swap3A_231, %swap3A_232], %gather3A {strides = array<i32>} : memref<16x128xf32, #tpu.memory_space<vmem>>, vector<16xf32>,
        %mul3A_234 = arith.constant 8 : i32
        %mul3A_235 = arith.muli %add3A_215, %mul3A_234 : i32
        %add3A_236 = arith.constant 1 : i32
        %add3A_237 = arith.addi %mul3A_235, %add3A_236 : i32
        %get3A_238 = arith.index_cast %add3A_237 : i32 to index
        %get3A_239 = arith.constant 0 : index
        %get3A_240 = tpu.vector_load %arg12[%get3A_238, %get3A_239] {strides = array<i32>} : memref<128x16xf32, #tpu.memory_space<vmem>>, vector<16xf32>,
        %get3A_241 = arith.index_cast %add3A_237 : i32 to index
        %get3A_242 = arith.constant 0 : index
        %get3A_243 = tpu.vector_load %arg13[%get3A_241, %get3A_242] {strides = array<i32>} : memref<128x16xf32, #tpu.memory_space<vmem>>, vector<16xf32>,
        %add3A_244 = arith.addf %get3A_240, %get3A_243 : vector<16xf32>
        %swap3A_245 = arith.index_cast %add3A_215 : i32 to index
        %swap3A_246 = arith.constant 16 : index
        %swap3A_247 = tpu.vector_load %arg14[%swap3A_245, %swap3A_246] {strides = array<i32>} : memref<16x128xf32, #tpu.memory_space<vmem>>, vector<16xf32>,
        tpu.vector_store %arg14[%swap3A_245, %swap3A_246], %add3A_244 {strides = array<i32>} : memref<16x128xf32, #tpu.memory_space<vmem>>, vector<16xf32>,
        %broadcast_in_dim3A_248 = arith.constant 0 : i32
        %broadcast_in_dim3A_249 = vector.broadcast %broadcast_in_dim3A_248 : i32 to vector<16xi32>
        %add3A_250 = vector.broadcast %add3A_237 : i32 to vector<16xi32>
        %add3A_251 = arith.addi %broadcast_in_dim3A_249, %add3A_250 : vector<16xi32>
        %gather3A_252 = tpu.vector_load_idx %arg9[%add3A_251] : memref<128xf32, #tpu.memory_space<vmem>>[vector<16xi32>], vector<16xf32>,
        %swap3A_253 = arith.index_cast %add3A_215 : i32 to index
        %swap3A_254 = arith.constant 16 : index
        %swap3A_255 = tpu.vector_load %arg15[%swap3A_253, %swap3A_254] {strides = array<i32>} : memref<16x128xf32, #tpu.memory_space<vmem>>, vector<16xf32>,
        tpu.vector_store %arg15[%swap3A_253, %swap3A_254], %gather3A_252 {strides = array<i32>} : memref<16x128xf32, #tpu.memory_space<vmem>>, vector<16xf32>,
        %mul3A_256 = arith.constant 8 : i32
        %mul3A_257 = arith.muli %add3A_215, %mul3A_256 : i32
        %add3A_258 = arith.constant 2 : i32
        %add3A_259 = arith.addi %mul3A_257, %add3A_258 : i32
        %get3A_260 = arith.index_cast %add3A_259 : i32 to index
        %get3A_261 = arith.constant 0 : index
        %get3A_262 = tpu.vector_load %arg12[%get3A_260, %get3A_261] {strides = array<i32>} : memref<128x16xf32, #tpu.memory_space<vmem>>, vector<16xf32>,
        %get3A_263 = arith.index_cast %add3A_259 : i32 to index
        %get3A_264 = arith.constant 0 : index
        %get3A_265 = tpu.vector_load %arg13[%get3A_263, %get3A_264] {strides = array<i32>} : memref<128x16xf32, #tpu.memory_space<vmem>>, vector<16xf32>,
        %add3A_266 = arith.addf %get3A_262, %get3A_265 : vector<16xf32>
        %swap3A_267 = arith.index_cast %add3A_215 : i32 to index
        %swap3A_268 = arith.constant 32 : index
        %swap3A_269 = tpu.vector_load %arg14[%swap3A_267, %swap3A_268] {strides = array<i32>} : memref<16x128xf32, #tpu.memory_space<vmem>>, vector<16xf32>,
        tpu.vector_store %arg14[%swap3A_267, %swap3A_268], %add3A_266 {strides = array<i32>} : memref<16x128xf32, #tpu.memory_space<vmem>>, vector<16xf32>,
        %broadcast_in_dim3A_270 = arith.constant 0 : i32
        %broadcast_in_dim3A_271 = vector.broadcast %broadcast_in_dim3A_270 : i32 to vector<16xi32>
        %add3A_272 = vector.broadcast %add3A_259 : i32 to vector<16xi32>
        %add3A_273 = arith.addi %broadcast_in_dim3A_271, %add3A_272 : vector<16xi32>
        %gather3A_274 = tpu.vector_load_idx %arg9[%add3A_273] : memref<128xf32, #tpu.memory_space<vmem>>[vector<16xi32>], vector<16xf32>,
        %swap3A_275 = arith.index_cast %add3A_215 : i32 to index
        %swap3A_276 = arith.constant 32 : index
        %swap3A_277 = tpu.vector_load %arg15[%swap3A_275, %swap3A_276] {strides = array<i32>} : memref<16x128xf32, #tpu.memory_space<vmem>>, vector<16xf32>,
        tpu.vector_store %arg15[%swap3A_275, %swap3A_276], %gather3A_274 {strides = array<i32>} : memref<16x128xf32, #tpu.memory_space<vmem>>, vector<16xf32>,
        %mul3A_278 = arith.constant 8 : i32
        %mul3A_279 = arith.muli %add3A_215, %mul3A_278 : i32
        %add3A_280 = arith.constant 3 : i32
        %add3A_281 = arith.addi %mul3A_279, %add3A_280 : i32
        %get3A_282 = arith.index_cast %add3A_281 : i32 to index
        %get3A_283 = arith.constant 0 : index
        %get3A_284 = tpu.vector_load %arg12[%get3A_282, %get3A_283] {strides = array<i32>} : memref<128x16xf32, #tpu.memory_space<vmem>>, vector<16xf32>,
        %get3A_285 = arith.index_cast %add3A_281 : i32 to index
        %get3A_286 = arith.constant 0 : index
        %get3A_287 = tpu.vector_load %arg13[%get3A_285, %get3A_286] {strides = array<i32>} : memref<128x16xf32, #tpu.memory_space<vmem>>, vector<16xf32>,
        %add3A_288 = arith.addf %get3A_284, %get3A_287 : vector<16xf32>
        %swap3A_289 = arith.index_cast %add3A_215 : i32 to index
        %swap3A_290 = arith.constant 48 : index
        %swap3A_291 = tpu.vector_load %arg14[%swap3A_289, %swap3A_290] {strides = array<i32>} : memref<16x128xf32, #tpu.memory_space<vmem>>, vector<16xf32>,
        tpu.vector_store %arg14[%swap3A_289, %swap3A_290], %add3A_288 {strides = array<i32>} : memref<16x128xf32, #tpu.memory_space<vmem>>, vector<16xf32>,
        %broadcast_in_dim3A_292 = arith.constant 0 : i32
        %broadcast_in_dim3A_293 = vector.broadcast %broadcast_in_dim3A_292 : i32 to vector<16xi32>
        %add3A_294 = vector.broadcast %add3A_281 : i32 to vector<16xi32>
        %add3A_295 = arith.addi %broadcast_in_dim3A_293, %add3A_294 : vector<16xi32>
        %gather3A_296 = tpu.vector_load_idx %arg9[%add3A_295] : memref<128xf32, #tpu.memory_space<vmem>>[vector<16xi32>], vector<16xf32>,
        %swap3A_297 = arith.index_cast %add3A_215 : i32 to index
        %swap3A_298 = arith.constant 48 : index
        %swap3A_299 = tpu.vector_load %arg15[%swap3A_297, %swap3A_298] {strides = array<i32>} : memref<16x128xf32, #tpu.memory_space<vmem>>, vector<16xf32>,
        tpu.vector_store %arg15[%swap3A_297, %swap3A_298], %gather3A_296 {strides = array<i32>} : memref<16x128xf32, #tpu.memory_space<vmem>>, vector<16xf32>,
        %mul3A_300 = arith.constant 8 : i32
        %mul3A_301 = arith.muli %add3A_215, %mul3A_300 : i32
        %add3A_302 = arith.constant 4 : i32
        %add3A_303 = arith.addi %mul3A_301, %add3A_302 : i32
        %get3A_304 = arith.index_cast %add3A_303 : i32 to index
        %get3A_305 = arith.constant 0 : index
        %get3A_306 = tpu.vector_load %arg12[%get3A_304, %get3A_305] {strides = array<i32>} : memref<128x16xf32, #tpu.memory_space<vmem>>, vector<16xf32>,
        %get3A_307 = arith.index_cast %add3A_303 : i32 to index
        %get3A_308 = arith.constant 0 : index
        %get3A_309 = tpu.vector_load %arg13[%get3A_307, %get3A_308] {strides = array<i32>} : memref<128x16xf32, #tpu.memory_space<vmem>>, vector<16xf32>,
        %add3A_310 = arith.addf %get3A_306, %get3A_309 : vector<16xf32>
        %swap3A_311 = arith.index_cast %add3A_215 : i32 to index
        %swap3A_312 = arith.constant 64 : index
        %swap3A_313 = tpu.vector_load %arg14[%swap3A_311, %swap3A_312] {strides = array<i32>} : memref<16x128xf32, #tpu.memory_space<vmem>>, vector<16xf32>,
        tpu.vector_store %arg14[%swap3A_311, %swap3A_312], %add3A_310 {strides = array<i32>} : memref<16x128xf32, #tpu.memory_space<vmem>>, vector<16xf32>,
        %broadcast_in_dim3A_314 = arith.constant 0 : i32
        %broadcast_in_dim3A_315 = vector.broadcast %broadcast_in_dim3A_314 : i32 to vector<16xi32>
        %add3A_316 = vector.broadcast %add3A_303 : i32 to vector<16xi32>
        %add3A_317 = arith.addi %broadcast_in_dim3A_315, %add3A_316 : vector<16xi32>
        %gather3A_318 = tpu.vector_load_idx %arg9[%add3A_317] : memref<128xf32, #tpu.memory_space<vmem>>[vector<16xi32>], vector<16xf32>,
        %swap3A_319 = arith.index_cast %add3A_215 : i32 to index
        %swap3A_320 = arith.constant 64 : index
        %swap3A_321 = tpu.vector_load %arg15[%swap3A_319, %swap3A_320] {strides = array<i32>} : memref<16x128xf32, #tpu.memory_space<vmem>>, vector<16xf32>,
        tpu.vector_store %arg15[%swap3A_319, %swap3A_320], %gather3A_318 {strides = array<i32>} : memref<16x128xf32, #tpu.memory_space<vmem>>, vector<16xf32>,
        %mul3A_322 = arith.constant 8 : i32
        %mul3A_323 = arith.muli %add3A_215, %mul3A_322 : i32
        %add3A_324 = arith.constant 5 : i32
        %add3A_325 = arith.addi %mul3A_323, %add3A_324 : i32
        %get3A_326 = arith.index_cast %add3A_325 : i32 to index
        %get3A_327 = arith.constant 0 : index
        %get3A_328 = tpu.vector_load %arg12[%get3A_326, %get3A_327] {strides = array<i32>} : memref<128x16xf32, #tpu.memory_space<vmem>>, vector<16xf32>,
        %get3A_329 = arith.index_cast %add3A_325 : i32 to index
        %get3A_330 = arith.constant 0 : index
        %get3A_331 = tpu.vector_load %arg13[%get3A_329, %get3A_330] {strides = array<i32>} : memref<128x16xf32, #tpu.memory_space<vmem>>, vector<16xf32>,
        %add3A_332 = arith.addf %get3A_328, %get3A_331 : vector<16xf32>
        %swap3A_333 = arith.index_cast %add3A_215 : i32 to index
        %swap3A_334 = arith.constant 80 : index
        %swap3A_335 = tpu.vector_load %arg14[%swap3A_333, %swap3A_334] {strides = array<i32>} : memref<16x128xf32, #tpu.memory_space<vmem>>, vector<16xf32>,
        tpu.vector_store %arg14[%swap3A_333, %swap3A_334], %add3A_332 {strides = array<i32>} : memref<16x128xf32, #tpu.memory_space<vmem>>, vector<16xf32>,
        %broadcast_in_dim3A_336 = arith.constant 0 : i32
        %broadcast_in_dim3A_337 = vector.broadcast %broadcast_in_dim3A_336 : i32 to vector<16xi32>
        %add3A_338 = vector.broadcast %add3A_325 : i32 to vector<16xi32>
        %add3A_339 = arith.addi %broadcast_in_dim3A_337, %add3A_338 : vector<16xi32>
        %gather3A_340 = tpu.vector_load_idx %arg9[%add3A_339] : memref<128xf32, #tpu.memory_space<vmem>>[vector<16xi32>], vector<16xf32>,
        %swap3A_341 = arith.index_cast %add3A_215 : i32 to index
        %swap3A_342 = arith.constant 80 : index
        %swap3A_343 = tpu.vector_load %arg15[%swap3A_341, %swap3A_342] {strides = array<i32>} : memref<16x128xf32, #tpu.memory_space<vmem>>, vector<16xf32>,
        tpu.vector_store %arg15[%swap3A_341, %swap3A_342], %gather3A_340 {strides = array<i32>} : memref<16x128xf32, #tpu.memory_space<vmem>>, vector<16xf32>,
        %mul3A_344 = arith.constant 8 : i32
        %mul3A_345 = arith.muli %add3A_215, %mul3A_344 : i32
        %add3A_346 = arith.constant 6 : i32
        %add3A_347 = arith.addi %mul3A_345, %add3A_346 : i32
        %get3A_348 = arith.index_cast %add3A_347 : i32 to index
        %get3A_349 = arith.constant 0 : index
        %get3A_350 = tpu.vector_load %arg12[%get3A_348, %get3A_349] {strides = array<i32>} : memref<128x16xf32, #tpu.memory_space<vmem>>, vector<16xf32>,
        %get3A_351 = arith.index_cast %add3A_347 : i32 to index
        %get3A_352 = arith.constant 0 : index
        %get3A_353 = tpu.vector_load %arg13[%get3A_351, %get3A_352] {strides = array<i32>} : memref<128x16xf32, #tpu.memory_space<vmem>>, vector<16xf32>,
        %add3A_354 = arith.addf %get3A_350, %get3A_353 : vector<16xf32>
        %swap3A_355 = arith.index_cast %add3A_215 : i32 to index
        %swap3A_356 = arith.constant 96 : index
        %swap3A_357 = tpu.vector_load %arg14[%swap3A_355, %swap3A_356] {strides = array<i32>} : memref<16x128xf32, #tpu.memory_space<vmem>>, vector<16xf32>,
        tpu.vector_store %arg14[%swap3A_355, %swap3A_356], %add3A_354 {strides = array<i32>} : memref<16x128xf32, #tpu.memory_space<vmem>>, vector<16xf32>,
        %broadcast_in_dim3A_358 = arith.constant 0 : i32
        %broadcast_in_dim3A_359 = vector.broadcast %broadcast_in_dim3A_358 : i32 to vector<16xi32>
        %add3A_360 = vector.broadcast %add3A_347 : i32 to vector<16xi32>
        %add3A_361 = arith.addi %broadcast_in_dim3A_359, %add3A_360 : vector<16xi32>
        %gather3A_362 = tpu.vector_load_idx %arg9[%add3A_361] : memref<128xf32, #tpu.memory_space<vmem>>[vector<16xi32>], vector<16xf32>,
        %swap3A_363 = arith.index_cast %add3A_215 : i32 to index
        %swap3A_364 = arith.constant 96 : index
        %swap3A_365 = tpu.vector_load %arg15[%swap3A_363, %swap3A_364] {strides = array<i32>} : memref<16x128xf32, #tpu.memory_space<vmem>>, vector<16xf32>,
        tpu.vector_store %arg15[%swap3A_363, %swap3A_364], %gather3A_362 {strides = array<i32>} : memref<16x128xf32, #tpu.memory_space<vmem>>, vector<16xf32>,
        %mul3A_366 = arith.constant 8 : i32
        %mul3A_367 = arith.muli %add3A_215, %mul3A_366 : i32
        %add3A_368 = arith.constant 7 : i32
        %add3A_369 = arith.addi %mul3A_367, %add3A_368 : i32
        %get3A_370 = arith.index_cast %add3A_369 : i32 to index
        %get3A_371 = arith.constant 0 : index
        %get3A_372 = tpu.vector_load %arg12[%get3A_370, %get3A_371] {strides = array<i32>} : memref<128x16xf32, #tpu.memory_space<vmem>>, vector<16xf32>,
        %get3A_373 = arith.index_cast %add3A_369 : i32 to index
        %get3A_374 = arith.constant 0 : index
        %get3A_375 = tpu.vector_load %arg13[%get3A_373, %get3A_374] {strides = array<i32>} : memref<128x16xf32, #tpu.memory_space<vmem>>, vector<16xf32>,
        %add3A_376 = arith.addf %get3A_372, %get3A_375 : vector<16xf32>
        %swap3A_377 = arith.index_cast %add3A_215 : i32 to index
        %swap3A_378 = arith.constant 112 : index
        %swap3A_379 = tpu.vector_load %arg14[%swap3A_377, %swap3A_378] {strides = array<i32>} : memref<16x128xf32, #tpu.memory_space<vmem>>, vector<16xf32>,
        tpu.vector_store %arg14[%swap3A_377, %swap3A_378], %add3A_376 {strides = array<i32>} : memref<16x128xf32, #tpu.memory_space<vmem>>, vector<16xf32>,
        %broadcast_in_dim3A_380 = arith.constant 0 : i32
        %broadcast_in_dim3A_381 = vector.broadcast %broadcast_in_dim3A_380 : i32 to vector<16xi32>
        %add3A_382 = vector.broadcast %add3A_369 : i32 to vector<16xi32>
        %add3A_383 = arith.addi %broadcast_in_dim3A_381, %add3A_382 : vector<16xi32>
        %gather3A_384 = tpu.vector_load_idx %arg9[%add3A_383] : memref<128xf32, #tpu.memory_space<vmem>>[vector<16xi32>], vector<16xf32>,
        %swap3A_385 = arith.index_cast %add3A_215 : i32 to index
        %swap3A_386 = arith.constant 112 : index
        %swap3A_387 = tpu.vector_load %arg15[%swap3A_385, %swap3A_386] {strides = array<i32>} : memref<16x128xf32, #tpu.memory_space<vmem>>, vector<16xf32>,
        tpu.vector_store %arg15[%swap3A_385, %swap3A_386], %gather3A_384 {strides = array<i32>} : memref<16x128xf32, #tpu.memory_space<vmem>>, vector<16xf32>,
      }
      %scan3A_108 = arith.constant 16 : i32
      %dma_start3A_109 = arith.constant 0 : i32
      %dma_start3A_110 = tpu.memref_slice %arg6[%add3A_84, %dma_start3A_109] : memref<40000x128xf32, #tpu.memory_space<hbm>> -> memref<16x128xf32, #tpu.memory_space<hbm>>
      %dma_start3A_111 = arith.constant 0 : i32
      %dma_start3A_112 = tpu.memref_slice %arg6[%add3A_84, %dma_start3A_111] : memref<40000x128xf32, #tpu.memory_space<hbm>> -> memref<16x128xf32, #tpu.memory_space<hbm>>
      tpu.enqueue_dma source(%arg14 : memref<16x128xf32, #tpu.memory_space<vmem>>) target(%dma_start3A_112 : memref<16x128xf32, #tpu.memory_space<hbm>>) target_semaphore(%arg27 : memref<!tpu.dma_semaphore, #tpu.memory_space<semaphore_mem>>)
      %dma_start3A_113 = arith.constant 0 : i32
      %dma_start3A_114 = tpu.memref_slice %arg7[%add3A_84, %dma_start3A_113] : memref<40000x128xf32, #tpu.memory_space<hbm>> -> memref<16x128xf32, #tpu.memory_space<hbm>>
      %dma_start3A_115 = arith.constant 0 : i32
      %dma_start3A_116 = tpu.memref_slice %arg7[%add3A_84, %dma_start3A_115] : memref<40000x128xf32, #tpu.memory_space<hbm>> -> memref<16x128xf32, #tpu.memory_space<hbm>>
      tpu.enqueue_dma source(%arg15 : memref<16x128xf32, #tpu.memory_space<vmem>>) target(%dma_start3A_116 : memref<16x128xf32, #tpu.memory_space<hbm>>) target_semaphore(%arg27 : memref<!tpu.dma_semaphore, #tpu.memory_space<semaphore_mem>>)
      %add3A_117 = arith.constant 3 : i32
      %add3A_118 = arith.addi %add3A_69, %add3A_117 : i32
      %lt3A_119 = arith.constant 78 : i32
      %lt3A_120 = arith.cmpi slt, %add3A_118, %lt3A_119 : i32
      %convert_element_type3A_121 = arith.extui %lt3A_120 : i1 to i32
      %cond3A_122 = arith.constant 0 : i32
      %cond3A_123 = arith.cmpi ne, %convert_element_type3A_121, %cond3A_122 : i32
      scf.if %cond3A_123 {
        %add3A_211 = arith.constant 3 : i32
        %add3A_212 = arith.addi %add3A_69, %add3A_211 : i32
        %mul3A_213 = arith.constant 128 : i32
        %mul3A_214 = arith.muli %add3A_212, %mul3A_213 : i32
        %dma_start3A_215 = tpu.memref_slice %arg10[%mul3A_214] : memref<9984xi32, #tpu.memory_space<vmem>> -> memref<128xi32, #tpu.memory_space<vmem>>
        %dma_start3A_216 = arith.constant 0 : i32
        %dma_start3A_217 = arith.constant 0 : i32
        %dma_start3A_218 = tpu.memref_slice %arg2[%dma_start3A_216, %dma_start3A_217] : memref<10000x16xf32, #tpu.memory_space<hbm>> -> memref<10000x16xf32, #tpu.memory_space<hbm>>
        tpu.enqueue_indirect_dma source(%dma_start3A_218 : memref<10000x16xf32, #tpu.memory_space<hbm>>) target(%arg12 : memref<128x16xf32, #tpu.memory_space<vmem>>) offsets(%dma_start3A_215 : memref<128xi32, #tpu.memory_space<vmem>>) semaphore(%arg24 : memref<!tpu.dma_semaphore, #tpu.memory_space<semaphore_mem>>)
        %dma_start3A_219 = tpu.memref_slice %arg11[%mul3A_214] : memref<9984xi32, #tpu.memory_space<vmem>> -> memref<128xi32, #tpu.memory_space<vmem>>
        %dma_start3A_220 = arith.constant 0 : i32
        %dma_start3A_221 = arith.constant 0 : i32
        %dma_start3A_222 = tpu.memref_slice %arg2[%dma_start3A_220, %dma_start3A_221] : memref<10000x16xf32, #tpu.memory_space<hbm>> -> memref<10000x16xf32, #tpu.memory_space<hbm>>
        tpu.enqueue_indirect_dma source(%dma_start3A_222 : memref<10000x16xf32, #tpu.memory_space<hbm>>) target(%arg13 : memref<128x16xf32, #tpu.memory_space<vmem>>) offsets(%dma_start3A_219 : memref<128xi32, #tpu.memory_space<vmem>>) semaphore(%arg24 : memref<!tpu.dma_semaphore, #tpu.memory_space<semaphore_mem>>)
      } else {
      }
      %add3A_124 = arith.constant 1 : i32
      %add3A_125 = arith.addi %add3A_69, %add3A_124 : i32
      %add3A_126 = arith.constant 1 : i32
      %add3A_127 = arith.addi %add3A_69, %add3A_126 : i32
      %mul3A_128 = arith.constant 16 : i32
      %mul3A_129 = arith.muli %add3A_127, %mul3A_128 : i32
      %add3A_130 = arith.addi %mul3A_4, %mul3A_129 : i32
      %ge3A_131 = arith.constant 2 : i32
      %ge3A_132 = arith.cmpi sge, %add3A_69, %ge3A_131 : i32
      %mul3A_133 = arith.constant 128 : i32
      %mul3A_134 = arith.muli %add3A_125, %mul3A_133 : i32
      %dma_wait3A_135 = tpu.memref_slice %arg10[%mul3A_134] : memref<9984xi32, #tpu.memory_space<vmem>> -> memref<128xi32, #tpu.memory_space<vmem>>
      %dma_wait3A_136 = arith.constant 0 : i32
      %dma_wait3A_137 = arith.constant 0 : i32
      %dma_wait3A_138 = tpu.memref_slice %arg2[%dma_wait3A_136, %dma_wait3A_137] : memref<10000x16xf32, #tpu.memory_space<hbm>> -> memref<10000x16xf32, #tpu.memory_space<hbm>>
      tpu.wait_indirect_dma semaphore(%arg25 : memref<!tpu.dma_semaphore, #tpu.memory_space<semaphore_mem>>) src(%dma_wait3A_138 : memref<10000x16xf32, #tpu.memory_space<hbm>>) dst(%arg16 : memref<128x16xf32, #tpu.memory_space<vmem>>)
      %dma_wait3A_139 = tpu.memref_slice %arg11[%mul3A_134] : memref<9984xi32, #tpu.memory_space<vmem>> -> memref<128xi32, #tpu.memory_space<vmem>>
      %dma_wait3A_140 = arith.constant 0 : i32
      %dma_wait3A_141 = arith.constant 0 : i32
      %dma_wait3A_142 = tpu.memref_slice %arg2[%dma_wait3A_140, %dma_wait3A_141] : memref<10000x16xf32, #tpu.memory_space<hbm>> -> memref<10000x16xf32, #tpu.memory_space<hbm>>
      tpu.wait_indirect_dma semaphore(%arg25 : memref<!tpu.dma_semaphore, #tpu.memory_space<semaphore_mem>>) src(%dma_wait3A_142 : memref<10000x16xf32, #tpu.memory_space<hbm>>) dst(%arg17 : memref<128x16xf32, #tpu.memory_space<vmem>>)
      %scan3A_143 = arith.constant 0 : i32
      %scan3A_144 = arith.constant 8 : i32
      %scan3A_145 = arith.addi %scan3A_143, %scan3A_144 : i32
      %scan3A_146 = arith.constant 1 : i32
      scf.for %scan3A_211 = %scan3A_143 to %scan3A_145 step %scan3A_146  : i32 {
        %mul3A_212 = arith.constant 16 : i32
        %mul3A_213 = arith.muli %scan3A_211, %mul3A_212 : i32
        %add3A_214 = arith.constant 0 : i32
        %add3A_215 = arith.addi %add3A_214, %mul3A_213 : i32
        %add3A_216 = arith.addi %mul3A_134, %add3A_215 : i32
        %get3A = arith.index_cast %add3A_216 : i32 to index
        %get3A_217 = tpu.vector_load %arg10[%get3A] {strides = array<i32>} : memref<9984xi32, #tpu.memory_space<vmem>>, vector<16xi32>,
        %add3A_218 = arith.addi %mul3A_134, %add3A_215 : i32
        %get3A_219 = arith.index_cast %add3A_218 : i32 to index
        %get3A_220 = tpu.vector_load %arg11[%get3A_219] {strides = array<i32>} : memref<9984xi32, #tpu.memory_space<vmem>>, vector<16xi32>,
        %gather3A = tpu.vector_load_idx %arg8[%get3A_217] : memref<10000xi32, #tpu.memory_space<vmem>>[vector<16xi32>], vector<16xi32>,
        %gather3A_221 = tpu.vector_load_idx %arg8[%get3A_220] : memref<10000xi32, #tpu.memory_space<vmem>>[vector<16xi32>], vector<16xi32>,
        %mul3A_222 = arith.muli %gather3A, %gather3A : vector<16xi32>
        %mul3A_223 = arith.muli %gather3A_221, %gather3A_221 : vector<16xi32>
        %add3A_224 = arith.addi %mul3A_222, %mul3A_223 : vector<16xi32>
        %ge3A_225 = arith.constant 3 : i32
        %ge3A_226 = vector.broadcast %ge3A_225 : i32 to vector<16xi32>
        %ge3A_227 = arith.cmpi sge, %add3A_224, %ge3A_226 : vector<16xi32>
        %jit3A = arith.constant 1 : i32
        %jit3A_228 = arith.constant 0 : i32
        %broadcast_in_dim3A = vector.broadcast %jit3A : i32 to vector<16xi32>
        %broadcast_in_dim3A_229 = vector.broadcast %jit3A_228 : i32 to vector<16xi32>
        %select_n3A = arith.select %ge3A_227, %broadcast_in_dim3A, %broadcast_in_dim3A_229 : vector<16xi1>, vector<16xi32>
        %sub3A = arith.subi %add3A_224, %select_n3A : vector<16xi32>
        %ge3A_230 = arith.constant 6 : i32
        %ge3A_231 = vector.broadcast %ge3A_230 : i32 to vector<16xi32>
        %ge3A_232 = arith.cmpi sge, %add3A_224, %ge3A_231 : vector<16xi32>
        %jit3A_233 = arith.constant 2 : i32
        %jit3A_234 = arith.constant 0 : i32
        %broadcast_in_dim3A_235 = vector.broadcast %jit3A_233 : i32 to vector<16xi32>
        %broadcast_in_dim3A_236 = vector.broadcast %jit3A_234 : i32 to vector<16xi32>
        %select_n3A_237 = arith.select %ge3A_232, %broadcast_in_dim3A_235, %broadcast_in_dim3A_236 : vector<16xi1>, vector<16xi32>
        %sub3A_238 = arith.subi %sub3A, %select_n3A_237 : vector<16xi32>
        %convert_element_type3A_239 = arith.sitofp %sub3A_238 : vector<16xi32> to vector<16xf32>
        %swap3A = arith.index_cast %add3A_215 : i32 to index
        %swap3A_240 = tpu.vector_load %arg9[%swap3A] {strides = array<i32>} : memref<128xf32, #tpu.memory_space<vmem>>, vector<16xf32>,
        tpu.vector_store %arg9[%swap3A], %convert_element_type3A_239 {strides = array<i32>} : memref<128xf32, #tpu.memory_space<vmem>>, vector<16xf32>,
      }
      %scan3A_147 = arith.constant 8 : i32
      %convert_element_type3A_148 = arith.extui %ge3A_132 : i1 to i32
      %cond3A_149 = arith.constant 0 : i32
      %cond3A_150 = arith.cmpi ne, %convert_element_type3A_148, %cond3A_149 : i32
      scf.if %cond3A_150 {
        %dma_wait3A_211 = arith.constant 0 : i32
        %dma_wait3A_212 = arith.constant 0 : i32
        %dma_wait3A_213 = tpu.memref_slice %arg6[%dma_wait3A_211, %dma_wait3A_212] : memref<40000x128xf32, #tpu.memory_space<hbm>> -> memref<16x128xf32, #tpu.memory_space<hbm>>
        %dma_wait3A_214 = arith.constant 0 : i32
        %dma_wait3A_215 = arith.constant 0 : i32
        %dma_wait3A_216 = tpu.memref_slice %arg6[%dma_wait3A_214, %dma_wait3A_215] : memref<40000x128xf32, #tpu.memory_space<hbm>> -> memref<16x128xf32, #tpu.memory_space<hbm>>
        tpu.wait_dma2 semaphore(%arg28 : memref<!tpu.dma_semaphore, #tpu.memory_space<semaphore_mem>>) src(%arg18 : memref<16x128xf32, #tpu.memory_space<vmem>>) dst(%dma_wait3A_216 : memref<16x128xf32, #tpu.memory_space<hbm>>)
        %dma_wait3A_217 = arith.constant 0 : i32
        %dma_wait3A_218 = arith.constant 0 : i32
        %dma_wait3A_219 = tpu.memref_slice %arg7[%dma_wait3A_217, %dma_wait3A_218] : memref<40000x128xf32, #tpu.memory_space<hbm>> -> memref<16x128xf32, #tpu.memory_space<hbm>>
        %dma_wait3A_220 = arith.constant 0 : i32
        %dma_wait3A_221 = arith.constant 0 : i32
        %dma_wait3A_222 = tpu.memref_slice %arg7[%dma_wait3A_220, %dma_wait3A_221] : memref<40000x128xf32, #tpu.memory_space<hbm>> -> memref<16x128xf32, #tpu.memory_space<hbm>>
        tpu.wait_dma2 semaphore(%arg28 : memref<!tpu.dma_semaphore, #tpu.memory_space<semaphore_mem>>) src(%arg19 : memref<16x128xf32, #tpu.memory_space<vmem>>) dst(%dma_wait3A_222 : memref<16x128xf32, #tpu.memory_space<hbm>>)
      } else {
      }
      %scan3A_151 = arith.constant 0 : i32
      %scan3A_152 = arith.constant 16 : i32
      %scan3A_153 = arith.addi %scan3A_151, %scan3A_152 : i32
      %scan3A_154 = arith.constant 1 : i32
      scf.for %scan3A_211 = %scan3A_151 to %scan3A_153 step %scan3A_154  : i32 {
        %mul3A_212 = arith.constant 1 : i32
        %mul3A_213 = arith.muli %scan3A_211, %mul3A_212 : i32
        %add3A_214 = arith.constant 0 : i32
        %add3A_215 = arith.addi %add3A_214, %mul3A_213 : i32
        %mul3A_216 = arith.constant 8 : i32
        %mul3A_217 = arith.muli %add3A_215, %mul3A_216 : i32
        %add3A_218 = arith.constant 0 : i32
        %add3A_219 = arith.addi %mul3A_217, %add3A_218 : i32
        %get3A = arith.index_cast %add3A_219 : i32 to index
        %get3A_220 = arith.constant 0 : index
        %get3A_221 = tpu.vector_load %arg16[%get3A, %get3A_220] {strides = array<i32>} : memref<128x16xf32, #tpu.memory_space<vmem>>, vector<16xf32>,
        %get3A_222 = arith.index_cast %add3A_219 : i32 to index
        %get3A_223 = arith.constant 0 : index
        %get3A_224 = tpu.vector_load %arg17[%get3A_222, %get3A_223] {strides = array<i32>} : memref<128x16xf32, #tpu.memory_space<vmem>>, vector<16xf32>,
        %add3A_225 = arith.addf %get3A_221, %get3A_224 : vector<16xf32>
        %swap3A = arith.index_cast %add3A_215 : i32 to index
        %swap3A_226 = arith.constant 0 : index
        %swap3A_227 = tpu.vector_load %arg18[%swap3A, %swap3A_226] {strides = array<i32>} : memref<16x128xf32, #tpu.memory_space<vmem>>, vector<16xf32>,
        tpu.vector_store %arg18[%swap3A, %swap3A_226], %add3A_225 {strides = array<i32>} : memref<16x128xf32, #tpu.memory_space<vmem>>, vector<16xf32>,
        %broadcast_in_dim3A = arith.constant 0 : i32
        %broadcast_in_dim3A_228 = vector.broadcast %broadcast_in_dim3A : i32 to vector<16xi32>
        %add3A_229 = vector.broadcast %add3A_219 : i32 to vector<16xi32>
        %add3A_230 = arith.addi %broadcast_in_dim3A_228, %add3A_229 : vector<16xi32>
        %gather3A = tpu.vector_load_idx %arg9[%add3A_230] : memref<128xf32, #tpu.memory_space<vmem>>[vector<16xi32>], vector<16xf32>,
        %swap3A_231 = arith.index_cast %add3A_215 : i32 to index
        %swap3A_232 = arith.constant 0 : index
        %swap3A_233 = tpu.vector_load %arg19[%swap3A_231, %swap3A_232] {strides = array<i32>} : memref<16x128xf32, #tpu.memory_space<vmem>>, vector<16xf32>,
        tpu.vector_store %arg19[%swap3A_231, %swap3A_232], %gather3A {strides = array<i32>} : memref<16x128xf32, #tpu.memory_space<vmem>>, vector<16xf32>,
        %mul3A_234 = arith.constant 8 : i32
        %mul3A_235 = arith.muli %add3A_215, %mul3A_234 : i32
        %add3A_236 = arith.constant 1 : i32
        %add3A_237 = arith.addi %mul3A_235, %add3A_236 : i32
        %get3A_238 = arith.index_cast %add3A_237 : i32 to index
        %get3A_239 = arith.constant 0 : index
        %get3A_240 = tpu.vector_load %arg16[%get3A_238, %get3A_239] {strides = array<i32>} : memref<128x16xf32, #tpu.memory_space<vmem>>, vector<16xf32>,
        %get3A_241 = arith.index_cast %add3A_237 : i32 to index
        %get3A_242 = arith.constant 0 : index
        %get3A_243 = tpu.vector_load %arg17[%get3A_241, %get3A_242] {strides = array<i32>} : memref<128x16xf32, #tpu.memory_space<vmem>>, vector<16xf32>,
        %add3A_244 = arith.addf %get3A_240, %get3A_243 : vector<16xf32>
        %swap3A_245 = arith.index_cast %add3A_215 : i32 to index
        %swap3A_246 = arith.constant 16 : index
        %swap3A_247 = tpu.vector_load %arg18[%swap3A_245, %swap3A_246] {strides = array<i32>} : memref<16x128xf32, #tpu.memory_space<vmem>>, vector<16xf32>,
        tpu.vector_store %arg18[%swap3A_245, %swap3A_246], %add3A_244 {strides = array<i32>} : memref<16x128xf32, #tpu.memory_space<vmem>>, vector<16xf32>,
        %broadcast_in_dim3A_248 = arith.constant 0 : i32
        %broadcast_in_dim3A_249 = vector.broadcast %broadcast_in_dim3A_248 : i32 to vector<16xi32>
        %add3A_250 = vector.broadcast %add3A_237 : i32 to vector<16xi32>
        %add3A_251 = arith.addi %broadcast_in_dim3A_249, %add3A_250 : vector<16xi32>
        %gather3A_252 = tpu.vector_load_idx %arg9[%add3A_251] : memref<128xf32, #tpu.memory_space<vmem>>[vector<16xi32>], vector<16xf32>,
        %swap3A_253 = arith.index_cast %add3A_215 : i32 to index
        %swap3A_254 = arith.constant 16 : index
        %swap3A_255 = tpu.vector_load %arg19[%swap3A_253, %swap3A_254] {strides = array<i32>} : memref<16x128xf32, #tpu.memory_space<vmem>>, vector<16xf32>,
        tpu.vector_store %arg19[%swap3A_253, %swap3A_254], %gather3A_252 {strides = array<i32>} : memref<16x128xf32, #tpu.memory_space<vmem>>, vector<16xf32>,
        %mul3A_256 = arith.constant 8 : i32
        %mul3A_257 = arith.muli %add3A_215, %mul3A_256 : i32
        %add3A_258 = arith.constant 2 : i32
        %add3A_259 = arith.addi %mul3A_257, %add3A_258 : i32
        %get3A_260 = arith.index_cast %add3A_259 : i32 to index
        %get3A_261 = arith.constant 0 : index
        %get3A_262 = tpu.vector_load %arg16[%get3A_260, %get3A_261] {strides = array<i32>} : memref<128x16xf32, #tpu.memory_space<vmem>>, vector<16xf32>,
        %get3A_263 = arith.index_cast %add3A_259 : i32 to index
        %get3A_264 = arith.constant 0 : index
        %get3A_265 = tpu.vector_load %arg17[%get3A_263, %get3A_264] {strides = array<i32>} : memref<128x16xf32, #tpu.memory_space<vmem>>, vector<16xf32>,
        %add3A_266 = arith.addf %get3A_262, %get3A_265 : vector<16xf32>
        %swap3A_267 = arith.index_cast %add3A_215 : i32 to index
        %swap3A_268 = arith.constant 32 : index
        %swap3A_269 = tpu.vector_load %arg18[%swap3A_267, %swap3A_268] {strides = array<i32>} : memref<16x128xf32, #tpu.memory_space<vmem>>, vector<16xf32>,
        tpu.vector_store %arg18[%swap3A_267, %swap3A_268], %add3A_266 {strides = array<i32>} : memref<16x128xf32, #tpu.memory_space<vmem>>, vector<16xf32>,
        %broadcast_in_dim3A_270 = arith.constant 0 : i32
        %broadcast_in_dim3A_271 = vector.broadcast %broadcast_in_dim3A_270 : i32 to vector<16xi32>
        %add3A_272 = vector.broadcast %add3A_259 : i32 to vector<16xi32>
        %add3A_273 = arith.addi %broadcast_in_dim3A_271, %add3A_272 : vector<16xi32>
        %gather3A_274 = tpu.vector_load_idx %arg9[%add3A_273] : memref<128xf32, #tpu.memory_space<vmem>>[vector<16xi32>], vector<16xf32>,
        %swap3A_275 = arith.index_cast %add3A_215 : i32 to index
        %swap3A_276 = arith.constant 32 : index
        %swap3A_277 = tpu.vector_load %arg19[%swap3A_275, %swap3A_276] {strides = array<i32>} : memref<16x128xf32, #tpu.memory_space<vmem>>, vector<16xf32>,
        tpu.vector_store %arg19[%swap3A_275, %swap3A_276], %gather3A_274 {strides = array<i32>} : memref<16x128xf32, #tpu.memory_space<vmem>>, vector<16xf32>,
        %mul3A_278 = arith.constant 8 : i32
        %mul3A_279 = arith.muli %add3A_215, %mul3A_278 : i32
        %add3A_280 = arith.constant 3 : i32
        %add3A_281 = arith.addi %mul3A_279, %add3A_280 : i32
        %get3A_282 = arith.index_cast %add3A_281 : i32 to index
        %get3A_283 = arith.constant 0 : index
        %get3A_284 = tpu.vector_load %arg16[%get3A_282, %get3A_283] {strides = array<i32>} : memref<128x16xf32, #tpu.memory_space<vmem>>, vector<16xf32>,
        %get3A_285 = arith.index_cast %add3A_281 : i32 to index
        %get3A_286 = arith.constant 0 : index
        %get3A_287 = tpu.vector_load %arg17[%get3A_285, %get3A_286] {strides = array<i32>} : memref<128x16xf32, #tpu.memory_space<vmem>>, vector<16xf32>,
        %add3A_288 = arith.addf %get3A_284, %get3A_287 : vector<16xf32>
        %swap3A_289 = arith.index_cast %add3A_215 : i32 to index
        %swap3A_290 = arith.constant 48 : index
        %swap3A_291 = tpu.vector_load %arg18[%swap3A_289, %swap3A_290] {strides = array<i32>} : memref<16x128xf32, #tpu.memory_space<vmem>>, vector<16xf32>,
        tpu.vector_store %arg18[%swap3A_289, %swap3A_290], %add3A_288 {strides = array<i32>} : memref<16x128xf32, #tpu.memory_space<vmem>>, vector<16xf32>,
        %broadcast_in_dim3A_292 = arith.constant 0 : i32
        %broadcast_in_dim3A_293 = vector.broadcast %broadcast_in_dim3A_292 : i32 to vector<16xi32>
        %add3A_294 = vector.broadcast %add3A_281 : i32 to vector<16xi32>
        %add3A_295 = arith.addi %broadcast_in_dim3A_293, %add3A_294 : vector<16xi32>
        %gather3A_296 = tpu.vector_load_idx %arg9[%add3A_295] : memref<128xf32, #tpu.memory_space<vmem>>[vector<16xi32>], vector<16xf32>,
        %swap3A_297 = arith.index_cast %add3A_215 : i32 to index
        %swap3A_298 = arith.constant 48 : index
        %swap3A_299 = tpu.vector_load %arg19[%swap3A_297, %swap3A_298] {strides = array<i32>} : memref<16x128xf32, #tpu.memory_space<vmem>>, vector<16xf32>,
        tpu.vector_store %arg19[%swap3A_297, %swap3A_298], %gather3A_296 {strides = array<i32>} : memref<16x128xf32, #tpu.memory_space<vmem>>, vector<16xf32>,
        %mul3A_300 = arith.constant 8 : i32
        %mul3A_301 = arith.muli %add3A_215, %mul3A_300 : i32
        %add3A_302 = arith.constant 4 : i32
        %add3A_303 = arith.addi %mul3A_301, %add3A_302 : i32
        %get3A_304 = arith.index_cast %add3A_303 : i32 to index
        %get3A_305 = arith.constant 0 : index
        %get3A_306 = tpu.vector_load %arg16[%get3A_304, %get3A_305] {strides = array<i32>} : memref<128x16xf32, #tpu.memory_space<vmem>>, vector<16xf32>,
        %get3A_307 = arith.index_cast %add3A_303 : i32 to index
        %get3A_308 = arith.constant 0 : index
        %get3A_309 = tpu.vector_load %arg17[%get3A_307, %get3A_308] {strides = array<i32>} : memref<128x16xf32, #tpu.memory_space<vmem>>, vector<16xf32>,
        %add3A_310 = arith.addf %get3A_306, %get3A_309 : vector<16xf32>
        %swap3A_311 = arith.index_cast %add3A_215 : i32 to index
        %swap3A_312 = arith.constant 64 : index
        %swap3A_313 = tpu.vector_load %arg18[%swap3A_311, %swap3A_312] {strides = array<i32>} : memref<16x128xf32, #tpu.memory_space<vmem>>, vector<16xf32>,
        tpu.vector_store %arg18[%swap3A_311, %swap3A_312], %add3A_310 {strides = array<i32>} : memref<16x128xf32, #tpu.memory_space<vmem>>, vector<16xf32>,
        %broadcast_in_dim3A_314 = arith.constant 0 : i32
        %broadcast_in_dim3A_315 = vector.broadcast %broadcast_in_dim3A_314 : i32 to vector<16xi32>
        %add3A_316 = vector.broadcast %add3A_303 : i32 to vector<16xi32>
        %add3A_317 = arith.addi %broadcast_in_dim3A_315, %add3A_316 : vector<16xi32>
        %gather3A_318 = tpu.vector_load_idx %arg9[%add3A_317] : memref<128xf32, #tpu.memory_space<vmem>>[vector<16xi32>], vector<16xf32>,
        %swap3A_319 = arith.index_cast %add3A_215 : i32 to index
        %swap3A_320 = arith.constant 64 : index
        %swap3A_321 = tpu.vector_load %arg19[%swap3A_319, %swap3A_320] {strides = array<i32>} : memref<16x128xf32, #tpu.memory_space<vmem>>, vector<16xf32>,
        tpu.vector_store %arg19[%swap3A_319, %swap3A_320], %gather3A_318 {strides = array<i32>} : memref<16x128xf32, #tpu.memory_space<vmem>>, vector<16xf32>,
        %mul3A_322 = arith.constant 8 : i32
        %mul3A_323 = arith.muli %add3A_215, %mul3A_322 : i32
        %add3A_324 = arith.constant 5 : i32
        %add3A_325 = arith.addi %mul3A_323, %add3A_324 : i32
        %get3A_326 = arith.index_cast %add3A_325 : i32 to index
        %get3A_327 = arith.constant 0 : index
        %get3A_328 = tpu.vector_load %arg16[%get3A_326, %get3A_327] {strides = array<i32>} : memref<128x16xf32, #tpu.memory_space<vmem>>, vector<16xf32>,
        %get3A_329 = arith.index_cast %add3A_325 : i32 to index
        %get3A_330 = arith.constant 0 : index
        %get3A_331 = tpu.vector_load %arg17[%get3A_329, %get3A_330] {strides = array<i32>} : memref<128x16xf32, #tpu.memory_space<vmem>>, vector<16xf32>,
        %add3A_332 = arith.addf %get3A_328, %get3A_331 : vector<16xf32>
        %swap3A_333 = arith.index_cast %add3A_215 : i32 to index
        %swap3A_334 = arith.constant 80 : index
        %swap3A_335 = tpu.vector_load %arg18[%swap3A_333, %swap3A_334] {strides = array<i32>} : memref<16x128xf32, #tpu.memory_space<vmem>>, vector<16xf32>,
        tpu.vector_store %arg18[%swap3A_333, %swap3A_334], %add3A_332 {strides = array<i32>} : memref<16x128xf32, #tpu.memory_space<vmem>>, vector<16xf32>,
        %broadcast_in_dim3A_336 = arith.constant 0 : i32
        %broadcast_in_dim3A_337 = vector.broadcast %broadcast_in_dim3A_336 : i32 to vector<16xi32>
        %add3A_338 = vector.broadcast %add3A_325 : i32 to vector<16xi32>
        %add3A_339 = arith.addi %broadcast_in_dim3A_337, %add3A_338 : vector<16xi32>
        %gather3A_340 = tpu.vector_load_idx %arg9[%add3A_339] : memref<128xf32, #tpu.memory_space<vmem>>[vector<16xi32>], vector<16xf32>,
        %swap3A_341 = arith.index_cast %add3A_215 : i32 to index
        %swap3A_342 = arith.constant 80 : index
        %swap3A_343 = tpu.vector_load %arg19[%swap3A_341, %swap3A_342] {strides = array<i32>} : memref<16x128xf32, #tpu.memory_space<vmem>>, vector<16xf32>,
        tpu.vector_store %arg19[%swap3A_341, %swap3A_342], %gather3A_340 {strides = array<i32>} : memref<16x128xf32, #tpu.memory_space<vmem>>, vector<16xf32>,
        %mul3A_344 = arith.constant 8 : i32
        %mul3A_345 = arith.muli %add3A_215, %mul3A_344 : i32
        %add3A_346 = arith.constant 6 : i32
        %add3A_347 = arith.addi %mul3A_345, %add3A_346 : i32
        %get3A_348 = arith.index_cast %add3A_347 : i32 to index
        %get3A_349 = arith.constant 0 : index
        %get3A_350 = tpu.vector_load %arg16[%get3A_348, %get3A_349] {strides = array<i32>} : memref<128x16xf32, #tpu.memory_space<vmem>>, vector<16xf32>,
        %get3A_351 = arith.index_cast %add3A_347 : i32 to index
        %get3A_352 = arith.constant 0 : index
        %get3A_353 = tpu.vector_load %arg17[%get3A_351, %get3A_352] {strides = array<i32>} : memref<128x16xf32, #tpu.memory_space<vmem>>, vector<16xf32>,
        %add3A_354 = arith.addf %get3A_350, %get3A_353 : vector<16xf32>
        %swap3A_355 = arith.index_cast %add3A_215 : i32 to index
        %swap3A_356 = arith.constant 96 : index
        %swap3A_357 = tpu.vector_load %arg18[%swap3A_355, %swap3A_356] {strides = array<i32>} : memref<16x128xf32, #tpu.memory_space<vmem>>, vector<16xf32>,
        tpu.vector_store %arg18[%swap3A_355, %swap3A_356], %add3A_354 {strides = array<i32>} : memref<16x128xf32, #tpu.memory_space<vmem>>, vector<16xf32>,
        %broadcast_in_dim3A_358 = arith.constant 0 : i32
        %broadcast_in_dim3A_359 = vector.broadcast %broadcast_in_dim3A_358 : i32 to vector<16xi32>
        %add3A_360 = vector.broadcast %add3A_347 : i32 to vector<16xi32>
        %add3A_361 = arith.addi %broadcast_in_dim3A_359, %add3A_360 : vector<16xi32>
        %gather3A_362 = tpu.vector_load_idx %arg9[%add3A_361] : memref<128xf32, #tpu.memory_space<vmem>>[vector<16xi32>], vector<16xf32>,
        %swap3A_363 = arith.index_cast %add3A_215 : i32 to index
        %swap3A_364 = arith.constant 96 : index
        %swap3A_365 = tpu.vector_load %arg19[%swap3A_363, %swap3A_364] {strides = array<i32>} : memref<16x128xf32, #tpu.memory_space<vmem>>, vector<16xf32>,
        tpu.vector_store %arg19[%swap3A_363, %swap3A_364], %gather3A_362 {strides = array<i32>} : memref<16x128xf32, #tpu.memory_space<vmem>>, vector<16xf32>,
        %mul3A_366 = arith.constant 8 : i32
        %mul3A_367 = arith.muli %add3A_215, %mul3A_366 : i32
        %add3A_368 = arith.constant 7 : i32
        %add3A_369 = arith.addi %mul3A_367, %add3A_368 : i32
        %get3A_370 = arith.index_cast %add3A_369 : i32 to index
        %get3A_371 = arith.constant 0 : index
        %get3A_372 = tpu.vector_load %arg16[%get3A_370, %get3A_371] {strides = array<i32>} : memref<128x16xf32, #tpu.memory_space<vmem>>, vector<16xf32>,
        %get3A_373 = arith.index_cast %add3A_369 : i32 to index
        %get3A_374 = arith.constant 0 : index
        %get3A_375 = tpu.vector_load %arg17[%get3A_373, %get3A_374] {strides = array<i32>} : memref<128x16xf32, #tpu.memory_space<vmem>>, vector<16xf32>,
        %add3A_376 = arith.addf %get3A_372, %get3A_375 : vector<16xf32>
        %swap3A_377 = arith.index_cast %add3A_215 : i32 to index
        %swap3A_378 = arith.constant 112 : index
        %swap3A_379 = tpu.vector_load %arg18[%swap3A_377, %swap3A_378] {strides = array<i32>} : memref<16x128xf32, #tpu.memory_space<vmem>>, vector<16xf32>,
        tpu.vector_store %arg18[%swap3A_377, %swap3A_378], %add3A_376 {strides = array<i32>} : memref<16x128xf32, #tpu.memory_space<vmem>>, vector<16xf32>,
        %broadcast_in_dim3A_380 = arith.constant 0 : i32
        %broadcast_in_dim3A_381 = vector.broadcast %broadcast_in_dim3A_380 : i32 to vector<16xi32>
        %add3A_382 = vector.broadcast %add3A_369 : i32 to vector<16xi32>
        %add3A_383 = arith.addi %broadcast_in_dim3A_381, %add3A_382 : vector<16xi32>
        %gather3A_384 = tpu.vector_load_idx %arg9[%add3A_383] : memref<128xf32, #tpu.memory_space<vmem>>[vector<16xi32>], vector<16xf32>,
        %swap3A_385 = arith.index_cast %add3A_215 : i32 to index
        %swap3A_386 = arith.constant 112 : index
        %swap3A_387 = tpu.vector_load %arg19[%swap3A_385, %swap3A_386] {strides = array<i32>} : memref<16x128xf32, #tpu.memory_space<vmem>>, vector<16xf32>,
        tpu.vector_store %arg19[%swap3A_385, %swap3A_386], %gather3A_384 {strides = array<i32>} : memref<16x128xf32, #tpu.memory_space<vmem>>, vector<16xf32>,
      }
      %scan3A_155 = arith.constant 16 : i32
      %dma_start3A_156 = arith.constant 0 : i32
      %dma_start3A_157 = tpu.memref_slice %arg6[%add3A_130, %dma_start3A_156] : memref<40000x128xf32, #tpu.memory_space<hbm>> -> memref<16x128xf32, #tpu.memory_space<hbm>>
      %dma_start3A_158 = arith.constant 0 : i32
      %dma_start3A_159 = tpu.memref_slice %arg6[%add3A_130, %dma_start3A_158] : memref<40000x128xf32, #tpu.memory_space<hbm>> -> memref<16x128xf32, #tpu.memory_space<hbm>>
      tpu.enqueue_dma source(%arg18 : memref<16x128xf32, #tpu.memory_space<vmem>>) target(%dma_start3A_159 : memref<16x128xf32, #tpu.memory_space<hbm>>) target_semaphore(%arg28 : memref<!tpu.dma_semaphore, #tpu.memory_space<semaphore_mem>>)
      %dma_start3A_160 = arith.constant 0 : i32
      %dma_start3A_161 = tpu.memref_slice %arg7[%add3A_130, %dma_start3A_160] : memref<40000x128xf32, #tpu.memory_space<hbm>> -> memref<16x128xf32, #tpu.memory_space<hbm>>
      %dma_start3A_162 = arith.constant 0 : i32
      %dma_start3A_163 = tpu.memref_slice %arg7[%add3A_130, %dma_start3A_162] : memref<40000x128xf32, #tpu.memory_space<hbm>> -> memref<16x128xf32, #tpu.memory_space<hbm>>
      tpu.enqueue_dma source(%arg19 : memref<16x128xf32, #tpu.memory_space<vmem>>) target(%dma_start3A_163 : memref<16x128xf32, #tpu.memory_space<hbm>>) target_semaphore(%arg28 : memref<!tpu.dma_semaphore, #tpu.memory_space<semaphore_mem>>)
      %add3A_164 = arith.constant 4 : i32
      %add3A_165 = arith.addi %add3A_69, %add3A_164 : i32
      %lt3A_166 = arith.constant 78 : i32
      %lt3A_167 = arith.cmpi slt, %add3A_165, %lt3A_166 : i32
      %convert_element_type3A_168 = arith.extui %lt3A_167 : i1 to i32
      %cond3A_169 = arith.constant 0 : i32
      %cond3A_170 = arith.cmpi ne, %convert_element_type3A_168, %cond3A_169 : i32
      scf.if %cond3A_170 {
        %add3A_211 = arith.constant 4 : i32
        %add3A_212 = arith.addi %add3A_69, %add3A_211 : i32
        %mul3A_213 = arith.constant 128 : i32
        %mul3A_214 = arith.muli %add3A_212, %mul3A_213 : i32
        %dma_start3A_215 = tpu.memref_slice %arg10[%mul3A_214] : memref<9984xi32, #tpu.memory_space<vmem>> -> memref<128xi32, #tpu.memory_space<vmem>>
        %dma_start3A_216 = arith.constant 0 : i32
        %dma_start3A_217 = arith.constant 0 : i32
        %dma_start3A_218 = tpu.memref_slice %arg2[%dma_start3A_216, %dma_start3A_217] : memref<10000x16xf32, #tpu.memory_space<hbm>> -> memref<10000x16xf32, #tpu.memory_space<hbm>>
        tpu.enqueue_indirect_dma source(%dma_start3A_218 : memref<10000x16xf32, #tpu.memory_space<hbm>>) target(%arg16 : memref<128x16xf32, #tpu.memory_space<vmem>>) offsets(%dma_start3A_215 : memref<128xi32, #tpu.memory_space<vmem>>) semaphore(%arg25 : memref<!tpu.dma_semaphore, #tpu.memory_space<semaphore_mem>>)
        %dma_start3A_219 = tpu.memref_slice %arg11[%mul3A_214] : memref<9984xi32, #tpu.memory_space<vmem>> -> memref<128xi32, #tpu.memory_space<vmem>>
        %dma_start3A_220 = arith.constant 0 : i32
        %dma_start3A_221 = arith.constant 0 : i32
        %dma_start3A_222 = tpu.memref_slice %arg2[%dma_start3A_220, %dma_start3A_221] : memref<10000x16xf32, #tpu.memory_space<hbm>> -> memref<10000x16xf32, #tpu.memory_space<hbm>>
        tpu.enqueue_indirect_dma source(%dma_start3A_222 : memref<10000x16xf32, #tpu.memory_space<hbm>>) target(%arg17 : memref<128x16xf32, #tpu.memory_space<vmem>>) offsets(%dma_start3A_219 : memref<128xi32, #tpu.memory_space<vmem>>) semaphore(%arg25 : memref<!tpu.dma_semaphore, #tpu.memory_space<semaphore_mem>>)
      } else {
      }
      %add3A_171 = arith.constant 2 : i32
      %add3A_172 = arith.addi %add3A_69, %add3A_171 : i32
      %add3A_173 = arith.constant 2 : i32
      %add3A_174 = arith.addi %add3A_69, %add3A_173 : i32
      %mul3A_175 = arith.constant 16 : i32
      %mul3A_176 = arith.muli %add3A_174, %mul3A_175 : i32
      %add3A_177 = arith.addi %mul3A_4, %mul3A_176 : i32
      %ge3A_178 = arith.constant 1 : i32
      %ge3A_179 = arith.cmpi sge, %add3A_69, %ge3A_178 : i32
      %mul3A_180 = arith.constant 128 : i32
      %mul3A_181 = arith.muli %add3A_172, %mul3A_180 : i32
      %dma_wait3A_182 = tpu.memref_slice %arg10[%mul3A_181] : memref<9984xi32, #tpu.memory_space<vmem>> -> memref<128xi32, #tpu.memory_space<vmem>>
      %dma_wait3A_183 = arith.constant 0 : i32
      %dma_wait3A_184 = arith.constant 0 : i32
      %dma_wait3A_185 = tpu.memref_slice %arg2[%dma_wait3A_183, %dma_wait3A_184] : memref<10000x16xf32, #tpu.memory_space<hbm>> -> memref<10000x16xf32, #tpu.memory_space<hbm>>
      tpu.wait_indirect_dma semaphore(%arg26 : memref<!tpu.dma_semaphore, #tpu.memory_space<semaphore_mem>>) src(%dma_wait3A_185 : memref<10000x16xf32, #tpu.memory_space<hbm>>) dst(%arg20 : memref<128x16xf32, #tpu.memory_space<vmem>>)
      %dma_wait3A_186 = tpu.memref_slice %arg11[%mul3A_181] : memref<9984xi32, #tpu.memory_space<vmem>> -> memref<128xi32, #tpu.memory_space<vmem>>
      %dma_wait3A_187 = arith.constant 0 : i32
      %dma_wait3A_188 = arith.constant 0 : i32
      %dma_wait3A_189 = tpu.memref_slice %arg2[%dma_wait3A_187, %dma_wait3A_188] : memref<10000x16xf32, #tpu.memory_space<hbm>> -> memref<10000x16xf32, #tpu.memory_space<hbm>>
      tpu.wait_indirect_dma semaphore(%arg26 : memref<!tpu.dma_semaphore, #tpu.memory_space<semaphore_mem>>) src(%dma_wait3A_189 : memref<10000x16xf32, #tpu.memory_space<hbm>>) dst(%arg21 : memref<128x16xf32, #tpu.memory_space<vmem>>)
      %scan3A_190 = arith.constant 0 : i32
      %scan3A_191 = arith.constant 8 : i32
      %scan3A_192 = arith.addi %scan3A_190, %scan3A_191 : i32
      %scan3A_193 = arith.constant 1 : i32
      scf.for %scan3A_211 = %scan3A_190 to %scan3A_192 step %scan3A_193  : i32 {
        %mul3A_212 = arith.constant 16 : i32
        %mul3A_213 = arith.muli %scan3A_211, %mul3A_212 : i32
        %add3A_214 = arith.constant 0 : i32
        %add3A_215 = arith.addi %add3A_214, %mul3A_213 : i32
        %add3A_216 = arith.addi %mul3A_181, %add3A_215 : i32
        %get3A = arith.index_cast %add3A_216 : i32 to index
        %get3A_217 = tpu.vector_load %arg10[%get3A] {strides = array<i32>} : memref<9984xi32, #tpu.memory_space<vmem>>, vector<16xi32>,
        %add3A_218 = arith.addi %mul3A_181, %add3A_215 : i32
        %get3A_219 = arith.index_cast %add3A_218 : i32 to index
        %get3A_220 = tpu.vector_load %arg11[%get3A_219] {strides = array<i32>} : memref<9984xi32, #tpu.memory_space<vmem>>, vector<16xi32>,
        %gather3A = tpu.vector_load_idx %arg8[%get3A_217] : memref<10000xi32, #tpu.memory_space<vmem>>[vector<16xi32>], vector<16xi32>,
        %gather3A_221 = tpu.vector_load_idx %arg8[%get3A_220] : memref<10000xi32, #tpu.memory_space<vmem>>[vector<16xi32>], vector<16xi32>,
        %mul3A_222 = arith.muli %gather3A, %gather3A : vector<16xi32>
        %mul3A_223 = arith.muli %gather3A_221, %gather3A_221 : vector<16xi32>
        %add3A_224 = arith.addi %mul3A_222, %mul3A_223 : vector<16xi32>
        %ge3A_225 = arith.constant 3 : i32
        %ge3A_226 = vector.broadcast %ge3A_225 : i32 to vector<16xi32>
        %ge3A_227 = arith.cmpi sge, %add3A_224, %ge3A_226 : vector<16xi32>
        %jit3A = arith.constant 1 : i32
        %jit3A_228 = arith.constant 0 : i32
        %broadcast_in_dim3A = vector.broadcast %jit3A : i32 to vector<16xi32>
        %broadcast_in_dim3A_229 = vector.broadcast %jit3A_228 : i32 to vector<16xi32>
        %select_n3A = arith.select %ge3A_227, %broadcast_in_dim3A, %broadcast_in_dim3A_229 : vector<16xi1>, vector<16xi32>
        %sub3A = arith.subi %add3A_224, %select_n3A : vector<16xi32>
        %ge3A_230 = arith.constant 6 : i32
        %ge3A_231 = vector.broadcast %ge3A_230 : i32 to vector<16xi32>
        %ge3A_232 = arith.cmpi sge, %add3A_224, %ge3A_231 : vector<16xi32>
        %jit3A_233 = arith.constant 2 : i32
        %jit3A_234 = arith.constant 0 : i32
        %broadcast_in_dim3A_235 = vector.broadcast %jit3A_233 : i32 to vector<16xi32>
        %broadcast_in_dim3A_236 = vector.broadcast %jit3A_234 : i32 to vector<16xi32>
        %select_n3A_237 = arith.select %ge3A_232, %broadcast_in_dim3A_235, %broadcast_in_dim3A_236 : vector<16xi1>, vector<16xi32>
        %sub3A_238 = arith.subi %sub3A, %select_n3A_237 : vector<16xi32>
        %convert_element_type3A_239 = arith.sitofp %sub3A_238 : vector<16xi32> to vector<16xf32>
        %swap3A = arith.index_cast %add3A_215 : i32 to index
        %swap3A_240 = tpu.vector_load %arg9[%swap3A] {strides = array<i32>} : memref<128xf32, #tpu.memory_space<vmem>>, vector<16xf32>,
        tpu.vector_store %arg9[%swap3A], %convert_element_type3A_239 {strides = array<i32>} : memref<128xf32, #tpu.memory_space<vmem>>, vector<16xf32>,
      }
      %scan3A_194 = arith.constant 8 : i32
      %convert_element_type3A_195 = arith.extui %ge3A_179 : i1 to i32
      %cond3A_196 = arith.constant 0 : i32
      %cond3A_197 = arith.cmpi ne, %convert_element_type3A_195, %cond3A_196 : i32
      scf.if %cond3A_197 {
        %dma_wait3A_211 = arith.constant 0 : i32
        %dma_wait3A_212 = arith.constant 0 : i32
        %dma_wait3A_213 = tpu.memref_slice %arg6[%dma_wait3A_211, %dma_wait3A_212] : memref<40000x128xf32, #tpu.memory_space<hbm>> -> memref<16x128xf32, #tpu.memory_space<hbm>>
        %dma_wait3A_214 = arith.constant 0 : i32
        %dma_wait3A_215 = arith.constant 0 : i32
        %dma_wait3A_216 = tpu.memref_slice %arg6[%dma_wait3A_214, %dma_wait3A_215] : memref<40000x128xf32, #tpu.memory_space<hbm>> -> memref<16x128xf32, #tpu.memory_space<hbm>>
        tpu.wait_dma2 semaphore(%arg29 : memref<!tpu.dma_semaphore, #tpu.memory_space<semaphore_mem>>) src(%arg22 : memref<16x128xf32, #tpu.memory_space<vmem>>) dst(%dma_wait3A_216 : memref<16x128xf32, #tpu.memory_space<hbm>>)
        %dma_wait3A_217 = arith.constant 0 : i32
        %dma_wait3A_218 = arith.constant 0 : i32
        %dma_wait3A_219 = tpu.memref_slice %arg7[%dma_wait3A_217, %dma_wait3A_218] : memref<40000x128xf32, #tpu.memory_space<hbm>> -> memref<16x128xf32, #tpu.memory_space<hbm>>
        %dma_wait3A_220 = arith.constant 0 : i32
        %dma_wait3A_221 = arith.constant 0 : i32
        %dma_wait3A_222 = tpu.memref_slice %arg7[%dma_wait3A_220, %dma_wait3A_221] : memref<40000x128xf32, #tpu.memory_space<hbm>> -> memref<16x128xf32, #tpu.memory_space<hbm>>
        tpu.wait_dma2 semaphore(%arg29 : memref<!tpu.dma_semaphore, #tpu.memory_space<semaphore_mem>>) src(%arg23 : memref<16x128xf32, #tpu.memory_space<vmem>>) dst(%dma_wait3A_222 : memref<16x128xf32, #tpu.memory_space<hbm>>)
      } else {
      }
      %scan3A_198 = arith.constant 0 : i32
      %scan3A_199 = arith.constant 16 : i32
      %scan3A_200 = arith.addi %scan3A_198, %scan3A_199 : i32
      %scan3A_201 = arith.constant 1 : i32
      scf.for %scan3A_211 = %scan3A_198 to %scan3A_200 step %scan3A_201  : i32 {
        %mul3A_212 = arith.constant 1 : i32
        %mul3A_213 = arith.muli %scan3A_211, %mul3A_212 : i32
        %add3A_214 = arith.constant 0 : i32
        %add3A_215 = arith.addi %add3A_214, %mul3A_213 : i32
        %mul3A_216 = arith.constant 8 : i32
        %mul3A_217 = arith.muli %add3A_215, %mul3A_216 : i32
        %add3A_218 = arith.constant 0 : i32
        %add3A_219 = arith.addi %mul3A_217, %add3A_218 : i32
        %get3A = arith.index_cast %add3A_219 : i32 to index
        %get3A_220 = arith.constant 0 : index
        %get3A_221 = tpu.vector_load %arg20[%get3A, %get3A_220] {strides = array<i32>} : memref<128x16xf32, #tpu.memory_space<vmem>>, vector<16xf32>,
        %get3A_222 = arith.index_cast %add3A_219 : i32 to index
        %get3A_223 = arith.constant 0 : index
        %get3A_224 = tpu.vector_load %arg21[%get3A_222, %get3A_223] {strides = array<i32>} : memref<128x16xf32, #tpu.memory_space<vmem>>, vector<16xf32>,
        %add3A_225 = arith.addf %get3A_221, %get3A_224 : vector<16xf32>
        %swap3A = arith.index_cast %add3A_215 : i32 to index
        %swap3A_226 = arith.constant 0 : index
        %swap3A_227 = tpu.vector_load %arg22[%swap3A, %swap3A_226] {strides = array<i32>} : memref<16x128xf32, #tpu.memory_space<vmem>>, vector<16xf32>,
        tpu.vector_store %arg22[%swap3A, %swap3A_226], %add3A_225 {strides = array<i32>} : memref<16x128xf32, #tpu.memory_space<vmem>>, vector<16xf32>,
        %broadcast_in_dim3A = arith.constant 0 : i32
        %broadcast_in_dim3A_228 = vector.broadcast %broadcast_in_dim3A : i32 to vector<16xi32>
        %add3A_229 = vector.broadcast %add3A_219 : i32 to vector<16xi32>
        %add3A_230 = arith.addi %broadcast_in_dim3A_228, %add3A_229 : vector<16xi32>
        %gather3A = tpu.vector_load_idx %arg9[%add3A_230] : memref<128xf32, #tpu.memory_space<vmem>>[vector<16xi32>], vector<16xf32>,
        %swap3A_231 = arith.index_cast %add3A_215 : i32 to index
        %swap3A_232 = arith.constant 0 : index
        %swap3A_233 = tpu.vector_load %arg23[%swap3A_231, %swap3A_232] {strides = array<i32>} : memref<16x128xf32, #tpu.memory_space<vmem>>, vector<16xf32>,
        tpu.vector_store %arg23[%swap3A_231, %swap3A_232], %gather3A {strides = array<i32>} : memref<16x128xf32, #tpu.memory_space<vmem>>, vector<16xf32>,
        %mul3A_234 = arith.constant 8 : i32
        %mul3A_235 = arith.muli %add3A_215, %mul3A_234 : i32
        %add3A_236 = arith.constant 1 : i32
        %add3A_237 = arith.addi %mul3A_235, %add3A_236 : i32
        %get3A_238 = arith.index_cast %add3A_237 : i32 to index
        %get3A_239 = arith.constant 0 : index
        %get3A_240 = tpu.vector_load %arg20[%get3A_238, %get3A_239] {strides = array<i32>} : memref<128x16xf32, #tpu.memory_space<vmem>>, vector<16xf32>,
        %get3A_241 = arith.index_cast %add3A_237 : i32 to index
        %get3A_242 = arith.constant 0 : index
        %get3A_243 = tpu.vector_load %arg21[%get3A_241, %get3A_242] {strides = array<i32>} : memref<128x16xf32, #tpu.memory_space<vmem>>, vector<16xf32>,
        %add3A_244 = arith.addf %get3A_240, %get3A_243 : vector<16xf32>
        %swap3A_245 = arith.index_cast %add3A_215 : i32 to index
        %swap3A_246 = arith.constant 16 : index
        %swap3A_247 = tpu.vector_load %arg22[%swap3A_245, %swap3A_246] {strides = array<i32>} : memref<16x128xf32, #tpu.memory_space<vmem>>, vector<16xf32>,
        tpu.vector_store %arg22[%swap3A_245, %swap3A_246], %add3A_244 {strides = array<i32>} : memref<16x128xf32, #tpu.memory_space<vmem>>, vector<16xf32>,
        %broadcast_in_dim3A_248 = arith.constant 0 : i32
        %broadcast_in_dim3A_249 = vector.broadcast %broadcast_in_dim3A_248 : i32 to vector<16xi32>
        %add3A_250 = vector.broadcast %add3A_237 : i32 to vector<16xi32>
        %add3A_251 = arith.addi %broadcast_in_dim3A_249, %add3A_250 : vector<16xi32>
        %gather3A_252 = tpu.vector_load_idx %arg9[%add3A_251] : memref<128xf32, #tpu.memory_space<vmem>>[vector<16xi32>], vector<16xf32>,
        %swap3A_253 = arith.index_cast %add3A_215 : i32 to index
        %swap3A_254 = arith.constant 16 : index
        %swap3A_255 = tpu.vector_load %arg23[%swap3A_253, %swap3A_254] {strides = array<i32>} : memref<16x128xf32, #tpu.memory_space<vmem>>, vector<16xf32>,
        tpu.vector_store %arg23[%swap3A_253, %swap3A_254], %gather3A_252 {strides = array<i32>} : memref<16x128xf32, #tpu.memory_space<vmem>>, vector<16xf32>,
        %mul3A_256 = arith.constant 8 : i32
        %mul3A_257 = arith.muli %add3A_215, %mul3A_256 : i32
        %add3A_258 = arith.constant 2 : i32
        %add3A_259 = arith.addi %mul3A_257, %add3A_258 : i32
        %get3A_260 = arith.index_cast %add3A_259 : i32 to index
        %get3A_261 = arith.constant 0 : index
        %get3A_262 = tpu.vector_load %arg20[%get3A_260, %get3A_261] {strides = array<i32>} : memref<128x16xf32, #tpu.memory_space<vmem>>, vector<16xf32>,
        %get3A_263 = arith.index_cast %add3A_259 : i32 to index
        %get3A_264 = arith.constant 0 : index
        %get3A_265 = tpu.vector_load %arg21[%get3A_263, %get3A_264] {strides = array<i32>} : memref<128x16xf32, #tpu.memory_space<vmem>>, vector<16xf32>,
        %add3A_266 = arith.addf %get3A_262, %get3A_265 : vector<16xf32>
        %swap3A_267 = arith.index_cast %add3A_215 : i32 to index
        %swap3A_268 = arith.constant 32 : index
        %swap3A_269 = tpu.vector_load %arg22[%swap3A_267, %swap3A_268] {strides = array<i32>} : memref<16x128xf32, #tpu.memory_space<vmem>>, vector<16xf32>,
        tpu.vector_store %arg22[%swap3A_267, %swap3A_268], %add3A_266 {strides = array<i32>} : memref<16x128xf32, #tpu.memory_space<vmem>>, vector<16xf32>,
        %broadcast_in_dim3A_270 = arith.constant 0 : i32
        %broadcast_in_dim3A_271 = vector.broadcast %broadcast_in_dim3A_270 : i32 to vector<16xi32>
        %add3A_272 = vector.broadcast %add3A_259 : i32 to vector<16xi32>
        %add3A_273 = arith.addi %broadcast_in_dim3A_271, %add3A_272 : vector<16xi32>
        %gather3A_274 = tpu.vector_load_idx %arg9[%add3A_273] : memref<128xf32, #tpu.memory_space<vmem>>[vector<16xi32>], vector<16xf32>,
        %swap3A_275 = arith.index_cast %add3A_215 : i32 to index
        %swap3A_276 = arith.constant 32 : index
        %swap3A_277 = tpu.vector_load %arg23[%swap3A_275, %swap3A_276] {strides = array<i32>} : memref<16x128xf32, #tpu.memory_space<vmem>>, vector<16xf32>,
        tpu.vector_store %arg23[%swap3A_275, %swap3A_276], %gather3A_274 {strides = array<i32>} : memref<16x128xf32, #tpu.memory_space<vmem>>, vector<16xf32>,
        %mul3A_278 = arith.constant 8 : i32
        %mul3A_279 = arith.muli %add3A_215, %mul3A_278 : i32
        %add3A_280 = arith.constant 3 : i32
        %add3A_281 = arith.addi %mul3A_279, %add3A_280 : i32
        %get3A_282 = arith.index_cast %add3A_281 : i32 to index
        %get3A_283 = arith.constant 0 : index
        %get3A_284 = tpu.vector_load %arg20[%get3A_282, %get3A_283] {strides = array<i32>} : memref<128x16xf32, #tpu.memory_space<vmem>>, vector<16xf32>,
        %get3A_285 = arith.index_cast %add3A_281 : i32 to index
        %get3A_286 = arith.constant 0 : index
        %get3A_287 = tpu.vector_load %arg21[%get3A_285, %get3A_286] {strides = array<i32>} : memref<128x16xf32, #tpu.memory_space<vmem>>, vector<16xf32>,
        %add3A_288 = arith.addf %get3A_284, %get3A_287 : vector<16xf32>
        %swap3A_289 = arith.index_cast %add3A_215 : i32 to index
        %swap3A_290 = arith.constant 48 : index
        %swap3A_291 = tpu.vector_load %arg22[%swap3A_289, %swap3A_290] {strides = array<i32>} : memref<16x128xf32, #tpu.memory_space<vmem>>, vector<16xf32>,
        tpu.vector_store %arg22[%swap3A_289, %swap3A_290], %add3A_288 {strides = array<i32>} : memref<16x128xf32, #tpu.memory_space<vmem>>, vector<16xf32>,
        %broadcast_in_dim3A_292 = arith.constant 0 : i32
        %broadcast_in_dim3A_293 = vector.broadcast %broadcast_in_dim3A_292 : i32 to vector<16xi32>
        %add3A_294 = vector.broadcast %add3A_281 : i32 to vector<16xi32>
        %add3A_295 = arith.addi %broadcast_in_dim3A_293, %add3A_294 : vector<16xi32>
        %gather3A_296 = tpu.vector_load_idx %arg9[%add3A_295] : memref<128xf32, #tpu.memory_space<vmem>>[vector<16xi32>], vector<16xf32>,
        %swap3A_297 = arith.index_cast %add3A_215 : i32 to index
        %swap3A_298 = arith.constant 48 : index
        %swap3A_299 = tpu.vector_load %arg23[%swap3A_297, %swap3A_298] {strides = array<i32>} : memref<16x128xf32, #tpu.memory_space<vmem>>, vector<16xf32>,
        tpu.vector_store %arg23[%swap3A_297, %swap3A_298], %gather3A_296 {strides = array<i32>} : memref<16x128xf32, #tpu.memory_space<vmem>>, vector<16xf32>,
        %mul3A_300 = arith.constant 8 : i32
        %mul3A_301 = arith.muli %add3A_215, %mul3A_300 : i32
        %add3A_302 = arith.constant 4 : i32
        %add3A_303 = arith.addi %mul3A_301, %add3A_302 : i32
        %get3A_304 = arith.index_cast %add3A_303 : i32 to index
        %get3A_305 = arith.constant 0 : index
        %get3A_306 = tpu.vector_load %arg20[%get3A_304, %get3A_305] {strides = array<i32>} : memref<128x16xf32, #tpu.memory_space<vmem>>, vector<16xf32>,
        %get3A_307 = arith.index_cast %add3A_303 : i32 to index
        %get3A_308 = arith.constant 0 : index
        %get3A_309 = tpu.vector_load %arg21[%get3A_307, %get3A_308] {strides = array<i32>} : memref<128x16xf32, #tpu.memory_space<vmem>>, vector<16xf32>,
        %add3A_310 = arith.addf %get3A_306, %get3A_309 : vector<16xf32>
        %swap3A_311 = arith.index_cast %add3A_215 : i32 to index
        %swap3A_312 = arith.constant 64 : index
        %swap3A_313 = tpu.vector_load %arg22[%swap3A_311, %swap3A_312] {strides = array<i32>} : memref<16x128xf32, #tpu.memory_space<vmem>>, vector<16xf32>,
        tpu.vector_store %arg22[%swap3A_311, %swap3A_312], %add3A_310 {strides = array<i32>} : memref<16x128xf32, #tpu.memory_space<vmem>>, vector<16xf32>,
        %broadcast_in_dim3A_314 = arith.constant 0 : i32
        %broadcast_in_dim3A_315 = vector.broadcast %broadcast_in_dim3A_314 : i32 to vector<16xi32>
        %add3A_316 = vector.broadcast %add3A_303 : i32 to vector<16xi32>
        %add3A_317 = arith.addi %broadcast_in_dim3A_315, %add3A_316 : vector<16xi32>
        %gather3A_318 = tpu.vector_load_idx %arg9[%add3A_317] : memref<128xf32, #tpu.memory_space<vmem>>[vector<16xi32>], vector<16xf32>,
        %swap3A_319 = arith.index_cast %add3A_215 : i32 to index
        %swap3A_320 = arith.constant 64 : index
        %swap3A_321 = tpu.vector_load %arg23[%swap3A_319, %swap3A_320] {strides = array<i32>} : memref<16x128xf32, #tpu.memory_space<vmem>>, vector<16xf32>,
        tpu.vector_store %arg23[%swap3A_319, %swap3A_320], %gather3A_318 {strides = array<i32>} : memref<16x128xf32, #tpu.memory_space<vmem>>, vector<16xf32>,
        %mul3A_322 = arith.constant 8 : i32
        %mul3A_323 = arith.muli %add3A_215, %mul3A_322 : i32
        %add3A_324 = arith.constant 5 : i32
        %add3A_325 = arith.addi %mul3A_323, %add3A_324 : i32
        %get3A_326 = arith.index_cast %add3A_325 : i32 to index
        %get3A_327 = arith.constant 0 : index
        %get3A_328 = tpu.vector_load %arg20[%get3A_326, %get3A_327] {strides = array<i32>} : memref<128x16xf32, #tpu.memory_space<vmem>>, vector<16xf32>,
        %get3A_329 = arith.index_cast %add3A_325 : i32 to index
        %get3A_330 = arith.constant 0 : index
        %get3A_331 = tpu.vector_load %arg21[%get3A_329, %get3A_330] {strides = array<i32>} : memref<128x16xf32, #tpu.memory_space<vmem>>, vector<16xf32>,
        %add3A_332 = arith.addf %get3A_328, %get3A_331 : vector<16xf32>
        %swap3A_333 = arith.index_cast %add3A_215 : i32 to index
        %swap3A_334 = arith.constant 80 : index
        %swap3A_335 = tpu.vector_load %arg22[%swap3A_333, %swap3A_334] {strides = array<i32>} : memref<16x128xf32, #tpu.memory_space<vmem>>, vector<16xf32>,
        tpu.vector_store %arg22[%swap3A_333, %swap3A_334], %add3A_332 {strides = array<i32>} : memref<16x128xf32, #tpu.memory_space<vmem>>, vector<16xf32>,
        %broadcast_in_dim3A_336 = arith.constant 0 : i32
        %broadcast_in_dim3A_337 = vector.broadcast %broadcast_in_dim3A_336 : i32 to vector<16xi32>
        %add3A_338 = vector.broadcast %add3A_325 : i32 to vector<16xi32>
        %add3A_339 = arith.addi %broadcast_in_dim3A_337, %add3A_338 : vector<16xi32>
        %gather3A_340 = tpu.vector_load_idx %arg9[%add3A_339] : memref<128xf32, #tpu.memory_space<vmem>>[vector<16xi32>], vector<16xf32>,
        %swap3A_341 = arith.index_cast %add3A_215 : i32 to index
        %swap3A_342 = arith.constant 80 : index
        %swap3A_343 = tpu.vector_load %arg23[%swap3A_341, %swap3A_342] {strides = array<i32>} : memref<16x128xf32, #tpu.memory_space<vmem>>, vector<16xf32>,
        tpu.vector_store %arg23[%swap3A_341, %swap3A_342], %gather3A_340 {strides = array<i32>} : memref<16x128xf32, #tpu.memory_space<vmem>>, vector<16xf32>,
        %mul3A_344 = arith.constant 8 : i32
        %mul3A_345 = arith.muli %add3A_215, %mul3A_344 : i32
        %add3A_346 = arith.constant 6 : i32
        %add3A_347 = arith.addi %mul3A_345, %add3A_346 : i32
        %get3A_348 = arith.index_cast %add3A_347 : i32 to index
        %get3A_349 = arith.constant 0 : index
        %get3A_350 = tpu.vector_load %arg20[%get3A_348, %get3A_349] {strides = array<i32>} : memref<128x16xf32, #tpu.memory_space<vmem>>, vector<16xf32>,
        %get3A_351 = arith.index_cast %add3A_347 : i32 to index
        %get3A_352 = arith.constant 0 : index
        %get3A_353 = tpu.vector_load %arg21[%get3A_351, %get3A_352] {strides = array<i32>} : memref<128x16xf32, #tpu.memory_space<vmem>>, vector<16xf32>,
        %add3A_354 = arith.addf %get3A_350, %get3A_353 : vector<16xf32>
        %swap3A_355 = arith.index_cast %add3A_215 : i32 to index
        %swap3A_356 = arith.constant 96 : index
        %swap3A_357 = tpu.vector_load %arg22[%swap3A_355, %swap3A_356] {strides = array<i32>} : memref<16x128xf32, #tpu.memory_space<vmem>>, vector<16xf32>,
        tpu.vector_store %arg22[%swap3A_355, %swap3A_356], %add3A_354 {strides = array<i32>} : memref<16x128xf32, #tpu.memory_space<vmem>>, vector<16xf32>,
        %broadcast_in_dim3A_358 = arith.constant 0 : i32
        %broadcast_in_dim3A_359 = vector.broadcast %broadcast_in_dim3A_358 : i32 to vector<16xi32>
        %add3A_360 = vector.broadcast %add3A_347 : i32 to vector<16xi32>
        %add3A_361 = arith.addi %broadcast_in_dim3A_359, %add3A_360 : vector<16xi32>
        %gather3A_362 = tpu.vector_load_idx %arg9[%add3A_361] : memref<128xf32, #tpu.memory_space<vmem>>[vector<16xi32>], vector<16xf32>,
        %swap3A_363 = arith.index_cast %add3A_215 : i32 to index
        %swap3A_364 = arith.constant 96 : index
        %swap3A_365 = tpu.vector_load %arg23[%swap3A_363, %swap3A_364] {strides = array<i32>} : memref<16x128xf32, #tpu.memory_space<vmem>>, vector<16xf32>,
        tpu.vector_store %arg23[%swap3A_363, %swap3A_364], %gather3A_362 {strides = array<i32>} : memref<16x128xf32, #tpu.memory_space<vmem>>, vector<16xf32>,
        %mul3A_366 = arith.constant 8 : i32
        %mul3A_367 = arith.muli %add3A_215, %mul3A_366 : i32
        %add3A_368 = arith.constant 7 : i32
        %add3A_369 = arith.addi %mul3A_367, %add3A_368 : i32
        %get3A_370 = arith.index_cast %add3A_369 : i32 to index
        %get3A_371 = arith.constant 0 : index
        %get3A_372 = tpu.vector_load %arg20[%get3A_370, %get3A_371] {strides = array<i32>} : memref<128x16xf32, #tpu.memory_space<vmem>>, vector<16xf32>,
        %get3A_373 = arith.index_cast %add3A_369 : i32 to index
        %get3A_374 = arith.constant 0 : index
        %get3A_375 = tpu.vector_load %arg21[%get3A_373, %get3A_374] {strides = array<i32>} : memref<128x16xf32, #tpu.memory_space<vmem>>, vector<16xf32>,
        %add3A_376 = arith.addf %get3A_372, %get3A_375 : vector<16xf32>
        %swap3A_377 = arith.index_cast %add3A_215 : i32 to index
        %swap3A_378 = arith.constant 112 : index
        %swap3A_379 = tpu.vector_load %arg22[%swap3A_377, %swap3A_378] {strides = array<i32>} : memref<16x128xf32, #tpu.memory_space<vmem>>, vector<16xf32>,
        tpu.vector_store %arg22[%swap3A_377, %swap3A_378], %add3A_376 {strides = array<i32>} : memref<16x128xf32, #tpu.memory_space<vmem>>, vector<16xf32>,
        %broadcast_in_dim3A_380 = arith.constant 0 : i32
        %broadcast_in_dim3A_381 = vector.broadcast %broadcast_in_dim3A_380 : i32 to vector<16xi32>
        %add3A_382 = vector.broadcast %add3A_369 : i32 to vector<16xi32>
        %add3A_383 = arith.addi %broadcast_in_dim3A_381, %add3A_382 : vector<16xi32>
        %gather3A_384 = tpu.vector_load_idx %arg9[%add3A_383] : memref<128xf32, #tpu.memory_space<vmem>>[vector<16xi32>], vector<16xf32>,
        %swap3A_385 = arith.index_cast %add3A_215 : i32 to index
        %swap3A_386 = arith.constant 112 : index
        %swap3A_387 = tpu.vector_load %arg23[%swap3A_385, %swap3A_386] {strides = array<i32>} : memref<16x128xf32, #tpu.memory_space<vmem>>, vector<16xf32>,
        tpu.vector_store %arg23[%swap3A_385, %swap3A_386], %gather3A_384 {strides = array<i32>} : memref<16x128xf32, #tpu.memory_space<vmem>>, vector<16xf32>,
      }
      %scan3A_202 = arith.constant 16 : i32
      %dma_start3A_203 = arith.constant 0 : i32
      %dma_start3A_204 = tpu.memref_slice %arg6[%add3A_177, %dma_start3A_203] : memref<40000x128xf32, #tpu.memory_space<hbm>> -> memref<16x128xf32, #tpu.memory_space<hbm>>
      %dma_start3A_205 = arith.constant 0 : i32
      %dma_start3A_206 = tpu.memref_slice %arg6[%add3A_177, %dma_start3A_205] : memref<40000x128xf32, #tpu.memory_space<hbm>> -> memref<16x128xf32, #tpu.memory_space<hbm>>
      tpu.enqueue_dma source(%arg22 : memref<16x128xf32, #tpu.memory_space<vmem>>) target(%dma_start3A_206 : memref<16x128xf32, #tpu.memory_space<hbm>>) target_semaphore(%arg29 : memref<!tpu.dma_semaphore, #tpu.memory_space<semaphore_mem>>)
      %dma_start3A_207 = arith.constant 0 : i32
      %dma_start3A_208 = tpu.memref_slice %arg7[%add3A_177, %dma_start3A_207] : memref<40000x128xf32, #tpu.memory_space<hbm>> -> memref<16x128xf32, #tpu.memory_space<hbm>>
      %dma_start3A_209 = arith.constant 0 : i32
      %dma_start3A_210 = tpu.memref_slice %arg7[%add3A_177, %dma_start3A_209] : memref<40000x128xf32, #tpu.memory_space<hbm>> -> memref<16x128xf32, #tpu.memory_space<hbm>>
      tpu.enqueue_dma source(%arg23 : memref<16x128xf32, #tpu.memory_space<vmem>>) target(%dma_start3A_210 : memref<16x128xf32, #tpu.memory_space<hbm>>) target_semaphore(%arg29 : memref<!tpu.dma_semaphore, #tpu.memory_space<semaphore_mem>>)
    }
    %scan3A_27 = arith.constant 26 : i32
    %dma_wait3A = arith.constant 0 : i32
    %dma_wait3A_28 = arith.constant 0 : i32
    %dma_wait3A_29 = tpu.memref_slice %arg6[%dma_wait3A, %dma_wait3A_28] : memref<40000x128xf32, #tpu.memory_space<hbm>> -> memref<16x128xf32, #tpu.memory_space<hbm>>
    %dma_wait3A_30 = arith.constant 0 : i32
    %dma_wait3A_31 = arith.constant 0 : i32
    %dma_wait3A_32 = tpu.memref_slice %arg6[%dma_wait3A_30, %dma_wait3A_31] : memref<40000x128xf32, #tpu.memory_space<hbm>> -> memref<16x128xf32, #tpu.memory_space<hbm>>
    tpu.wait_dma2 semaphore(%arg27 : memref<!tpu.dma_semaphore, #tpu.memory_space<semaphore_mem>>) src(%arg14 : memref<16x128xf32, #tpu.memory_space<vmem>>) dst(%dma_wait3A_32 : memref<16x128xf32, #tpu.memory_space<hbm>>)
    %dma_wait3A_33 = arith.constant 0 : i32
    %dma_wait3A_34 = arith.constant 0 : i32
    %dma_wait3A_35 = tpu.memref_slice %arg7[%dma_wait3A_33, %dma_wait3A_34] : memref<40000x128xf32, #tpu.memory_space<hbm>> -> memref<16x128xf32, #tpu.memory_space<hbm>>
    %dma_wait3A_36 = arith.constant 0 : i32
    %dma_wait3A_37 = arith.constant 0 : i32
    %dma_wait3A_38 = tpu.memref_slice %arg7[%dma_wait3A_36, %dma_wait3A_37] : memref<40000x128xf32, #tpu.memory_space<hbm>> -> memref<16x128xf32, #tpu.memory_space<hbm>>
    tpu.wait_dma2 semaphore(%arg27 : memref<!tpu.dma_semaphore, #tpu.memory_space<semaphore_mem>>) src(%arg15 : memref<16x128xf32, #tpu.memory_space<vmem>>) dst(%dma_wait3A_38 : memref<16x128xf32, #tpu.memory_space<hbm>>)
    %dma_wait3A_39 = arith.constant 0 : i32
    %dma_wait3A_40 = arith.constant 0 : i32
    %dma_wait3A_41 = tpu.memref_slice %arg6[%dma_wait3A_39, %dma_wait3A_40] : memref<40000x128xf32, #tpu.memory_space<hbm>> -> memref<16x128xf32, #tpu.memory_space<hbm>>
    %dma_wait3A_42 = arith.constant 0 : i32
    %dma_wait3A_43 = arith.constant 0 : i32
    %dma_wait3A_44 = tpu.memref_slice %arg6[%dma_wait3A_42, %dma_wait3A_43] : memref<40000x128xf32, #tpu.memory_space<hbm>> -> memref<16x128xf32, #tpu.memory_space<hbm>>
    tpu.wait_dma2 semaphore(%arg28 : memref<!tpu.dma_semaphore, #tpu.memory_space<semaphore_mem>>) src(%arg18 : memref<16x128xf32, #tpu.memory_space<vmem>>) dst(%dma_wait3A_44 : memref<16x128xf32, #tpu.memory_space<hbm>>)
    %dma_wait3A_45 = arith.constant 0 : i32
    %dma_wait3A_46 = arith.constant 0 : i32
    %dma_wait3A_47 = tpu.memref_slice %arg7[%dma_wait3A_45, %dma_wait3A_46] : memref<40000x128xf32, #tpu.memory_space<hbm>> -> memref<16x128xf32, #tpu.memory_space<hbm>>
    %dma_wait3A_48 = arith.constant 0 : i32
    %dma_wait3A_49 = arith.constant 0 : i32
    %dma_wait3A_50 = tpu.memref_slice %arg7[%dma_wait3A_48, %dma_wait3A_49] : memref<40000x128xf32, #tpu.memory_space<hbm>> -> memref<16x128xf32, #tpu.memory_space<hbm>>
    tpu.wait_dma2 semaphore(%arg28 : memref<!tpu.dma_semaphore, #tpu.memory_space<semaphore_mem>>) src(%arg19 : memref<16x128xf32, #tpu.memory_space<vmem>>) dst(%dma_wait3A_50 : memref<16x128xf32, #tpu.memory_space<hbm>>)
    %dma_wait3A_51 = arith.constant 0 : i32
    %dma_wait3A_52 = arith.constant 0 : i32
    %dma_wait3A_53 = tpu.memref_slice %arg6[%dma_wait3A_51, %dma_wait3A_52] : memref<40000x128xf32, #tpu.memory_space<hbm>> -> memref<16x128xf32, #tpu.memory_space<hbm>>
    %dma_wait3A_54 = arith.constant 0 : i32
    %dma_wait3A_55 = arith.constant 0 : i32
    %dma_wait3A_56 = tpu.memref_slice %arg6[%dma_wait3A_54, %dma_wait3A_55] : memref<40000x128xf32, #tpu.memory_space<hbm>> -> memref<16x128xf32, #tpu.memory_space<hbm>>
    tpu.wait_dma2 semaphore(%arg29 : memref<!tpu.dma_semaphore, #tpu.memory_space<semaphore_mem>>) src(%arg22 : memref<16x128xf32, #tpu.memory_space<vmem>>) dst(%dma_wait3A_56 : memref<16x128xf32, #tpu.memory_space<hbm>>)
    %dma_wait3A_57 = arith.constant 0 : i32
    %dma_wait3A_58 = arith.constant 0 : i32
    %dma_wait3A_59 = tpu.memref_slice %arg7[%dma_wait3A_57, %dma_wait3A_58] : memref<40000x128xf32, #tpu.memory_space<hbm>> -> memref<16x128xf32, #tpu.memory_space<hbm>>
    %dma_wait3A_60 = arith.constant 0 : i32
    %dma_wait3A_61 = arith.constant 0 : i32
    %dma_wait3A_62 = tpu.memref_slice %arg7[%dma_wait3A_60, %dma_wait3A_61] : memref<40000x128xf32, #tpu.memory_space<hbm>> -> memref<16x128xf32, #tpu.memory_space<hbm>>
    tpu.wait_dma2 semaphore(%arg29 : memref<!tpu.dma_semaphore, #tpu.memory_space<semaphore_mem>>) src(%arg23 : memref<16x128xf32, #tpu.memory_space<vmem>>) dst(%dma_wait3A_62 : memref<16x128xf32, #tpu.memory_space<hbm>>)
    %lt3A = arith.constant 4 : i32
    %lt3A_63 = arith.cmpi slt, %add3A, %lt3A : i32
    %convert_element_type3A = arith.extui %lt3A_63 : i1 to i32
    %cond3A = arith.constant 0 : i32
    %cond3A_64 = arith.cmpi ne, %convert_element_type3A, %cond3A : i32
    scf.if %cond3A_64 {
      %mul3A_65 = arith.constant 128 : i32
      %mul3A_66 = arith.muli %add3A, %mul3A_65 : i32
      %add3A_67 = arith.constant 319488 : i32
      %add3A_68 = arith.addi %add3A_67, %mul3A_66 : i32
      "tpu.region"() ({
        %run_scoped3A = tpu.sem_alloc : memref<!tpu.dma_semaphore, #tpu.memory_space<semaphore_mem>>
        %dma_start3A_135 = arith.constant 0 : i32
        %dma_start3A_136 = tpu.memref_slice %arg10[%dma_start3A_135] : memref<9984xi32, #tpu.memory_space<vmem>> -> memref<128xi32, #tpu.memory_space<vmem>>
        %dma_start3A_137 = tpu.memref_slice %arg3[%add3A_68] : memref<320000xi32, #tpu.memory_space<hbm>> -> memref<128xi32, #tpu.memory_space<hbm>>
        %dma_start3A_138 = arith.constant 0 : i32
        %dma_start3A_139 = tpu.memref_slice %arg10[%dma_start3A_138] : memref<9984xi32, #tpu.memory_space<vmem>> -> memref<128xi32, #tpu.memory_space<vmem>>
        %dma_start3A_140 = tpu.memref_slice %arg3[%add3A_68] : memref<320000xi32, #tpu.memory_space<hbm>> -> memref<128xi32, #tpu.memory_space<hbm>>
        tpu.enqueue_dma source(%dma_start3A_140 : memref<128xi32, #tpu.memory_space<hbm>>) target(%dma_start3A_139 : memref<128xi32, #tpu.memory_space<vmem>>) target_semaphore(%run_scoped3A : memref<!tpu.dma_semaphore, #tpu.memory_space<semaphore_mem>>)
        %dma_wait3A_141 = arith.constant 0 : i32
        %dma_wait3A_142 = tpu.memref_slice %arg10[%dma_wait3A_141] : memref<9984xi32, #tpu.memory_space<vmem>> -> memref<128xi32, #tpu.memory_space<vmem>>
        %dma_wait3A_143 = tpu.memref_slice %arg3[%add3A_68] : memref<320000xi32, #tpu.memory_space<hbm>> -> memref<128xi32, #tpu.memory_space<hbm>>
        %dma_wait3A_144 = arith.constant 0 : i32
        %dma_wait3A_145 = tpu.memref_slice %arg10[%dma_wait3A_144] : memref<9984xi32, #tpu.memory_space<vmem>> -> memref<128xi32, #tpu.memory_space<vmem>>
        %dma_wait3A_146 = tpu.memref_slice %arg3[%add3A_68] : memref<320000xi32, #tpu.memory_space<hbm>> -> memref<128xi32, #tpu.memory_space<hbm>>
        tpu.wait_dma2 semaphore(%run_scoped3A : memref<!tpu.dma_semaphore, #tpu.memory_space<semaphore_mem>>) src(%dma_wait3A_146 : memref<128xi32, #tpu.memory_space<hbm>>) dst(%dma_wait3A_145 : memref<128xi32, #tpu.memory_space<vmem>>)
        tpu.yield
      }) : () -> ()
      "tpu.region"() ({
        %run_scoped3A = tpu.sem_alloc : memref<!tpu.dma_semaphore, #tpu.memory_space<semaphore_mem>>
        %dma_start3A_135 = arith.constant 0 : i32
        %dma_start3A_136 = tpu.memref_slice %arg11[%dma_start3A_135] : memref<9984xi32, #tpu.memory_space<vmem>> -> memref<128xi32, #tpu.memory_space<vmem>>
        %dma_start3A_137 = tpu.memref_slice %arg4[%add3A_68] : memref<320000xi32, #tpu.memory_space<hbm>> -> memref<128xi32, #tpu.memory_space<hbm>>
        %dma_start3A_138 = arith.constant 0 : i32
        %dma_start3A_139 = tpu.memref_slice %arg11[%dma_start3A_138] : memref<9984xi32, #tpu.memory_space<vmem>> -> memref<128xi32, #tpu.memory_space<vmem>>
        %dma_start3A_140 = tpu.memref_slice %arg4[%add3A_68] : memref<320000xi32, #tpu.memory_space<hbm>> -> memref<128xi32, #tpu.memory_space<hbm>>
        tpu.enqueue_dma source(%dma_start3A_140 : memref<128xi32, #tpu.memory_space<hbm>>) target(%dma_start3A_139 : memref<128xi32, #tpu.memory_space<vmem>>) target_semaphore(%run_scoped3A : memref<!tpu.dma_semaphore, #tpu.memory_space<semaphore_mem>>)
        %dma_wait3A_141 = arith.constant 0 : i32
        %dma_wait3A_142 = tpu.memref_slice %arg11[%dma_wait3A_141] : memref<9984xi32, #tpu.memory_space<vmem>> -> memref<128xi32, #tpu.memory_space<vmem>>
        %dma_wait3A_143 = tpu.memref_slice %arg4[%add3A_68] : memref<320000xi32, #tpu.memory_space<hbm>> -> memref<128xi32, #tpu.memory_space<hbm>>
        %dma_wait3A_144 = arith.constant 0 : i32
        %dma_wait3A_145 = tpu.memref_slice %arg11[%dma_wait3A_144] : memref<9984xi32, #tpu.memory_space<vmem>> -> memref<128xi32, #tpu.memory_space<vmem>>
        %dma_wait3A_146 = tpu.memref_slice %arg4[%add3A_68] : memref<320000xi32, #tpu.memory_space<hbm>> -> memref<128xi32, #tpu.memory_space<hbm>>
        tpu.wait_dma2 semaphore(%run_scoped3A : memref<!tpu.dma_semaphore, #tpu.memory_space<semaphore_mem>>) src(%dma_wait3A_146 : memref<128xi32, #tpu.memory_space<hbm>>) dst(%dma_wait3A_145 : memref<128xi32, #tpu.memory_space<vmem>>)
        tpu.yield
      }) : () -> ()
      %dma_start3A_69 = arith.constant 0 : i32
      %dma_start3A_70 = tpu.memref_slice %arg10[%dma_start3A_69] : memref<9984xi32, #tpu.memory_space<vmem>> -> memref<128xi32, #tpu.memory_space<vmem>>
      %dma_start3A_71 = arith.constant 0 : i32
      %dma_start3A_72 = arith.constant 0 : i32
      %dma_start3A_73 = tpu.memref_slice %arg2[%dma_start3A_71, %dma_start3A_72] : memref<10000x16xf32, #tpu.memory_space<hbm>> -> memref<10000x16xf32, #tpu.memory_space<hbm>>
      tpu.enqueue_indirect_dma source(%dma_start3A_73 : memref<10000x16xf32, #tpu.memory_space<hbm>>) target(%arg12 : memref<128x16xf32, #tpu.memory_space<vmem>>) offsets(%dma_start3A_70 : memref<128xi32, #tpu.memory_space<vmem>>) semaphore(%arg24 : memref<!tpu.dma_semaphore, #tpu.memory_space<semaphore_mem>>)
      %dma_start3A_74 = arith.constant 0 : i32
      %dma_start3A_75 = tpu.memref_slice %arg11[%dma_start3A_74] : memref<9984xi32, #tpu.memory_space<vmem>> -> memref<128xi32, #tpu.memory_space<vmem>>
      %dma_start3A_76 = arith.constant 0 : i32
      %dma_start3A_77 = arith.constant 0 : i32
      %dma_start3A_78 = tpu.memref_slice %arg2[%dma_start3A_76, %dma_start3A_77] : memref<10000x16xf32, #tpu.memory_space<hbm>> -> memref<10000x16xf32, #tpu.memory_space<hbm>>
      tpu.enqueue_indirect_dma source(%dma_start3A_78 : memref<10000x16xf32, #tpu.memory_space<hbm>>) target(%arg13 : memref<128x16xf32, #tpu.memory_space<vmem>>) offsets(%dma_start3A_75 : memref<128xi32, #tpu.memory_space<vmem>>) semaphore(%arg24 : memref<!tpu.dma_semaphore, #tpu.memory_space<semaphore_mem>>)
      %jit3A = arith.constant 8 : i32
      %div3A = arith.divsi %add3A_68, %jit3A : i32
      %sign3A = arith.constant 0 : i32
      %sign3A_79 = arith.cmpi sgt, %add3A_68, %sign3A : i32
      %sign3A_80 = arith.extui %sign3A_79 : i1 to i32
      %sign3A_81 = arith.constant 0 : i32
      %sign3A_82 = arith.cmpi slt, %add3A_68, %sign3A_81 : i32
      %sign3A_83 = arith.extui %sign3A_82 : i1 to i32
      %sign3A_84 = arith.subi %sign3A_80, %sign3A_83 : i32
      %sign3A_85 = arith.constant 0 : i32
      %sign3A_86 = arith.cmpi sgt, %jit3A, %sign3A_85 : i32
      %sign3A_87 = arith.extui %sign3A_86 : i1 to i32
      %sign3A_88 = arith.constant 0 : i32
      %sign3A_89 = arith.cmpi slt, %jit3A, %sign3A_88 : i32
      %sign3A_90 = arith.extui %sign3A_89 : i1 to i32
      %sign3A_91 = arith.subi %sign3A_87, %sign3A_90 : i32
      %ne3A = arith.cmpi ne, %sign3A_84, %sign3A_91 : i32
      %rem3A = arith.remsi %add3A_68, %jit3A : i32
      %ne3A_92 = arith.constant 0 : i32
      %ne3A_93 = arith.cmpi ne, %rem3A, %ne3A_92 : i32
      %and3A = arith.andi %ne3A, %ne3A_93 : i1
      %sub3A = arith.constant 1 : i32
      %sub3A_94 = arith.subi %div3A, %sub3A : i32
      %select_n3A = arith.select %and3A, %sub3A_94, %div3A : i32
      %dma_wait3A_95 = arith.constant 0 : i32
      %dma_wait3A_96 = tpu.memref_slice %arg10[%dma_wait3A_95] : memref<9984xi32, #tpu.memory_space<vmem>> -> memref<128xi32, #tpu.memory_space<vmem>>
      %dma_wait3A_97 = arith.constant 0 : i32
      %dma_wait3A_98 = arith.constant 0 : i32
      %dma_wait3A_99 = tpu.memref_slice %arg2[%dma_wait3A_97, %dma_wait3A_98] : memref<10000x16xf32, #tpu.memory_space<hbm>> -> memref<10000x16xf32, #tpu.memory_space<hbm>>
      tpu.wait_indirect_dma semaphore(%arg24 : memref<!tpu.dma_semaphore, #tpu.memory_space<semaphore_mem>>) src(%dma_wait3A_99 : memref<10000x16xf32, #tpu.memory_space<hbm>>) dst(%arg12 : memref<128x16xf32, #tpu.memory_space<vmem>>)
      %dma_wait3A_100 = arith.constant 0 : i32
      %dma_wait3A_101 = tpu.memref_slice %arg11[%dma_wait3A_100] : memref<9984xi32, #tpu.memory_space<vmem>> -> memref<128xi32, #tpu.memory_space<vmem>>
      %dma_wait3A_102 = arith.constant 0 : i32
      %dma_wait3A_103 = arith.constant 0 : i32
      %dma_wait3A_104 = tpu.memref_slice %arg2[%dma_wait3A_102, %dma_wait3A_103] : memref<10000x16xf32, #tpu.memory_space<hbm>> -> memref<10000x16xf32, #tpu.memory_space<hbm>>
      tpu.wait_indirect_dma semaphore(%arg24 : memref<!tpu.dma_semaphore, #tpu.memory_space<semaphore_mem>>) src(%dma_wait3A_104 : memref<10000x16xf32, #tpu.memory_space<hbm>>) dst(%arg13 : memref<128x16xf32, #tpu.memory_space<vmem>>)
      %scan3A_105 = arith.constant 0 : i32
      %scan3A_106 = arith.constant 8 : i32
      %scan3A_107 = arith.addi %scan3A_105, %scan3A_106 : i32
      %scan3A_108 = arith.constant 1 : i32
      scf.for %scan3A_135 = %scan3A_105 to %scan3A_107 step %scan3A_108  : i32 {
        %mul3A_136 = arith.constant 16 : i32
        %mul3A_137 = arith.muli %scan3A_135, %mul3A_136 : i32
        %add3A_138 = arith.constant 0 : i32
        %add3A_139 = arith.addi %add3A_138, %mul3A_137 : i32
        %add3A_140 = arith.constant 0 : i32
        %add3A_141 = arith.addi %add3A_140, %add3A_139 : i32
        %get3A = arith.index_cast %add3A_141 : i32 to index
        %get3A_142 = tpu.vector_load %arg10[%get3A] {strides = array<i32>} : memref<9984xi32, #tpu.memory_space<vmem>>, vector<16xi32>,
        %add3A_143 = arith.constant 0 : i32
        %add3A_144 = arith.addi %add3A_143, %add3A_139 : i32
        %get3A_145 = arith.index_cast %add3A_144 : i32 to index
        %get3A_146 = tpu.vector_load %arg11[%get3A_145] {strides = array<i32>} : memref<9984xi32, #tpu.memory_space<vmem>>, vector<16xi32>,
        %gather3A = tpu.vector_load_idx %arg8[%get3A_142] : memref<10000xi32, #tpu.memory_space<vmem>>[vector<16xi32>], vector<16xi32>,
        %gather3A_147 = tpu.vector_load_idx %arg8[%get3A_146] : memref<10000xi32, #tpu.memory_space<vmem>>[vector<16xi32>], vector<16xi32>,
        %mul3A_148 = arith.muli %gather3A, %gather3A : vector<16xi32>
        %mul3A_149 = arith.muli %gather3A_147, %gather3A_147 : vector<16xi32>
        %add3A_150 = arith.addi %mul3A_148, %mul3A_149 : vector<16xi32>
        %ge3A = arith.constant 3 : i32
        %ge3A_151 = vector.broadcast %ge3A : i32 to vector<16xi32>
        %ge3A_152 = arith.cmpi sge, %add3A_150, %ge3A_151 : vector<16xi32>
        %jit3A_153 = arith.constant 1 : i32
        %jit3A_154 = arith.constant 0 : i32
        %broadcast_in_dim3A = vector.broadcast %jit3A_153 : i32 to vector<16xi32>
        %broadcast_in_dim3A_155 = vector.broadcast %jit3A_154 : i32 to vector<16xi32>
        %select_n3A_156 = arith.select %ge3A_152, %broadcast_in_dim3A, %broadcast_in_dim3A_155 : vector<16xi1>, vector<16xi32>
        %sub3A_157 = arith.subi %add3A_150, %select_n3A_156 : vector<16xi32>
        %ge3A_158 = arith.constant 6 : i32
        %ge3A_159 = vector.broadcast %ge3A_158 : i32 to vector<16xi32>
        %ge3A_160 = arith.cmpi sge, %add3A_150, %ge3A_159 : vector<16xi32>
        %jit3A_161 = arith.constant 2 : i32
        %jit3A_162 = arith.constant 0 : i32
        %broadcast_in_dim3A_163 = vector.broadcast %jit3A_161 : i32 to vector<16xi32>
        %broadcast_in_dim3A_164 = vector.broadcast %jit3A_162 : i32 to vector<16xi32>
        %select_n3A_165 = arith.select %ge3A_160, %broadcast_in_dim3A_163, %broadcast_in_dim3A_164 : vector<16xi1>, vector<16xi32>
        %sub3A_166 = arith.subi %sub3A_157, %select_n3A_165 : vector<16xi32>
        %convert_element_type3A_167 = arith.sitofp %sub3A_166 : vector<16xi32> to vector<16xf32>
        %swap3A = arith.index_cast %add3A_139 : i32 to index
        %swap3A_168 = tpu.vector_load %arg9[%swap3A] {strides = array<i32>} : memref<128xf32, #tpu.memory_space<vmem>>, vector<16xf32>,
        tpu.vector_store %arg9[%swap3A], %convert_element_type3A_167 {strides = array<i32>} : memref<128xf32, #tpu.memory_space<vmem>>, vector<16xf32>,
      }
      %scan3A_109 = arith.constant 8 : i32
      %scan3A_110 = arith.constant 0 : i32
      %scan3A_111 = arith.constant 16 : i32
      %scan3A_112 = arith.addi %scan3A_110, %scan3A_111 : i32
      %scan3A_113 = arith.constant 1 : i32
      scf.for %scan3A_135 = %scan3A_110 to %scan3A_112 step %scan3A_113  : i32 {
        %mul3A_136 = arith.constant 1 : i32
        %mul3A_137 = arith.muli %scan3A_135, %mul3A_136 : i32
        %add3A_138 = arith.constant 0 : i32
        %add3A_139 = arith.addi %add3A_138, %mul3A_137 : i32
        %mul3A_140 = arith.constant 8 : i32
        %mul3A_141 = arith.muli %add3A_139, %mul3A_140 : i32
        %add3A_142 = arith.constant 0 : i32
        %add3A_143 = arith.addi %mul3A_141, %add3A_142 : i32
        %get3A = arith.index_cast %add3A_143 : i32 to index
        %get3A_144 = arith.constant 0 : index
        %get3A_145 = tpu.vector_load %arg12[%get3A, %get3A_144] {strides = array<i32>} : memref<128x16xf32, #tpu.memory_space<vmem>>, vector<16xf32>,
        %get3A_146 = arith.index_cast %add3A_143 : i32 to index
        %get3A_147 = arith.constant 0 : index
        %get3A_148 = tpu.vector_load %arg13[%get3A_146, %get3A_147] {strides = array<i32>} : memref<128x16xf32, #tpu.memory_space<vmem>>, vector<16xf32>,
        %add3A_149 = arith.addf %get3A_145, %get3A_148 : vector<16xf32>
        %swap3A = arith.index_cast %add3A_139 : i32 to index
        %swap3A_150 = arith.constant 0 : index
        %swap3A_151 = tpu.vector_load %arg14[%swap3A, %swap3A_150] {strides = array<i32>} : memref<16x128xf32, #tpu.memory_space<vmem>>, vector<16xf32>,
        tpu.vector_store %arg14[%swap3A, %swap3A_150], %add3A_149 {strides = array<i32>} : memref<16x128xf32, #tpu.memory_space<vmem>>, vector<16xf32>,
        %broadcast_in_dim3A = arith.constant 0 : i32
        %broadcast_in_dim3A_152 = vector.broadcast %broadcast_in_dim3A : i32 to vector<16xi32>
        %add3A_153 = vector.broadcast %add3A_143 : i32 to vector<16xi32>
        %add3A_154 = arith.addi %broadcast_in_dim3A_152, %add3A_153 : vector<16xi32>
        %gather3A = tpu.vector_load_idx %arg9[%add3A_154] : memref<128xf32, #tpu.memory_space<vmem>>[vector<16xi32>], vector<16xf32>,
        %swap3A_155 = arith.index_cast %add3A_139 : i32 to index
        %swap3A_156 = arith.constant 0 : index
        %swap3A_157 = tpu.vector_load %arg15[%swap3A_155, %swap3A_156] {strides = array<i32>} : memref<16x128xf32, #tpu.memory_space<vmem>>, vector<16xf32>,
        tpu.vector_store %arg15[%swap3A_155, %swap3A_156], %gather3A {strides = array<i32>} : memref<16x128xf32, #tpu.memory_space<vmem>>, vector<16xf32>,
        %mul3A_158 = arith.constant 8 : i32
        %mul3A_159 = arith.muli %add3A_139, %mul3A_158 : i32
        %add3A_160 = arith.constant 1 : i32
        %add3A_161 = arith.addi %mul3A_159, %add3A_160 : i32
        %get3A_162 = arith.index_cast %add3A_161 : i32 to index
        %get3A_163 = arith.constant 0 : index
        %get3A_164 = tpu.vector_load %arg12[%get3A_162, %get3A_163] {strides = array<i32>} : memref<128x16xf32, #tpu.memory_space<vmem>>, vector<16xf32>,
        %get3A_165 = arith.index_cast %add3A_161 : i32 to index
        %get3A_166 = arith.constant 0 : index
        %get3A_167 = tpu.vector_load %arg13[%get3A_165, %get3A_166] {strides = array<i32>} : memref<128x16xf32, #tpu.memory_space<vmem>>, vector<16xf32>,
        %add3A_168 = arith.addf %get3A_164, %get3A_167 : vector<16xf32>
        %swap3A_169 = arith.index_cast %add3A_139 : i32 to index
        %swap3A_170 = arith.constant 16 : index
        %swap3A_171 = tpu.vector_load %arg14[%swap3A_169, %swap3A_170] {strides = array<i32>} : memref<16x128xf32, #tpu.memory_space<vmem>>, vector<16xf32>,
        tpu.vector_store %arg14[%swap3A_169, %swap3A_170], %add3A_168 {strides = array<i32>} : memref<16x128xf32, #tpu.memory_space<vmem>>, vector<16xf32>,
        %broadcast_in_dim3A_172 = arith.constant 0 : i32
        %broadcast_in_dim3A_173 = vector.broadcast %broadcast_in_dim3A_172 : i32 to vector<16xi32>
        %add3A_174 = vector.broadcast %add3A_161 : i32 to vector<16xi32>
        %add3A_175 = arith.addi %broadcast_in_dim3A_173, %add3A_174 : vector<16xi32>
        %gather3A_176 = tpu.vector_load_idx %arg9[%add3A_175] : memref<128xf32, #tpu.memory_space<vmem>>[vector<16xi32>], vector<16xf32>,
        %swap3A_177 = arith.index_cast %add3A_139 : i32 to index
        %swap3A_178 = arith.constant 16 : index
        %swap3A_179 = tpu.vector_load %arg15[%swap3A_177, %swap3A_178] {strides = array<i32>} : memref<16x128xf32, #tpu.memory_space<vmem>>, vector<16xf32>,
        tpu.vector_store %arg15[%swap3A_177, %swap3A_178], %gather3A_176 {strides = array<i32>} : memref<16x128xf32, #tpu.memory_space<vmem>>, vector<16xf32>,
        %mul3A_180 = arith.constant 8 : i32
        %mul3A_181 = arith.muli %add3A_139, %mul3A_180 : i32
        %add3A_182 = arith.constant 2 : i32
        %add3A_183 = arith.addi %mul3A_181, %add3A_182 : i32
        %get3A_184 = arith.index_cast %add3A_183 : i32 to index
        %get3A_185 = arith.constant 0 : index
        %get3A_186 = tpu.vector_load %arg12[%get3A_184, %get3A_185] {strides = array<i32>} : memref<128x16xf32, #tpu.memory_space<vmem>>, vector<16xf32>,
        %get3A_187 = arith.index_cast %add3A_183 : i32 to index
        %get3A_188 = arith.constant 0 : index
        %get3A_189 = tpu.vector_load %arg13[%get3A_187, %get3A_188] {strides = array<i32>} : memref<128x16xf32, #tpu.memory_space<vmem>>, vector<16xf32>,
        %add3A_190 = arith.addf %get3A_186, %get3A_189 : vector<16xf32>
        %swap3A_191 = arith.index_cast %add3A_139 : i32 to index
        %swap3A_192 = arith.constant 32 : index
        %swap3A_193 = tpu.vector_load %arg14[%swap3A_191, %swap3A_192] {strides = array<i32>} : memref<16x128xf32, #tpu.memory_space<vmem>>, vector<16xf32>,
        tpu.vector_store %arg14[%swap3A_191, %swap3A_192], %add3A_190 {strides = array<i32>} : memref<16x128xf32, #tpu.memory_space<vmem>>, vector<16xf32>,
        %broadcast_in_dim3A_194 = arith.constant 0 : i32
        %broadcast_in_dim3A_195 = vector.broadcast %broadcast_in_dim3A_194 : i32 to vector<16xi32>
        %add3A_196 = vector.broadcast %add3A_183 : i32 to vector<16xi32>
        %add3A_197 = arith.addi %broadcast_in_dim3A_195, %add3A_196 : vector<16xi32>
        %gather3A_198 = tpu.vector_load_idx %arg9[%add3A_197] : memref<128xf32, #tpu.memory_space<vmem>>[vector<16xi32>], vector<16xf32>,
        %swap3A_199 = arith.index_cast %add3A_139 : i32 to index
        %swap3A_200 = arith.constant 32 : index
        %swap3A_201 = tpu.vector_load %arg15[%swap3A_199, %swap3A_200] {strides = array<i32>} : memref<16x128xf32, #tpu.memory_space<vmem>>, vector<16xf32>,
        tpu.vector_store %arg15[%swap3A_199, %swap3A_200], %gather3A_198 {strides = array<i32>} : memref<16x128xf32, #tpu.memory_space<vmem>>, vector<16xf32>,
        %mul3A_202 = arith.constant 8 : i32
        %mul3A_203 = arith.muli %add3A_139, %mul3A_202 : i32
        %add3A_204 = arith.constant 3 : i32
        %add3A_205 = arith.addi %mul3A_203, %add3A_204 : i32
        %get3A_206 = arith.index_cast %add3A_205 : i32 to index
        %get3A_207 = arith.constant 0 : index
        %get3A_208 = tpu.vector_load %arg12[%get3A_206, %get3A_207] {strides = array<i32>} : memref<128x16xf32, #tpu.memory_space<vmem>>, vector<16xf32>,
        %get3A_209 = arith.index_cast %add3A_205 : i32 to index
        %get3A_210 = arith.constant 0 : index
        %get3A_211 = tpu.vector_load %arg13[%get3A_209, %get3A_210] {strides = array<i32>} : memref<128x16xf32, #tpu.memory_space<vmem>>, vector<16xf32>,
        %add3A_212 = arith.addf %get3A_208, %get3A_211 : vector<16xf32>
        %swap3A_213 = arith.index_cast %add3A_139 : i32 to index
        %swap3A_214 = arith.constant 48 : index
        %swap3A_215 = tpu.vector_load %arg14[%swap3A_213, %swap3A_214] {strides = array<i32>} : memref<16x128xf32, #tpu.memory_space<vmem>>, vector<16xf32>,
        tpu.vector_store %arg14[%swap3A_213, %swap3A_214], %add3A_212 {strides = array<i32>} : memref<16x128xf32, #tpu.memory_space<vmem>>, vector<16xf32>,
        %broadcast_in_dim3A_216 = arith.constant 0 : i32
        %broadcast_in_dim3A_217 = vector.broadcast %broadcast_in_dim3A_216 : i32 to vector<16xi32>
        %add3A_218 = vector.broadcast %add3A_205 : i32 to vector<16xi32>
        %add3A_219 = arith.addi %broadcast_in_dim3A_217, %add3A_218 : vector<16xi32>
        %gather3A_220 = tpu.vector_load_idx %arg9[%add3A_219] : memref<128xf32, #tpu.memory_space<vmem>>[vector<16xi32>], vector<16xf32>,
        %swap3A_221 = arith.index_cast %add3A_139 : i32 to index
        %swap3A_222 = arith.constant 48 : index
        %swap3A_223 = tpu.vector_load %arg15[%swap3A_221, %swap3A_222] {strides = array<i32>} : memref<16x128xf32, #tpu.memory_space<vmem>>, vector<16xf32>,
        tpu.vector_store %arg15[%swap3A_221, %swap3A_222], %gather3A_220 {strides = array<i32>} : memref<16x128xf32, #tpu.memory_space<vmem>>, vector<16xf32>,
        %mul3A_224 = arith.constant 8 : i32
        %mul3A_225 = arith.muli %add3A_139, %mul3A_224 : i32
        %add3A_226 = arith.constant 4 : i32
        %add3A_227 = arith.addi %mul3A_225, %add3A_226 : i32
        %get3A_228 = arith.index_cast %add3A_227 : i32 to index
        %get3A_229 = arith.constant 0 : index
        %get3A_230 = tpu.vector_load %arg12[%get3A_228, %get3A_229] {strides = array<i32>} : memref<128x16xf32, #tpu.memory_space<vmem>>, vector<16xf32>,
        %get3A_231 = arith.index_cast %add3A_227 : i32 to index
        %get3A_232 = arith.constant 0 : index
        %get3A_233 = tpu.vector_load %arg13[%get3A_231, %get3A_232] {strides = array<i32>} : memref<128x16xf32, #tpu.memory_space<vmem>>, vector<16xf32>,
        %add3A_234 = arith.addf %get3A_230, %get3A_233 : vector<16xf32>
        %swap3A_235 = arith.index_cast %add3A_139 : i32 to index
        %swap3A_236 = arith.constant 64 : index
        %swap3A_237 = tpu.vector_load %arg14[%swap3A_235, %swap3A_236] {strides = array<i32>} : memref<16x128xf32, #tpu.memory_space<vmem>>, vector<16xf32>,
        tpu.vector_store %arg14[%swap3A_235, %swap3A_236], %add3A_234 {strides = array<i32>} : memref<16x128xf32, #tpu.memory_space<vmem>>, vector<16xf32>,
        %broadcast_in_dim3A_238 = arith.constant 0 : i32
        %broadcast_in_dim3A_239 = vector.broadcast %broadcast_in_dim3A_238 : i32 to vector<16xi32>
        %add3A_240 = vector.broadcast %add3A_227 : i32 to vector<16xi32>
        %add3A_241 = arith.addi %broadcast_in_dim3A_239, %add3A_240 : vector<16xi32>
        %gather3A_242 = tpu.vector_load_idx %arg9[%add3A_241] : memref<128xf32, #tpu.memory_space<vmem>>[vector<16xi32>], vector<16xf32>,
        %swap3A_243 = arith.index_cast %add3A_139 : i32 to index
        %swap3A_244 = arith.constant 64 : index
        %swap3A_245 = tpu.vector_load %arg15[%swap3A_243, %swap3A_244] {strides = array<i32>} : memref<16x128xf32, #tpu.memory_space<vmem>>, vector<16xf32>,
        tpu.vector_store %arg15[%swap3A_243, %swap3A_244], %gather3A_242 {strides = array<i32>} : memref<16x128xf32, #tpu.memory_space<vmem>>, vector<16xf32>,
        %mul3A_246 = arith.constant 8 : i32
        %mul3A_247 = arith.muli %add3A_139, %mul3A_246 : i32
        %add3A_248 = arith.constant 5 : i32
        %add3A_249 = arith.addi %mul3A_247, %add3A_248 : i32
        %get3A_250 = arith.index_cast %add3A_249 : i32 to index
        %get3A_251 = arith.constant 0 : index
        %get3A_252 = tpu.vector_load %arg12[%get3A_250, %get3A_251] {strides = array<i32>} : memref<128x16xf32, #tpu.memory_space<vmem>>, vector<16xf32>,
        %get3A_253 = arith.index_cast %add3A_249 : i32 to index
        %get3A_254 = arith.constant 0 : index
        %get3A_255 = tpu.vector_load %arg13[%get3A_253, %get3A_254] {strides = array<i32>} : memref<128x16xf32, #tpu.memory_space<vmem>>, vector<16xf32>,
        %add3A_256 = arith.addf %get3A_252, %get3A_255 : vector<16xf32>
        %swap3A_257 = arith.index_cast %add3A_139 : i32 to index
        %swap3A_258 = arith.constant 80 : index
        %swap3A_259 = tpu.vector_load %arg14[%swap3A_257, %swap3A_258] {strides = array<i32>} : memref<16x128xf32, #tpu.memory_space<vmem>>, vector<16xf32>,
        tpu.vector_store %arg14[%swap3A_257, %swap3A_258], %add3A_256 {strides = array<i32>} : memref<16x128xf32, #tpu.memory_space<vmem>>, vector<16xf32>,
        %broadcast_in_dim3A_260 = arith.constant 0 : i32
        %broadcast_in_dim3A_261 = vector.broadcast %broadcast_in_dim3A_260 : i32 to vector<16xi32>
        %add3A_262 = vector.broadcast %add3A_249 : i32 to vector<16xi32>
        %add3A_263 = arith.addi %broadcast_in_dim3A_261, %add3A_262 : vector<16xi32>
        %gather3A_264 = tpu.vector_load_idx %arg9[%add3A_263] : memref<128xf32, #tpu.memory_space<vmem>>[vector<16xi32>], vector<16xf32>,
        %swap3A_265 = arith.index_cast %add3A_139 : i32 to index
        %swap3A_266 = arith.constant 80 : index
        %swap3A_267 = tpu.vector_load %arg15[%swap3A_265, %swap3A_266] {strides = array<i32>} : memref<16x128xf32, #tpu.memory_space<vmem>>, vector<16xf32>,
        tpu.vector_store %arg15[%swap3A_265, %swap3A_266], %gather3A_264 {strides = array<i32>} : memref<16x128xf32, #tpu.memory_space<vmem>>, vector<16xf32>,
        %mul3A_268 = arith.constant 8 : i32
        %mul3A_269 = arith.muli %add3A_139, %mul3A_268 : i32
        %add3A_270 = arith.constant 6 : i32
        %add3A_271 = arith.addi %mul3A_269, %add3A_270 : i32
        %get3A_272 = arith.index_cast %add3A_271 : i32 to index
        %get3A_273 = arith.constant 0 : index
        %get3A_274 = tpu.vector_load %arg12[%get3A_272, %get3A_273] {strides = array<i32>} : memref<128x16xf32, #tpu.memory_space<vmem>>, vector<16xf32>,
        %get3A_275 = arith.index_cast %add3A_271 : i32 to index
        %get3A_276 = arith.constant 0 : index
        %get3A_277 = tpu.vector_load %arg13[%get3A_275, %get3A_276] {strides = array<i32>} : memref<128x16xf32, #tpu.memory_space<vmem>>, vector<16xf32>,
        %add3A_278 = arith.addf %get3A_274, %get3A_277 : vector<16xf32>
        %swap3A_279 = arith.index_cast %add3A_139 : i32 to index
        %swap3A_280 = arith.constant 96 : index
        %swap3A_281 = tpu.vector_load %arg14[%swap3A_279, %swap3A_280] {strides = array<i32>} : memref<16x128xf32, #tpu.memory_space<vmem>>, vector<16xf32>,
        tpu.vector_store %arg14[%swap3A_279, %swap3A_280], %add3A_278 {strides = array<i32>} : memref<16x128xf32, #tpu.memory_space<vmem>>, vector<16xf32>,
        %broadcast_in_dim3A_282 = arith.constant 0 : i32
        %broadcast_in_dim3A_283 = vector.broadcast %broadcast_in_dim3A_282 : i32 to vector<16xi32>
        %add3A_284 = vector.broadcast %add3A_271 : i32 to vector<16xi32>
        %add3A_285 = arith.addi %broadcast_in_dim3A_283, %add3A_284 : vector<16xi32>
        %gather3A_286 = tpu.vector_load_idx %arg9[%add3A_285] : memref<128xf32, #tpu.memory_space<vmem>>[vector<16xi32>], vector<16xf32>,
        %swap3A_287 = arith.index_cast %add3A_139 : i32 to index
        %swap3A_288 = arith.constant 96 : index
        %swap3A_289 = tpu.vector_load %arg15[%swap3A_287, %swap3A_288] {strides = array<i32>} : memref<16x128xf32, #tpu.memory_space<vmem>>, vector<16xf32>,
        tpu.vector_store %arg15[%swap3A_287, %swap3A_288], %gather3A_286 {strides = array<i32>} : memref<16x128xf32, #tpu.memory_space<vmem>>, vector<16xf32>,
        %mul3A_290 = arith.constant 8 : i32
        %mul3A_291 = arith.muli %add3A_139, %mul3A_290 : i32
        %add3A_292 = arith.constant 7 : i32
        %add3A_293 = arith.addi %mul3A_291, %add3A_292 : i32
        %get3A_294 = arith.index_cast %add3A_293 : i32 to index
        %get3A_295 = arith.constant 0 : index
        %get3A_296 = tpu.vector_load %arg12[%get3A_294, %get3A_295] {strides = array<i32>} : memref<128x16xf32, #tpu.memory_space<vmem>>, vector<16xf32>,
        %get3A_297 = arith.index_cast %add3A_293 : i32 to index
        %get3A_298 = arith.constant 0 : index
        %get3A_299 = tpu.vector_load %arg13[%get3A_297, %get3A_298] {strides = array<i32>} : memref<128x16xf32, #tpu.memory_space<vmem>>, vector<16xf32>,
        %add3A_300 = arith.addf %get3A_296, %get3A_299 : vector<16xf32>
        %swap3A_301 = arith.index_cast %add3A_139 : i32 to index
        %swap3A_302 = arith.constant 112 : index
        %swap3A_303 = tpu.vector_load %arg14[%swap3A_301, %swap3A_302] {strides = array<i32>} : memref<16x128xf32, #tpu.memory_space<vmem>>, vector<16xf32>,
        tpu.vector_store %arg14[%swap3A_301, %swap3A_302], %add3A_300 {strides = array<i32>} : memref<16x128xf32, #tpu.memory_space<vmem>>, vector<16xf32>,
        %broadcast_in_dim3A_304 = arith.constant 0 : i32
        %broadcast_in_dim3A_305 = vector.broadcast %broadcast_in_dim3A_304 : i32 to vector<16xi32>
        %add3A_306 = vector.broadcast %add3A_293 : i32 to vector<16xi32>
        %add3A_307 = arith.addi %broadcast_in_dim3A_305, %add3A_306 : vector<16xi32>
        %gather3A_308 = tpu.vector_load_idx %arg9[%add3A_307] : memref<128xf32, #tpu.memory_space<vmem>>[vector<16xi32>], vector<16xf32>,
        %swap3A_309 = arith.index_cast %add3A_139 : i32 to index
        %swap3A_310 = arith.constant 112 : index
        %swap3A_311 = tpu.vector_load %arg15[%swap3A_309, %swap3A_310] {strides = array<i32>} : memref<16x128xf32, #tpu.memory_space<vmem>>, vector<16xf32>,
        tpu.vector_store %arg15[%swap3A_309, %swap3A_310], %gather3A_308 {strides = array<i32>} : memref<16x128xf32, #tpu.memory_space<vmem>>, vector<16xf32>,
      }
      %scan3A_114 = arith.constant 16 : i32
      %dma_start3A_115 = arith.constant 0 : i32
      %dma_start3A_116 = tpu.memref_slice %arg6[%select_n3A, %dma_start3A_115] : memref<40000x128xf32, #tpu.memory_space<hbm>> -> memref<16x128xf32, #tpu.memory_space<hbm>>
      %dma_start3A_117 = arith.constant 0 : i32
      %dma_start3A_118 = tpu.memref_slice %arg6[%select_n3A, %dma_start3A_117] : memref<40000x128xf32, #tpu.memory_space<hbm>> -> memref<16x128xf32, #tpu.memory_space<hbm>>
      tpu.enqueue_dma source(%arg14 : memref<16x128xf32, #tpu.memory_space<vmem>>) target(%dma_start3A_118 : memref<16x128xf32, #tpu.memory_space<hbm>>) target_semaphore(%arg27 : memref<!tpu.dma_semaphore, #tpu.memory_space<semaphore_mem>>)
      %dma_start3A_119 = arith.constant 0 : i32
      %dma_start3A_120 = tpu.memref_slice %arg7[%select_n3A, %dma_start3A_119] : memref<40000x128xf32, #tpu.memory_space<hbm>> -> memref<16x128xf32, #tpu.memory_space<hbm>>
      %dma_start3A_121 = arith.constant 0 : i32
      %dma_start3A_122 = tpu.memref_slice %arg7[%select_n3A, %dma_start3A_121] : memref<40000x128xf32, #tpu.memory_space<hbm>> -> memref<16x128xf32, #tpu.memory_space<hbm>>
      tpu.enqueue_dma source(%arg15 : memref<16x128xf32, #tpu.memory_space<vmem>>) target(%dma_start3A_122 : memref<16x128xf32, #tpu.memory_space<hbm>>) target_semaphore(%arg27 : memref<!tpu.dma_semaphore, #tpu.memory_space<semaphore_mem>>)
      %dma_wait3A_123 = arith.constant 0 : i32
      %dma_wait3A_124 = arith.constant 0 : i32
      %dma_wait3A_125 = tpu.memref_slice %arg6[%dma_wait3A_123, %dma_wait3A_124] : memref<40000x128xf32, #tpu.memory_space<hbm>> -> memref<16x128xf32, #tpu.memory_space<hbm>>
      %dma_wait3A_126 = arith.constant 0 : i32
      %dma_wait3A_127 = arith.constant 0 : i32
      %dma_wait3A_128 = tpu.memref_slice %arg6[%dma_wait3A_126, %dma_wait3A_127] : memref<40000x128xf32, #tpu.memory_space<hbm>> -> memref<16x128xf32, #tpu.memory_space<hbm>>
      tpu.wait_dma2 semaphore(%arg27 : memref<!tpu.dma_semaphore, #tpu.memory_space<semaphore_mem>>) src(%arg14 : memref<16x128xf32, #tpu.memory_space<vmem>>) dst(%dma_wait3A_128 : memref<16x128xf32, #tpu.memory_space<hbm>>)
      %dma_wait3A_129 = arith.constant 0 : i32
      %dma_wait3A_130 = arith.constant 0 : i32
      %dma_wait3A_131 = tpu.memref_slice %arg7[%dma_wait3A_129, %dma_wait3A_130] : memref<40000x128xf32, #tpu.memory_space<hbm>> -> memref<16x128xf32, #tpu.memory_space<hbm>>
      %dma_wait3A_132 = arith.constant 0 : i32
      %dma_wait3A_133 = arith.constant 0 : i32
      %dma_wait3A_134 = tpu.memref_slice %arg7[%dma_wait3A_132, %dma_wait3A_133] : memref<40000x128xf32, #tpu.memory_space<hbm>> -> memref<16x128xf32, #tpu.memory_space<hbm>>
      tpu.wait_dma2 semaphore(%arg27 : memref<!tpu.dma_semaphore, #tpu.memory_space<semaphore_mem>>) src(%arg15 : memref<16x128xf32, #tpu.memory_space<vmem>>) dst(%dma_wait3A_134 : memref<16x128xf32, #tpu.memory_space<hbm>>)
    } else {
    }
    return
  }
}

</mosaic_0001>

<sc_bundles>
// kernel: _sc_gather.3.cloned.1.call-start
scs
__scs_entry_jumppad:
0x0: {  	(pc) =	sbr.rel $0x88, $3  }
0x1: {  	(tag) =	ssettag $0x0;
	lr =	simm.s32 $0x1  }
0x2: {  	[smem:$0x3F9D] =	sst lr;
	_ =	strace $0xD0000000  }
0x3: {  	_ = 	snop  }
0x4: {  	_ = 	snop  }
0x5: {  	_ = 	snop  }
0x6: {  	_ = 	snop  }
0x7: {  	_ = 	snop  }
__scs_overlays_trampoline_lowered:
0x8: {  	[smem:$0x3FAC] =	sst s0  }
0x9: {  	[smem:$0x3FAD] =	sst s1  }
0xa: {  	[smem:$0x3FAE] =	sst s2  }
0xb: {  	[smem:$0x3FAF] =	sst s3  }
0xc: {  	[smem:$0x3FB0] =	sst s4  }
0xd: {  	[smem:$0x3FB1] =	sst s5  }
0xe: {  	[smem:$0x3FB2] =	sst s6  }
0xf: {  	[smem:$0x3FB3] =	sst s7  }
0x10: {  	[smem:$0x3FB4] =	sst s8  }
0x11: {  	[smem:$0x3FB5] =	sst s9;
	s0 =	simm.s32 @!p0 $0x0  }
0x12: {  	s1 =	sld [smem:$0x3F9B];
	s0 =	simm.s32 @p0 $0x1  }
0x13: {  	[smem:$0x3FB6] =	sst s0;
	s0 =	simm.s32 @!p1 $0x0  }
0x14: {  	s2 =	sld [smem:$0x3F9A];
	s0 =	simm.s32 @p1 $0x1  }
0x15: {  	[smem:$0x3FB7] =	sst s0;
	s0 =	simm.s32 @!p2 $0x0  }
0x16: {  	s3 =	sld [smem:$0x3FDB];
	s0 =	simm.s32 @p2 $0x1  }
0x17: {  	s4 =	simm.s32 $0x1BF5;
	[smem:$0x3FB9] =	sst s0  }
0x18: {  	s0 =	sld [smem:$0x3F9C];
	_ =	swait.ge [sflag:s4], $0x0  }
0x19: {  	s7 =	sld [smem:$0x3F9D]  }
0x1a: {  	s8 =	sadd.s32 $0xFFFFE003, lr  }
0x1b: {  	s9 =	sadd.s32 $0xFFFFFEF7, lr;
	s5 =	simm.s32 $0xFFFFFFFF;
	p2 =	slt.u32 s8, $0xFFFFF086  }
0x1c: {  	p1 =	slt.u32 s9, $0xF7A;
	s5 =	simm.s32 @!p2 $0x0  }
0x1d: {  	s5 =	simm.s32 @p1 $0x1;
	p0 =	seq.s32 s7, s2  }
0x1e: {  	s7 =	smul.u32 @!p0 $0xF7A, s2;
	p2 =	seq.s32 @!p0 s5, $0x0  }
0x1f: {  	s9 =	smul.u32 $0xF7A, s1;
	s8 =	simm.s32 @!p0 $0x1BF5;
	p2 =	por !p2, p0  }
0x20: {  	[sflag:s8] =	ssyncset.s32 @!p0 $0xFFFFF086;
	s6 =	sadd.s32 @!p0 s3, s7;
	s7 =	simm.s32 @!p0 $0x108  }
0x21: {  	s3 =	sadd.s32 s3, s9;
	s6 =	sadd.s32 @!p0 $0x88, s6;
	s7 =	simm.s32 @p2 $0x1082  }
0x22: {  	[simem:s7], [sflag:s8] =	dma.local @!p0 [hbm:s6], $0xF7A  }
0x23: {  	s9 =	sor.u32 $0xD0000000, s2;
	s6 =	simm.s32 $0x108;
	_ =	swait.ge @!p0 [sflag:s8], $0x0  }
0x24: {  	s3 =	sadd.s32 $0x88, s3;
	s6 =	simm.s32 @!p1 $0x1082;
	[sflag:s4] =	ssyncset.s32 $0xFFFFF086  }
0x25: {  	[simem:s6], [sflag:s4] =	dma.local [hbm:s3], $0xF7A  }
0x26: {  	[smem:$0x3F9D] =	sst s1;
	(tag) =	ssettag s2;
	_ =	strace s9  }
0x27: {  	s1 =	sld [smem:$0x3FAD]  }
0x28: {  	s2 =	sld [smem:$0x3FAE]  }
0x29: {  	s4 =	sld [smem:$0x3FB0]  }
0x2a: {  	p0 =	seq.s32 s5, $0x0;
	s5 =	sld [smem:$0x3FB1]  }
0x2b: {  	s6 =	sld [smem:$0x3FB2]  }
0x2c: {  	s7 =	sld [smem:$0x3FB3]  }
0x2d: {  	s3 =	simm.s32 $0x108;
	s8 =	sld [smem:$0x3FB4]  }
0x2e: {  	s3 =	simm.s32 @!p0 $0x1082;
	s9 =	sld [smem:$0x3FB5]  }
0x2f: {  	lr =	sadd.s32 s0, s3;
	s0 =	sld [smem:$0x3FAC]  }
0x30: {  	s3 =	sld [smem:$0x3FAF]  }
0x31: {  	[smem:$0x3FB8] =	sst s10  }
0x32: {  	s10 =	sld [smem:$0x3FB6];
	_ =	sdelay $0x3  }
0x33: {  	p0 =	seq.s32 s10, $0x1;
	s10 =	sld [smem:$0x3FB8];
	_ =	sdelay $0x3  }
0x34: {  	[smem:$0x3FB8] =	sst s10  }
0x35: {  	s10 =	sld [smem:$0x3FB7];
	_ =	sdelay $0x3  }
0x36: {  	p1 =	seq.s32 s10, $0x1;
	s10 =	sld [smem:$0x3FB8];
	_ =	sdelay $0x3  }
0x37: {  	[smem:$0x3FB8] =	sst s10  }
0x38: {  	s10 =	sld [smem:$0x3FB9]  }
0x39: {  	_ = 	snop;
	(pc) =	sbr.ind lr, $3  }
0x3a: {  	_ = 	snop  }
0x3b: {  	_ = 	snop  }
0x3c: {  	p2 =	seq.s32 s10, $0x1;
	s10 =	sld [smem:$0x3FB8]  }
0x3d: {  	_ =	shalt  }
0x3e: {  	_ =	shalt  }
0x3f: {  	_ =	shalt  }
0x40: {  	_ =	shalt  }
0x41: {  	_ =	shalt  }
0x42: {  	_ =	shalt  }
0x43: {  	_ =	shalt  }
0x44: {  	_ =	shalt  }
0x45: {  	_ =	shalt  }
0x46: {  	_ =	shalt  }
0x47: {  	_ =	shalt  }
0x48: {  	_ =	shalt  }
0x49: {  	_ =	shalt  }
0x4a: {  	_ =	shalt  }
0x4b: {  	_ =	shalt  }
0x4c: {  	_ =	shalt  }
0x4d: {  	_ =	shalt  }
0x4e: {  	_ =	shalt  }
0x4f: {  	_ =	shalt  }
0x50: {  	_ =	shalt  }
0x51: {  	_ =	shalt  }
0x52: {  	_ =	shalt  }
0x53: {  	_ =	shalt  }
0x54: {  	_ =	shalt  }
0x55: {  	_ =	shalt  }
0x56: {  	_ =	shalt  }
0x57: {  	_ =	shalt  }
0x58: {  	_ =	shalt  }
0x59: {  	_ =	shalt  }
0x5a: {  	_ =	shalt  }
0x5b: {  	_ =	shalt  }
0x5c: {  	_ =	shalt  }
0x5d: {  	_ =	shalt  }
0x5e: {  	_ =	shalt  }
0x5f: {  	_ =	shalt  }
0x60: {  	_ =	shalt  }
0x61: {  	_ =	shalt  }
0x62: {  	_ =	shalt  }
0x63: {  	_ =	shalt  }
0x64: {  	_ =	shalt  }
0x65: {  	_ =	shalt  }
0x66: {  	_ =	shalt  }
0x67: {  	_ =	shalt  }
0x68: {  	_ =	shalt  }
0x69: {  	_ =	shalt  }
0x6a: {  	_ =	shalt  }
0x6b: {  	_ =	shalt  }
0x6c: {  	_ =	shalt  }
0x6d: {  	_ =	shalt  }
0x6e: {  	_ =	shalt  }
0x6f: {  	_ =	shalt  }
0x70: {  	_ =	shalt  }
0x71: {  	_ =	shalt  }
0x72: {  	_ =	shalt  }
0x73: {  	_ =	shalt  }
0x74: {  	_ =	shalt  }
0x75: {  	_ =	shalt  }
0x76: {  	_ =	shalt  }
0x77: {  	_ =	shalt  }
0x78: {  	_ =	shalt  }
0x79: {  	_ =	shalt  }
0x7a: {  	_ =	shalt  }
0x7b: {  	_ =	shalt  }
0x7c: {  	_ =	shalt  }
0x7d: {  	_ =	shalt  }
0x7e: {  	_ =	shalt  }
0x7f: {  	_ =	shalt  }
0x80: {  	_ =	shalt  }
0x81: {  	_ =	shalt  }
0x82: {  	_ =	shalt  }
0x83: {  	_ =	shalt  }
0x84: {  	_ =	shalt  }
0x85: {  	_ =	shalt  }
0x86: {  	_ =	shalt  }
0x87: {  	_ =	shalt  }
.Lfunc_end0:
.L_simem_size_0:
called_computation_lowered:
.L_overlay_start_0:
0x88: {  	s2 =	sld [smem:$0x3FD9]  }
0x89: {  	s3 =	sld [smem:$0x3FFE];
	_ =	sdelay $0x1  }
0x8a: {  	s1 =	srdreg.scid  }
0x8b: {  	s0 =	sand.u32 $0x1, s1  }
0x8c: {  	s14 =	sshll.u32 s0, $0xA;
	s2 =	sadd.s32 s3, s2  }
0x8d: {  	s2 =	sadd.s32 s2, s14  }
0x8e: {  	[smem:$0x3FC4] =	sst s2  }
0x8f: {  	_ = 	snop  }
0x90: {  	s2 =	sld [smem:$0x3FD0]  }
0x91: {  	s15 =	sld [smem:$0x3FC8]  }
0x92: {  	s4 =	sld [smem:$0x3FC7]  }
0x93: {  	s6 =	simm.s32 $0xA;
	s7 =	simm.s32 $0x10;
	s5 =	sld [smem:$0x3FC6]  }
0x94: {  	[smem:s7], [sflag:s6] =	dma.local [hbm:s2], $0x1  }
0x95: {  	_ =	swait.eq [sflag:s6], $0x1  }
0x96: {  	[sflag:s6] =	ssyncset.done $0x0  }
0x97: {  	s16 =	sld [smem:$0x10];
	[sflag:s6] =	ssyncadd.s32 $0xFFFFFFFF  }
0x98: {  	s17 =	sld [smem:$0x11];
	(tm) =	ssettm $0x1  }
0x99: {  	s18 =	sld [smem:$0x3FFB];
	_ =	sdelay $0x3  }
0x9a: {  	_ =	strace s18  }
0x9b: {  	s7 =	sld [smem:$0x3FFC];
	_ =	sdelay $0x3  }
0x9c: {  	_ =	strace s7  }
0x9d: {  	s7 =	sld [smem:$0x3FFD];
	_ =	sdelay $0x3  }
0x9e: {  	_ =	strace s7  }
0x9f: {  	_ =	strace $0x8FFFFFFF  }
0xa0: {  	s19 =	sld [smem:$0x3FDB];
	_ =	sdelay $0x1  }
0xa1: {  	s8 =	simm.s32 $_scs_section_size  }
0xa2: {  	s9 =	simm.s32 $_size__tile_overlayer_lowered;
	s10 =	simm.s32 $_tile_overlayer_lowered  }
0xa3: {  	s22 =	simm.s32 $0x1BFF;
	s21 =	sshll.u32 s10, $0x1;
	s7 =	sadd.s32 s8, s19  }
0xa4: {  	s11 =	simm.s32 $0x0;
	s20 =	sshll.u32 s9, $0x1;
	s9 =	sadd.s32 s21, s7  }
0xa5: {  	[timem:s11], [sflag:s22] =	dma.local [hbm:s9], s20  }
0xa6: {  	_ =	swait.ge [sflag:s22], s20  }
0xa7: {  	s8 =	ssub.s32 $0x0, s20;
	[sflag:s22] =	ssyncset.done $0x0  }
0xa8: {  	[sflag:s22] =	ssyncadd.s32 s8;
	_ =	sdelay $0x1  }
0xa9: {  	s23 =	simm.s32 $0x1B8B  }
0xaa: {  	_ =	swait.ge [sflag:s23], $0x1  }
0xab: {  	[sflag:s23] =	ssyncset.done $0x0  }
0xac: {  	s25 =	simm.s32 $0x1B8E;
	s24 =	sld [smem:$0x3FFE];
	[sflag:s23] =	ssyncadd.s32 $0xFFFFFFFF  }
0xad: {  	s26 =	simm.s32 $execute0_lowered;
	[smem:$0x3FD2] =	sst s25  }
0xae: {  	s9 =	sshll.u32 s26, $0x1;
	_ =	strace $0x80000046;
	[dreg:$0x1] =	wrdreg $0xFFFFFFFF  }
0xaf: {  	s28 =	simm.s32 $_size_execute0_lowered;
	s7 =	sadd.s32 s7, s9;
	[dreg:$0x0] =	wrdreg $0x0  }
0xb0: {  	s9 =	sshll.u32 s28, $0x1;
	[dreg:$0x2] =	wrdreg s7  }
0xb1: {  	[dreg:$0x3] =	wrdreg s9  }
0xb2: {  	[dreg:$0x4] =	wrdreg $0xC0  }
0xb3: {  	_ =	task [dreg:s11], $0x5FFFF  }
0xb4: {  	[dreg:$0x1] =	wrdreg $0xFFFFFFFF  }
0xb5: {  	[dreg:$0x0] =	wrdreg $0x60  }
0xb6: {  	[dreg:$0x2] =	wrdreg s24  }
0xb7: {  	[dreg:$0x3] =	wrdreg s15  }
0xb8: {  	[dreg:$0x4] =	wrdreg s4  }
0xb9: {  	[dreg:$0x5] =	wrdreg s5  }
0xba: {  	[dreg:$0x6] =	wrdreg s16  }
0xbb: {  	[dreg:$0x7] =	wrdreg s17  }
0xbc: {  	[dreg:$0x8] =	wrdreg $0x9  }
0xbd: {  	_ =	task.clear_ibuf [dreg:s11], $0x9FFFF;
	_ =	strace $0x90000046  }
0xbe: {  	s29 =	simm.s32 $0x9;
	_ =	strace $0x80000048  }
0xbf: {  	_ =	swait.ge [sflag:s29], $0x1  }
0xc0: {  	[sflag:s29] =	ssyncadd.s32 $0xFFFFFFFF  }
0xc1: {  	_ =	strace $0x90000048  }
0xc2: {  	_ =	sfence  }
0xc3: {  	s30 =	sld [smem:$0x0];
	_ =	sdelay $0x2  }
0xc4: {  	s31 =	sshll.u32 s1, $0xD;
	s1 =	sshrl.u32 s1, $0x2  }
0xc5: {  	s3 =	sand.u32 $0x4000, s31;
	s1 =	sadd.s32 s1, s30  }
0xc6: {  	s0 =	sor.u32 s3, s0;
	s1 =	sshll.u32 s1, $0x11  }
0xc7: {  	s0 =	sor.u32 s1, s0  }
0xc8: {  	s0 =	sadd.s32 $0x8F2B, s0  }
0xc9: {  	[sflag:s0] =	ssyncadd.remote.s32 $0x1  }
0xca: {  	_ =	sfence.sel $0xFFFF  }
0xcb: {  	[dreg:$0x0] =	wrdreg $0xFFFFFFFF;
	(pc) =	sbr.abs _section_cstart, $3  }
0xcc: {  	[dreg:$0x1] =	wrdreg $0xFFFFFFFF  }
0xcd: {  	_ =	task.clear_ibuf [dreg:s11], $0x2FFFF;
	_ =	strace $0x9FFFFFFF  }
0xce: {  	(tm) =	ssettm $0x7FFFFFFF  }
0xcf: {  	_ =	shalt  }
tec
execute0_lowered:
.L_overlay_start_1:
0x0: {  	(tag) =	ssettag $0x1  }
0x1: {  	s0 =	rddreg [dreg:$0x0]  }
0x2: {  	s1 =	rddreg [dreg:$0x1]  }
0x3: {  	s2 =	rddreg [dreg:$0x2]  }
0x4: {  	s3 =	rddreg [dreg:$0x4]  }
0x5: {  	s4 =	rddreg [dreg:$0x5]  }
0x6: {  	s6 =	srdreg.scid;
	s11 =	stileid.u32;
	s5 =	simm.s32 $0x0  }
0x7: {  	s19 =	simm.s32 $0x80;
	s29 =	simm.s32 $0x1;
	s30 =	simm.s32 $0x2710  }
0x8: {  	s31 =	simm.s32 $0x8590;
	s6 =	sand.u32 $0x1, s6;
	s7 =	sshll.u32 s11, $0x1  }
0x9: {  	[smem:$0x7FF] =	sst s5;
	p0 =	sgt.u32 s11, $0x1;
	s8 =	sor.u32 s6, s7  }
0xa: {  	_ =	strace $0x80000047;
	s9 =	ssub.s32 $0x2, s6;
	s7 =	sadd.s32 $0x800, s0  }
0xb: {  	s6 =	smul.u32 $0x4E0, s8;
	s20 =	sshrl.u32 s9, $0x1;
	s10 =	sshll.u32 s8, $0x7  }
0xc: {  	s0 =	ssub.s32 s9, s20;
	s22 =	sor.u32 $0x4E000, s10;
	s10 =	smul.u32 $0x27000, s8  }
0xd: {  	s8 =	simm.s32 $0x0;
	s21 =	sadd.s32 s1, s6;
	s23 =	sadd.s32 s2, s6  }
0xe: {  	s24 =	sshrl.u32 s22, $0x3;
	s26 =	sshll.u32 s22, $0x1;
	[dreg:$0x7] =	wrdreg s21  }
0xf: {  	s0 =	smax.u32 s0, $0x1;
	s22 =	simm.s32 $0xAD90;
	[dreg:$0x8] =	wrdreg s23  }
.Ltmp0:
0x10: {  	s1 =	sadd.s32 s1, s24;
	[dreg:$0xd] =	wrdreg s0;
	(pc) =	sbr.rel .LBB2_1-.Ltmp0, $4  }
0x11: {  	s25 =	sadd.s32 s2, s24;
	s28 =	sadd.s32 s3, s26;
	[dreg:$0x9] =	wrdreg s1  }
0x12: {  	s0 =	simm.s32 $0x8D90;
	s2 =	simm.s32 $0x2;
	[dreg:$0xa] =	wrdreg s25  }
0x13: {  	v0 =	vimm.s32 $0x0;
	vm0 =	vcmask $0x300;
	s23 =	simm.s32 $0x3;
	[dreg:$0xb] =	wrdreg s28;
	s1 =	sadd.s32 s4, s26  }
0x14: {  	v1 =	vsel vm0, $0x3, v0;
	s24 =	simm.s32 $0xC590;
	s25 =	simm.s32 $0xCD90;
	[dreg:$0xc] =	wrdreg s1  }
.LBB2_13:
0x15: {  	s8 =	sadd.s32 $0x1, s8;
	s1 =	rddreg [dreg:$0xd]  }
0x16: {  	p1 =	sne.s32 s8, s1  }
.Ltmp1:
0x17: {  	_ = 	snop;
	(pc) =	sbr.rel @!p1 .LBB2_14-.Ltmp1, $1  }
0x18: {  	_ =	sdelay $0x3  }
.LBB2_1:
0x19: {  	[dreg:$0xe] =	wrdreg s8  }
0x1a: {  	s1 =	rddreg [dreg:$0x3];
	s14 =	simm.s32 $0x7  }
0x1b: {  	[tilespmem:s5], [sflag:$0x7] =	stream.linear.gather [hbm4b:s1+s5], $0x2710, $0x38;
	[tilespmem:$0xD590] =	vst v63  }
0x1c: {  	_ =	swait.ge [sflag:s14], $0x2710  }
0x1d: {  	[sflag:s14] =	ssyncset.done $0x0  }
0x1e: {  	s9 =	simm.s32 $0x2790;
	s15 =	rddreg [dreg:$0x7];
	[sflag:s14] =	ssyncadd.s32 $0xFFFFD8F0  }
0x1f: {  	[tilespmem:s9], [sflag:$0x7] =	stream.linear.gather [hbm4b:s15+s5], $0x2700, $0x38;
	[tilespmem:$0xD590] =	vst v63  }
0x20: {  	_ =	swait.ge [sflag:s14], $0x2700  }
0x21: {  	[sflag:s14] =	ssyncset.done $0x0  }
0x22: {  	s11 =	simm.s32 $0x4E90;
	s16 =	rddreg [dreg:$0x8];
	[sflag:s14] =	ssyncadd.s32 $0xFFFFD900  }
0x23: {  	[tilespmem:s11], [sflag:$0x7] =	stream.linear.gather [hbm4b:s16+s5], $0x2700, $0x38;
	[tilespmem:$0xD590] =	vst v63  }
0x24: {  	_ =	swait.ge [sflag:s14], $0x2700  }
0x25: {  	[sflag:s14] =	ssyncset.done $0x0  }
0x26: {  	s17 =	simm.s32 $0x7590;
	[sflag:s14] =	ssyncadd.s32 $0xFFFFD900  }
0x27: {  	[tilespmem:s17], [sflag:$0x1] =	stream.indirect.gather [hbm4b:s7+s19], $0x10, s9, s19, $0xb8;
	[tilespmem:$0xD590] =	vst v63  }
0x28: {  	s18 =	simm.s32 $0x7D90  }
0x29: {  	[tilespmem:s18], [sflag:$0x1] =	stream.indirect.gather [hbm4b:s7+s19], $0x10, s11, s19, $0xb8;
	[tilespmem:$0xD590] =	vst v63  }
0x2a: {  	s20 =	simm.s32 $0x2810;
	s21 =	simm.s32 $0x9590  }
0x2b: {  	[tilespmem:s21], [sflag:$0x2] =	stream.indirect.gather [hbm4b:s7+s19], $0x10, s20, s19, $0xb8;
	[tilespmem:$0xD590] =	vst v63  }
0x2c: {  	s26 =	simm.s32 $0x4F10;
	s28 =	simm.s32 $0x9D90;
	s20 =	simm.s32 $0x0  }
0x2d: {  	[tilespmem:s28], [sflag:$0x2] =	stream.indirect.gather [hbm4b:s7+s19], $0x10, s26, s19, $0xb8;
	[tilespmem:$0xD590] =	vst v63  }
.LBB2_2:
0x2e: {  	s15 =	smul.u32 $0x3, s20;
	_ =	sdelay $0x1  }
0x2f: {  	s21 =	sadd.s32 $0x2, s15  }
0x30: {  	s8 =	sshll.u32 s21, $0x7  }
0x31: {  	s1 =	simm.s32 $0xB590;
	s9 =	sadd.s32 $0x2790, s8  }
0x32: {  	[tilespmem:s1], [sflag:$0x3] =	stream.indirect.gather [hbm4b:s7+s19], $0x10, s9, s19, $0xb8;
	[tilespmem:$0xD590] =	vst v63  }
0x33: {  	s13 =	simm.s32 $0xBD90;
	s12 =	sadd.s32 $0x4E90, s8  }
0x34: {  	[tilespmem:s13], [sflag:$0x3] =	stream.indirect.gather [hbm4b:s7+s19], $0x10, s12, s19, $0xb8;
	[tilespmem:$0xD590] =	vst v63  }
0x35: {  	_ =	swait.ge [sflag:s29], $0x800  }
0x36: {  	[sflag:s29] =	ssyncset.done $0x0  }
0x37: {  	[sflag:s29] =	ssyncadd.s32 $0xFFFFF800  }
0x38: {  	_ =	swait.ge [sflag:s29], $0x800  }
0x39: {  	s9 =	smul.u32 $0x180, s20;
	[sflag:s29] =	ssyncset.done $0x0  }
0x3a: {  	[sflag:s29] =	ssyncadd.s32 $0xFFFFF800  }
0x3b: {  	v2 =	vld [tilespmem:s9+$0x2790]  }
0x3c: {  	v3 =	vld [tilespmem:s9+$0x4E90];
	_ =	sdelay $0x6  }
0x3d: {  	v2 =	vld.idx.msk [tilespmem:v2+s5+$0x0], $0xffff  }
0x3e: {  	v3 =	vld.idx.msk [tilespmem:v3+s5+$0x0], $0xffff;
	_ =	sdelay $0x4  }
0x3f: {  	v2 =	vmul.u32 v2, v2;
	v3 =	vmul.u32 v3, v3;
	_ =	sdelay $0x1  }
0x40: {  	v2 =	vadd.s32 v2, v3  }
0x41: {  	vm0 =	vgt.s32 v2, $0x2  }
0x42: {  	vm13 =	vgt.s32 v2, $0x5;
	v3 =	vsel vm0, $0xFFFFFFFF, v0  }
0x43: {  	v2 =	vadd.s32 v3, v2;
	v3 =	vsel vm13, $0xFFFFFFFE, v0  }
0x44: {  	v2 =	vadd.s32 v3, v2  }
0x45: {  	v2 =	vcvt.s32.f32 v2;
	_ =	sdelay $0x1  }
0x46: {  	[tilespmem:$0x2710] =	vst v2  }
0x47: {  	v2 =	vld [tilespmem:s9+$0x27A0]  }
0x48: {  	v3 =	vld [tilespmem:s9+$0x4EA0];
	_ =	sdelay $0x6  }
0x49: {  	v2 =	vld.idx.msk [tilespmem:v2+s5+$0x0], $0xffff  }
0x4a: {  	v3 =	vld.idx.msk [tilespmem:v3+s5+$0x0], $0xffff;
	_ =	sdelay $0x4  }
0x4b: {  	v2 =	vmul.u32 v2, v2;
	v3 =	vmul.u32 v3, v3;
	_ =	sdelay $0x1  }
0x4c: {  	v2 =	vadd.s32 v2, v3  }
0x4d: {  	vm14 =	vgt.s32 v2, $0x2  }
0x4e: {  	vm15 =	vgt.s32 v2, $0x5;
	v3 =	vsel vm14, $0xFFFFFFFF, v0  }
0x4f: {  	v2 =	vadd.s32 v3, v2;
	v3 =	vsel vm15, $0xFFFFFFFE, v0  }
0x50: {  	v2 =	vadd.s32 v3, v2  }
0x51: {  	v2 =	vcvt.s32.f32 v2;
	_ =	sdelay $0x1  }
0x52: {  	[tilespmem:$0x2720] =	vst v2  }
0x53: {  	v2 =	vld [tilespmem:s9+$0x27B0]  }
0x54: {  	v3 =	vld [tilespmem:s9+$0x4EB0];
	_ =	sdelay $0x6  }
0x55: {  	v2 =	vld.idx.msk [tilespmem:v2+s5+$0x0], $0xffff  }
0x56: {  	v3 =	vld.idx.msk [tilespmem:v3+s5+$0x0], $0xffff;
	_ =	sdelay $0x4  }
0x57: {  	v2 =	vmul.u32 v2, v2;
	v3 =	vmul.u32 v3, v3;
	_ =	sdelay $0x1  }
0x58: {  	v2 =	vadd.s32 v2, v3  }
0x59: {  	vm4 =	vgt.s32 v2, $0x2  }
0x5a: {  	vm5 =	vgt.s32 v2, $0x5;
	v3 =	vsel vm4, $0xFFFFFFFF, v0  }
0x5b: {  	v2 =	vadd.s32 v3, v2;
	v3 =	vsel vm5, $0xFFFFFFFE, v0  }
0x5c: {  	v2 =	vadd.s32 v3, v2  }
0x5d: {  	v2 =	vcvt.s32.f32 v2;
	_ =	sdelay $0x1  }
0x5e: {  	[tilespmem:$0x2730] =	vst v2  }
0x5f: {  	v2 =	vld [tilespmem:s9+$0x27C0]  }
0x60: {  	v3 =	vld [tilespmem:s9+$0x4EC0];
	_ =	sdelay $0x6  }
0x61: {  	v2 =	vld.idx.msk [tilespmem:v2+s5+$0x0], $0xffff  }
0x62: {  	v3 =	vld.idx.msk [tilespmem:v3+s5+$0x0], $0xffff;
	_ =	sdelay $0x4  }
0x63: {  	v2 =	vmul.u32 v2, v2;
	v3 =	vmul.u32 v3, v3;
	_ =	sdelay $0x1  }
0x64: {  	v2 =	vadd.s32 v2, v3  }
0x65: {  	vm6 =	vgt.s32 v2, $0x2  }
0x66: {  	vm7 =	vgt.s32 v2, $0x5;
	v3 =	vsel vm6, $0xFFFFFFFF, v0  }
0x67: {  	v2 =	vadd.s32 v3, v2;
	v3 =	vsel vm7, $0xFFFFFFFE, v0  }
0x68: {  	v2 =	vadd.s32 v3, v2  }
0x69: {  	v2 =	vcvt.s32.f32 v2;
	_ =	sdelay $0x1  }
0x6a: {  	[tilespmem:$0x2740] =	vst v2  }
0x6b: {  	v2 =	vld [tilespmem:s9+$0x27D0]  }
0x6c: {  	v3 =	vld [tilespmem:s9+$0x4ED0];
	_ =	sdelay $0x6  }
0x6d: {  	v2 =	vld.idx.msk [tilespmem:v2+s5+$0x0], $0xffff  }
0x6e: {  	v3 =	vld.idx.msk [tilespmem:v3+s5+$0x0], $0xffff;
	_ =	sdelay $0x4  }
0x6f: {  	v2 =	vmul.u32 v2, v2;
	v3 =	vmul.u32 v3, v3;
	_ =	sdelay $0x1  }
0x70: {  	v2 =	vadd.s32 v2, v3  }
0x71: {  	vm8 =	vgt.s32 v2, $0x2  }
0x72: {  	vm9 =	vgt.s32 v2, $0x5;
	v3 =	vsel vm8, $0xFFFFFFFF, v0  }
0x73: {  	v2 =	vadd.s32 v3, v2;
	v3 =	vsel vm9, $0xFFFFFFFE, v0  }
0x74: {  	v2 =	vadd.s32 v3, v2  }
0x75: {  	v2 =	vcvt.s32.f32 v2;
	_ =	sdelay $0x1  }
0x76: {  	[tilespmem:$0x2750] =	vst v2  }
0x77: {  	v2 =	vld [tilespmem:s9+$0x27E0]  }
0x78: {  	v3 =	vld [tilespmem:s9+$0x4EE0];
	_ =	sdelay $0x6  }
0x79: {  	v2 =	vld.idx.msk [tilespmem:v2+s5+$0x0], $0xffff  }
0x7a: {  	v3 =	vld.idx.msk [tilespmem:v3+s5+$0x0], $0xffff;
	_ =	sdelay $0x4  }
0x7b: {  	v2 =	vmul.u32 v2, v2;
	v3 =	vmul.u32 v3, v3;
	_ =	sdelay $0x1  }
0x7c: {  	v2 =	vadd.s32 v2, v3  }
0x7d: {  	vm10 =	vgt.s32 v2, $0x2  }
0x7e: {  	vm11 =	vgt.s32 v2, $0x5;
	v3 =	vsel vm10, $0xFFFFFFFF, v0  }
0x7f: {  	v2 =	vadd.s32 v3, v2;
	v3 =	vsel vm11, $0xFFFFFFFE, v0  }
0x80: {  	v2 =	vadd.s32 v3, v2  }
0x81: {  	v2 =	vcvt.s32.f32 v2;
	_ =	sdelay $0x1  }
0x82: {  	[tilespmem:$0x2760] =	vst v2  }
0x83: {  	v2 =	vld [tilespmem:s9+$0x27F0]  }
0x84: {  	v3 =	vld [tilespmem:s9+$0x4EF0];
	_ =	sdelay $0x6  }
0x85: {  	v2 =	vld.idx.msk [tilespmem:v2+s5+$0x0], $0xffff  }
0x86: {  	v3 =	vld.idx.msk [tilespmem:v3+s5+$0x0], $0xffff;
	_ =	sdelay $0x4  }
0x87: {  	v2 =	vmul.u32 v2, v2;
	v3 =	vmul.u32 v3, v3;
	_ =	sdelay $0x1  }
0x88: {  	v2 =	vadd.s32 v2, v3  }
0x89: {  	vm12 =	vgt.s32 v2, $0x2  }
0x8a: {  	vm13 =	vgt.s32 v2, $0x5;
	v3 =	vsel vm12, $0xFFFFFFFF, v0  }
0x8b: {  	v2 =	vadd.s32 v3, v2;
	v3 =	vsel vm13, $0xFFFFFFFE, v0  }
0x8c: {  	v2 =	vadd.s32 v3, v2  }
0x8d: {  	v2 =	vcvt.s32.f32 v2;
	_ =	sdelay $0x1  }
0x8e: {  	[tilespmem:$0x2770] =	vst v2  }
0x8f: {  	v2 =	vld [tilespmem:s9+$0x2800]  }
0x90: {  	v3 =	vld [tilespmem:s9+$0x4F00];
	_ =	sdelay $0x6  }
0x91: {  	v2 =	vld.idx.msk [tilespmem:v2+s5+$0x0], $0xffff  }
0x92: {  	v3 =	vld.idx.msk [tilespmem:v3+s5+$0x0], $0xffff;
	_ =	sdelay $0x4  }
0x93: {  	v2 =	vmul.u32 v2, v2;
	v3 =	vmul.u32 v3, v3;
	_ =	sdelay $0x1  }
0x94: {  	v2 =	vadd.s32 v2, v3  }
0x95: {  	vm14 =	vgt.s32 v2, $0x2  }
0x96: {  	vm15 =	vgt.s32 v2, $0x5;
	v3 =	vsel vm14, $0xFFFFFFFF, v0  }
0x97: {  	v2 =	vadd.s32 v3, v2;
	v3 =	vsel vm15, $0xFFFFFFFE, v0  }
0x98: {  	v2 =	vadd.s32 v3, v2  }
0x99: {  	v2 =	vcvt.s32.f32 v2  }
0x9a: {  	p1 =	seq.s32 s20, $0x0  }
0x9b: {  	s11 =	simm.s32 @!p1 $0x4;
	[tilespmem:$0x2780] =	vst v2  }
0x9c: {  	_ =	swait.ge @!p1 [sflag:s11], $0x800  }
0x9d: {  	[sflag:s11] =	ssyncset.done @!p1 $0x0  }
0x9e: {  	[sflag:s11] =	ssyncadd.s32 @!p1 $0xFFFFF800  }
0x9f: {  	_ =	swait.ge @!p1 [sflag:s11], $0x800  }
0xa0: {  	[sflag:s11] =	ssyncset.done @!p1 $0x0  }
0xa1: {  	s17 =	simm.s32 $0x7DD0;
	s14 =	simm.s32 $0x0;
	[sflag:s11] =	ssyncadd.s32 @!p1 $0xFFFFF800  }
0xa2: {  	s18 =	simm.s32 $0x75D0;
	v3 =	vmov s14;
	v2 =	vld [tilespmem:s17+$0xFFFFFFC0]  }
0xa3: {  	v3 =	vshrl.u32 v3, $0x3;
	v4 =	vld [tilespmem:s18+$0xFFFFFFC0]  }
0xa4: {  	v3 =	vshll.u32 v3, v1  }
0xa5: {  	v3 =	vbroadcast v3, $0x0;
	_ =	sdelay $0x2  }
0xa6: {  	v2 =	vadd.f32 v2, v4  }
0xa7: {  	s13 =	simm.s32 $0x85D0  }
0xa8: {  	[tilespmem:s13+$0xFFFFFFC0] =	vst v2  }
0xa9: {  	v2 =	vld.idx.msk [tilespmem:v3+s30+$0x0], $0xffff;
	_ =	sdelay $0x3  }
0xaa: {  	s16 =	simm.s32 $0x1;
	s12 =	simm.s32 $0x8DD0  }
0xab: {  	v3 =	vmov s16;
	[tilespmem:s12+$0xFFFFFFC0] =	vst v2  }
0xac: {  	v2 =	vshrl.u32 v3, $0x3;
	v3 =	vld [tilespmem:s18+$0xFFFFFFD0]  }
0xad: {  	v2 =	vshll.u32 v2, v1;
	v4 =	vld [tilespmem:s17+$0xFFFFFFD0]  }
0xae: {  	v2 =	vadd.s32 $0x1, v2  }
0xaf: {  	v2 =	vbroadcast v2, $0x0;
	_ =	sdelay $0x2  }
0xb0: {  	v3 =	vadd.f32 v4, v3;
	_ =	sdelay $0x1  }
0xb1: {  	[tilespmem:s13+$0xFFFFFFD0] =	vst v3  }
0xb2: {  	v2 =	vld.idx.msk [tilespmem:v2+s30+$0x0], $0xffff;
	_ =	sdelay $0x3  }
0xb3: {  	s26 =	simm.s32 $0x2  }
0xb4: {  	v3 =	vmov s26;
	[tilespmem:s12+$0xFFFFFFD0] =	vst v2  }
0xb5: {  	v2 =	vshrl.u32 v3, $0x3;
	v3 =	vld [tilespmem:s18+$0xFFFFFFE0]  }
0xb6: {  	v2 =	vshll.u32 v2, v1;
	v4 =	vld [tilespmem:s17+$0xFFFFFFE0]  }
0xb7: {  	v2 =	vadd.s32 $0x2, v2  }
0xb8: {  	v2 =	vbroadcast v2, $0x0;
	_ =	sdelay $0x2  }
0xb9: {  	v3 =	vadd.f32 v4, v3;
	_ =	sdelay $0x1  }
0xba: {  	[tilespmem:s13+$0xFFFFFFE0] =	vst v3  }
0xbb: {  	v2 =	vld.idx.msk [tilespmem:v2+s30+$0x0], $0xffff;
	_ =	sdelay $0x3  }
0xbc: {  	s28 =	simm.s32 $0x3  }
0xbd: {  	v3 =	vmov s28;
	[tilespmem:s12+$0xFFFFFFE0] =	vst v2  }
0xbe: {  	v2 =	vshrl.u32 v3, $0x3;
	v3 =	vld [tilespmem:s18+$0xFFFFFFF0]  }
0xbf: {  	v2 =	vshll.u32 v2, v1;
	v4 =	vld [tilespmem:s17+$0xFFFFFFF0]  }
0xc0: {  	v2 =	vadd.s32 $0x3, v2  }
0xc1: {  	v2 =	vbroadcast v2, $0x0;
	_ =	sdelay $0x2  }
0xc2: {  	v3 =	vadd.f32 v4, v3;
	_ =	sdelay $0x1  }
0xc3: {  	[tilespmem:s13+$0xFFFFFFF0] =	vst v3  }
0xc4: {  	v2 =	vld.idx.msk [tilespmem:v2+s30+$0x0], $0xffff;
	_ =	sdelay $0x3  }
0xc5: {  	s1 =	simm.s32 $0x4  }
0xc6: {  	v3 =	vmov s1;
	[tilespmem:s12+$0xFFFFFFF0] =	vst v2  }
0xc7: {  	v2 =	vshrl.u32 v3, $0x3;
	v3 =	vld [tilespmem:s18+$0x0]  }
0xc8: {  	v2 =	vshll.u32 v2, v1;
	v4 =	vld [tilespmem:s17+$0x0]  }
0xc9: {  	v2 =	vadd.s32 $0x4, v2  }
0xca: {  	v2 =	vbroadcast v2, $0x0;
	_ =	sdelay $0x2  }
0xcb: {  	v3 =	vadd.f32 v4, v3;
	_ =	sdelay $0x1  }
0xcc: {  	[tilespmem:s13+$0x0] =	vst v3  }
0xcd: {  	v2 =	vld.idx.msk [tilespmem:v2+s30+$0x0], $0xffff;
	_ =	sdelay $0x3  }
0xce: {  	s14 =	simm.s32 $0x5  }
0xcf: {  	v3 =	vmov s14;
	[tilespmem:s12+$0x0] =	vst v2  }
0xd0: {  	v2 =	vshrl.u32 v3, $0x3;
	v3 =	vld [tilespmem:s18+$0x10]  }
0xd1: {  	v2 =	vshll.u32 v2, v1;
	v4 =	vld [tilespmem:s17+$0x10]  }
0xd2: {  	v2 =	vadd.s32 $0x5, v2  }
0xd3: {  	v2 =	vbroadcast v2, $0x0;
	_ =	sdelay $0x2  }
0xd4: {  	v3 =	vadd.f32 v4, v3;
	_ =	sdelay $0x1  }
0xd5: {  	[tilespmem:s13+$0x10] =	vst v3  }
0xd6: {  	v2 =	vld.idx.msk [tilespmem:v2+s30+$0x0], $0xffff;
	_ =	sdelay $0x3  }
0xd7: {  	s16 =	simm.s32 $0x6  }
0xd8: {  	v3 =	vmov s16;
	[tilespmem:s12+$0x10] =	vst v2  }
0xd9: {  	v2 =	vshrl.u32 v3, $0x3;
	v3 =	vld [tilespmem:s18+$0x20]  }
0xda: {  	v2 =	vshll.u32 v2, v1;
	v4 =	vld [tilespmem:s17+$0x20]  }
0xdb: {  	v2 =	vadd.s32 $0x6, v2  }
0xdc: {  	v2 =	vbroadcast v2, $0x0;
	_ =	sdelay $0x2  }
0xdd: {  	v3 =	vadd.f32 v4, v3;
	_ =	sdelay $0x1  }
0xde: {  	[tilespmem:s13+$0x20] =	vst v3  }
0xdf: {  	v2 =	vld.idx.msk [tilespmem:v2+s30+$0x0], $0xffff;
	_ =	sdelay $0x3  }
0xe0: {  	s26 =	simm.s32 $0x7  }
0xe1: {  	[tilespmem:s12+$0x20] =	vst v2;
	v2 =	vmov s26  }
0xe2: {  	v3 =	vld [tilespmem:s18+$0x30];
	v2 =	vshrl.u32 v2, $0x3  }
0xe3: {  	v4 =	vld [tilespmem:s17+$0x30];
	v2 =	vshll.u32 v2, v1  }
0xe4: {  	v2 =	vadd.s32 $0x7, v2  }
0xe5: {  	v2 =	vbroadcast v2, $0x0;
	_ =	sdelay $0x1  }
0xe6: {  	s28 =	smul.u32 $0x30, s20  }
0xe7: {  	s11 =	simm.s32 $0xF;
	v3 =	vadd.f32 v4, v3  }
0xe8: {  	s14 =	simm.s32 $0x8DD0;
	s16 =	sadd.s32 s6, s28;
	s26 =	simm.s32 $0x8650  }
.LBB2_3:
0xe9: {  	[tilespmem:s13+$0x30] =	vst v3;
	s18 =	sadd.s32 $0x80, s18;
	s17 =	sadd.s32 $0x80, s17;
	s12 =	sadd.s32 $0x80, s12  }
0xea: {  	p2 =	sne.s32 s11, $0x7F;
	s28 =	smov.u32 s11;
	s11 =	sadd.s32 $0x8, s11;
	v2 =	vld.idx.msk [tilespmem:v2+s30+$0x0], $0xffff  }
0xeb: {  	s13 =	smov.u32 s26;
	_ =	sdelay $0x4  }
0xec: {  	s1 =	sadd.s32 $0xFFFFFFF9, s28;
	[tilespmem:s14+$0x30] =	vst v2;
	s14 =	smov.u32 s12  }
0xed: {  	v3 =	vmov s1;
	v2 =	vld [tilespmem:s17+$0xFFFFFFC0]  }
0xee: {  	v3 =	vshrl.u32 v3, $0x3;
	v4 =	vld [tilespmem:s18+$0xFFFFFFC0]  }
0xef: {  	v3 =	vshll.u32 v3, v1  }
0xf0: {  	v3 =	vbroadcast v3, $0x0;
	_ =	sdelay $0x2  }
0xf1: {  	v2 =	vadd.f32 v2, v4;
	_ =	sdelay $0x1  }
0xf2: {  	[tilespmem:s26+$0xFFFFFFC0] =	vst v2  }
0xf3: {  	v2 =	vld.idx.msk [tilespmem:v3+s30+$0x0], $0xffff;
	_ =	sdelay $0x3  }
0xf4: {  	s1 =	sadd.s32 $0xFFFFFFFA, s28  }
0xf5: {  	v3 =	vmov s1  }
0xf6: {  	[tilespmem:s12+$0xFFFFFFC0] =	vst v2;
	v2 =	vshrl.u32 v3, $0x3  }
0xf7: {  	v3 =	vld [tilespmem:s18+$0xFFFFFFD0];
	v2 =	vshll.u32 v2, v1  }
0xf8: {  	v4 =	vld [tilespmem:s17+$0xFFFFFFD0];
	v2 =	vadd.s32 $0x1, v2  }
0xf9: {  	v2 =	vbroadcast v2, $0x0;
	_ =	sdelay $0x3  }
0xfa: {  	v3 =	vadd.f32 v4, v3;
	_ =	sdelay $0x1  }
0xfb: {  	[tilespmem:s26+$0xFFFFFFD0] =	vst v3  }
0xfc: {  	v2 =	vld.idx.msk [tilespmem:v2+s30+$0x0], $0xffff;
	_ =	sdelay $0x2  }
0xfd: {  	s1 =	sadd.s32 $0xFFFFFFFB, s28  }
0xfe: {  	v3 =	vmov s1  }
0xff: {  	v3 =	vshrl.u32 v3, $0x3  }
0x100: {  	[tilespmem:s12+$0xFFFFFFD0] =	vst v2;
	v2 =	vshll.u32 v3, v1  }
0x101: {  	v3 =	vld [tilespmem:s18+$0xFFFFFFE0];
	v2 =	vadd.s32 $0x2, v2  }
0x102: {  	v4 =	vld [tilespmem:s17+$0xFFFFFFE0];
	v2 =	vbroadcast v2, $0x0;
	_ =	sdelay $0x4  }
0x103: {  	v3 =	vadd.f32 v4, v3;
	_ =	sdelay $0x1  }
0x104: {  	[tilespmem:s26+$0xFFFFFFE0] =	vst v3  }
0x105: {  	v2 =	vld.idx.msk [tilespmem:v2+s30+$0x0], $0xffff;
	_ =	sdelay $0x1  }
0x106: {  	s1 =	sadd.s32 $0xFFFFFFFC, s28  }
0x107: {  	v3 =	vmov s1  }
0x108: {  	v3 =	vshrl.u32 v3, $0x3  }
0x109: {  	v3 =	vshll.u32 v3, v1  }
0x10a: {  	[tilespmem:s12+$0xFFFFFFE0] =	vst v2;
	v2 =	vadd.s32 $0x3, v3  }
0x10b: {  	v3 =	vld [tilespmem:s18+$0xFFFFFFF0];
	v2 =	vbroadcast v2, $0x0  }
0x10c: {  	v4 =	vld [tilespmem:s17+$0xFFFFFFF0];
	_ =	sdelay $0x4  }
0x10d: {  	v3 =	vadd.f32 v4, v3;
	_ =	sdelay $0x1  }
0x10e: {  	[tilespmem:s26+$0xFFFFFFF0] =	vst v3  }
0x10f: {  	v2 =	vld.idx.msk [tilespmem:v2+s30+$0x0], $0xffff  }
0x110: {  	s1 =	sadd.s32 $0xFFFFFFFD, s28  }
0x111: {  	v3 =	vmov s1  }
0x112: {  	v3 =	vshrl.u32 v3, $0x3  }
0x113: {  	v3 =	vshll.u32 v3, v1  }
0x114: {  	v3 =	vadd.s32 $0x4, v3  }
0x115: {  	[tilespmem:s12+$0xFFFFFFF0] =	vst v2;
	v2 =	vbroadcast v3, $0x0  }
0x116: {  	v3 =	vld [tilespmem:s18+$0x0]  }
0x117: {  	v4 =	vld [tilespmem:s17+$0x0];
	_ =	sdelay $0x4  }
0x118: {  	v3 =	vadd.f32 v4, v3;
	_ =	sdelay $0x1  }
0x119: {  	[tilespmem:s26+$0x0] =	vst v3  }
0x11a: {  	s1 =	sadd.s32 $0xFFFFFFFE, s28;
	v2 =	vld.idx.msk [tilespmem:v2+s30+$0x0], $0xffff  }
0x11b: {  	v3 =	vmov s1  }
0x11c: {  	v3 =	vshrl.u32 v3, $0x3  }
0x11d: {  	v3 =	vshll.u32 v3, v1  }
0x11e: {  	v3 =	vadd.s32 $0x5, v3  }
0x11f: {  	v3 =	vbroadcast v3, $0x0  }
0x120: {  	[tilespmem:s12+$0x0] =	vst v2  }
0x121: {  	v2 =	vld [tilespmem:s18+$0x10]  }
0x122: {  	v4 =	vld [tilespmem:s17+$0x10];
	_ =	sdelay $0x4  }
0x123: {  	v2 =	vadd.f32 v4, v2;
	_ =	sdelay $0x1  }
0x124: {  	s1 =	sadd.s32 $0xFFFFFFFF, s28;
	[tilespmem:s26+$0x10] =	vst v2  }
0x125: {  	v2 =	vld.idx.msk [tilespmem:v3+s30+$0x0], $0xffff;
	v3 =	vmov s1  }
0x126: {  	v3 =	vshrl.u32 v3, $0x3  }
0x127: {  	v3 =	vshll.u32 v3, v1  }
0x128: {  	v3 =	vadd.s32 $0x6, v3  }
0x129: {  	v3 =	vbroadcast v3, $0x0;
	_ =	sdelay $0x1  }
0x12a: {  	[tilespmem:s12+$0x10] =	vst v2  }
0x12b: {  	v2 =	vld [tilespmem:s18+$0x20]  }
0x12c: {  	v4 =	vld [tilespmem:s17+$0x20];
	_ =	sdelay $0x4  }
0x12d: {  	v2 =	vadd.f32 v4, v2;
	_ =	sdelay $0x1  }
0x12e: {  	[tilespmem:s26+$0x20] =	vst v2;
	v2 =	vmov s28  }
0x12f: {  	v3 =	vld.idx.msk [tilespmem:v3+s30+$0x0], $0xffff;
	v2 =	vshrl.u32 v2, $0x3  }
0x130: {  	v2 =	vshll.u32 v2, v1  }
0x131: {  	v2 =	vadd.s32 $0x7, v2  }
0x132: {  	v2 =	vbroadcast v2, $0x0;
	_ =	sdelay $0x2  }
0x133: {  	[tilespmem:s12+$0x20] =	vst v3  }
0x134: {  	v3 =	vld [tilespmem:s18+$0x30]  }
0x135: {  	v4 =	vld [tilespmem:s17+$0x30];
	_ =	sdelay $0x1  }
.Ltmp2:
0x136: {  	(pc) =	sbr.rel @p2 .LBB2_3-.Ltmp2, $3  }
0x137: {  	_ =	sdelay $0x1  }
0x138: {  	v3 =	vadd.f32 v4, v3  }
0x139: {  	s26 =	sadd.s32 $0x80, s26  }
0x13a: {  	_ =	sdelay $0x2  }
0x13b: {  	[tilespmem:s13+$0x30] =	vst v3  }
0x13c: {  	v2 =	vld.idx.msk [tilespmem:v2+s30+$0x0], $0xffff;
	_ =	sdelay $0x3  }
0x13d: {  	s1 =	sshll.u32 s16, $0x4  }
0x13e: {  	s11 =	sadd.s32 s3, s1;
	[tilespmem:s14+$0x30] =	vst v2  }
0x13f: {  	[hbm4b:s11+s5] =	stream.linear.scatter [tilespmem:s31], [sflag:$0x4], $0x800, $0x38;
	[tilespmem:$0xD590] =	vst v63  }
0x140: {  	p2 =	seq.s32 s20, $0x19;
	s1 =	sadd.s32 s4, s1  }
0x141: {  	[hbm4b:s1+s5] =	stream.linear.scatter [tilespmem:s0], [sflag:$0x4], $0x800, $0x38;
	[tilespmem:$0xD590] =	vst v63  }
0x142: {  	s12 =	simm.s32 @!p2 $0x7590;
	s11 =	simm.s32 @!p2 $0x80;
	s1 =	sadd.s32 @!p2 $0x2910, s9  }
0x143: {  	[tilespmem:s12], [sflag:$0x1] =	stream.indirect.gather @!p2 [hbm4b:s7+s11], $0x10, s1, s11, $0xb8;
	[tilespmem:$0xD590] =	vst v63  }
0x144: {  	s1 =	sadd.s32 @!p2 $0x5010, s9;
	s12 =	simm.s32 @!p2 $0x7D90  }
0x145: {  	[tilespmem:s12], [sflag:$0x1] =	stream.indirect.gather @!p2 [hbm4b:s7+s11], $0x10, s1, s11, $0xb8;
	[tilespmem:$0xD590] =	vst v63  }
0x146: {  	_ =	swait.ge [sflag:s2], $0x800  }
0x147: {  	[sflag:s2] =	ssyncset.done $0x0  }
0x148: {  	[sflag:s2] =	ssyncadd.s32 $0xFFFFF800  }
0x149: {  	_ =	swait.ge [sflag:s2], $0x800  }
0x14a: {  	s15 =	sadd.s32 $0x1, s15;
	[sflag:s2] =	ssyncset.done $0x0  }
0x14b: {  	s14 =	sshll.u32 s15, $0x7;
	[sflag:s2] =	ssyncadd.s32 $0xFFFFF800  }
0x14c: {  	v2 =	vld [tilespmem:s14+$0x2790]  }
0x14d: {  	v3 =	vld [tilespmem:s14+$0x4E90];
	_ =	sdelay $0x6  }
0x14e: {  	v2 =	vld.idx.msk [tilespmem:v2+s5+$0x0], $0xffff  }
0x14f: {  	v3 =	vld.idx.msk [tilespmem:v3+s5+$0x0], $0xffff;
	_ =	sdelay $0x4  }
0x150: {  	v2 =	vmul.u32 v2, v2;
	v3 =	vmul.u32 v3, v3;
	_ =	sdelay $0x1  }
0x151: {  	v2 =	vadd.s32 v2, v3  }
0x152: {  	vm0 =	vgt.s32 v2, $0x2  }
0x153: {  	vm13 =	vgt.s32 v2, $0x5;
	v3 =	vsel vm0, $0xFFFFFFFF, v0  }
0x154: {  	v2 =	vadd.s32 v3, v2;
	v3 =	vsel vm13, $0xFFFFFFFE, v0  }
0x155: {  	v2 =	vadd.s32 v3, v2  }
0x156: {  	v2 =	vcvt.s32.f32 v2;
	_ =	sdelay $0x1  }
0x157: {  	[tilespmem:$0x2710] =	vst v2  }
0x158: {  	v2 =	vld [tilespmem:s14+$0x27A0]  }
0x159: {  	v3 =	vld [tilespmem:s14+$0x4EA0];
	_ =	sdelay $0x6  }
0x15a: {  	v2 =	vld.idx.msk [tilespmem:v2+s5+$0x0], $0xffff  }
0x15b: {  	v3 =	vld.idx.msk [tilespmem:v3+s5+$0x0], $0xffff;
	_ =	sdelay $0x4  }
0x15c: {  	v2 =	vmul.u32 v2, v2;
	v3 =	vmul.u32 v3, v3;
	_ =	sdelay $0x1  }
0x15d: {  	v2 =	vadd.s32 v2, v3  }
0x15e: {  	vm14 =	vgt.s32 v2, $0x2  }
0x15f: {  	vm15 =	vgt.s32 v2, $0x5;
	v3 =	vsel vm14, $0xFFFFFFFF, v0  }
0x160: {  	v2 =	vadd.s32 v3, v2;
	v3 =	vsel vm15, $0xFFFFFFFE, v0  }
0x161: {  	v2 =	vadd.s32 v3, v2  }
0x162: {  	v2 =	vcvt.s32.f32 v2;
	_ =	sdelay $0x1  }
0x163: {  	[tilespmem:$0x2720] =	vst v2  }
0x164: {  	v2 =	vld [tilespmem:s14+$0x27B0]  }
0x165: {  	v3 =	vld [tilespmem:s14+$0x4EB0];
	_ =	sdelay $0x6  }
0x166: {  	v2 =	vld.idx.msk [tilespmem:v2+s5+$0x0], $0xffff  }
0x167: {  	v3 =	vld.idx.msk [tilespmem:v3+s5+$0x0], $0xffff;
	_ =	sdelay $0x4  }
0x168: {  	v2 =	vmul.u32 v2, v2;
	v3 =	vmul.u32 v3, v3;
	_ =	sdelay $0x1  }
0x169: {  	v2 =	vadd.s32 v2, v3  }
0x16a: {  	vm4 =	vgt.s32 v2, $0x2  }
0x16b: {  	vm5 =	vgt.s32 v2, $0x5;
	v3 =	vsel vm4, $0xFFFFFFFF, v0  }
0x16c: {  	v2 =	vadd.s32 v3, v2;
	v3 =	vsel vm5, $0xFFFFFFFE, v0  }
0x16d: {  	v2 =	vadd.s32 v3, v2  }
0x16e: {  	v2 =	vcvt.s32.f32 v2;
	_ =	sdelay $0x1  }
0x16f: {  	[tilespmem:$0x2730] =	vst v2  }
0x170: {  	v2 =	vld [tilespmem:s14+$0x27C0]  }
0x171: {  	v3 =	vld [tilespmem:s14+$0x4EC0];
	_ =	sdelay $0x6  }
0x172: {  	v2 =	vld.idx.msk [tilespmem:v2+s5+$0x0], $0xffff  }
0x173: {  	v3 =	vld.idx.msk [tilespmem:v3+s5+$0x0], $0xffff;
	_ =	sdelay $0x4  }
0x174: {  	v2 =	vmul.u32 v2, v2;
	v3 =	vmul.u32 v3, v3;
	_ =	sdelay $0x1  }
0x175: {  	v2 =	vadd.s32 v2, v3  }
0x176: {  	vm6 =	vgt.s32 v2, $0x2  }
0x177: {  	vm7 =	vgt.s32 v2, $0x5;
	v3 =	vsel vm6, $0xFFFFFFFF, v0  }
0x178: {  	v2 =	vadd.s32 v3, v2;
	v3 =	vsel vm7, $0xFFFFFFFE, v0  }
0x179: {  	v2 =	vadd.s32 v3, v2  }
0x17a: {  	v2 =	vcvt.s32.f32 v2;
	_ =	sdelay $0x1  }
0x17b: {  	[tilespmem:$0x2740] =	vst v2  }
0x17c: {  	v2 =	vld [tilespmem:s14+$0x27D0]  }
0x17d: {  	v3 =	vld [tilespmem:s14+$0x4ED0];
	_ =	sdelay $0x6  }
0x17e: {  	v2 =	vld.idx.msk [tilespmem:v2+s5+$0x0], $0xffff  }
0x17f: {  	v3 =	vld.idx.msk [tilespmem:v3+s5+$0x0], $0xffff;
	_ =	sdelay $0x4  }
0x180: {  	v2 =	vmul.u32 v2, v2;
	v3 =	vmul.u32 v3, v3;
	_ =	sdelay $0x1  }
0x181: {  	v2 =	vadd.s32 v2, v3  }
0x182: {  	vm8 =	vgt.s32 v2, $0x2  }
0x183: {  	vm9 =	vgt.s32 v2, $0x5;
	v3 =	vsel vm8, $0xFFFFFFFF, v0  }
0x184: {  	v2 =	vadd.s32 v3, v2;
	v3 =	vsel vm9, $0xFFFFFFFE, v0  }
0x185: {  	v2 =	vadd.s32 v3, v2  }
0x186: {  	v2 =	vcvt.s32.f32 v2;
	_ =	sdelay $0x1  }
0x187: {  	[tilespmem:$0x2750] =	vst v2  }
0x188: {  	v2 =	vld [tilespmem:s14+$0x27E0]  }
0x189: {  	v3 =	vld [tilespmem:s14+$0x4EE0];
	_ =	sdelay $0x6  }
0x18a: {  	v2 =	vld.idx.msk [tilespmem:v2+s5+$0x0], $0xffff  }
0x18b: {  	v3 =	vld.idx.msk [tilespmem:v3+s5+$0x0], $0xffff;
	_ =	sdelay $0x4  }
0x18c: {  	v2 =	vmul.u32 v2, v2;
	v3 =	vmul.u32 v3, v3;
	_ =	sdelay $0x1  }
0x18d: {  	v2 =	vadd.s32 v2, v3  }
0x18e: {  	vm10 =	vgt.s32 v2, $0x2  }
0x18f: {  	vm11 =	vgt.s32 v2, $0x5;
	v3 =	vsel vm10, $0xFFFFFFFF, v0  }
0x190: {  	v2 =	vadd.s32 v3, v2;
	v3 =	vsel vm11, $0xFFFFFFFE, v0  }
0x191: {  	v2 =	vadd.s32 v3, v2  }
0x192: {  	v2 =	vcvt.s32.f32 v2;
	_ =	sdelay $0x1  }
0x193: {  	[tilespmem:$0x2760] =	vst v2  }
0x194: {  	v2 =	vld [tilespmem:s14+$0x27F0]  }
0x195: {  	v3 =	vld [tilespmem:s14+$0x4EF0];
	_ =	sdelay $0x6  }
0x196: {  	v2 =	vld.idx.msk [tilespmem:v2+s5+$0x0], $0xffff  }
0x197: {  	v3 =	vld.idx.msk [tilespmem:v3+s5+$0x0], $0xffff;
	_ =	sdelay $0x4  }
0x198: {  	v2 =	vmul.u32 v2, v2;
	v3 =	vmul.u32 v3, v3;
	_ =	sdelay $0x1  }
0x199: {  	v2 =	vadd.s32 v2, v3  }
0x19a: {  	vm12 =	vgt.s32 v2, $0x2  }
0x19b: {  	vm13 =	vgt.s32 v2, $0x5;
	v3 =	vsel vm12, $0xFFFFFFFF, v0  }
0x19c: {  	v2 =	vadd.s32 v3, v2;
	v3 =	vsel vm13, $0xFFFFFFFE, v0  }
0x19d: {  	v2 =	vadd.s32 v3, v2  }
0x19e: {  	v2 =	vcvt.s32.f32 v2;
	_ =	sdelay $0x1  }
0x19f: {  	[tilespmem:$0x2770] =	vst v2  }
0x1a0: {  	v2 =	vld [tilespmem:s14+$0x2800]  }
0x1a1: {  	v3 =	vld [tilespmem:s14+$0x4F00];
	_ =	sdelay $0x6  }
0x1a2: {  	v2 =	vld.idx.msk [tilespmem:v2+s5+$0x0], $0xffff  }
0x1a3: {  	v3 =	vld.idx.msk [tilespmem:v3+s5+$0x0], $0xffff;
	_ =	sdelay $0x4  }
0x1a4: {  	v2 =	vmul.u32 v2, v2;
	v3 =	vmul.u32 v3, v3;
	_ =	sdelay $0x1  }
0x1a5: {  	v2 =	vadd.s32 v2, v3  }
0x1a6: {  	vm14 =	vgt.s32 v2, $0x2  }
0x1a7: {  	vm15 =	vgt.s32 v2, $0x5;
	v3 =	vsel vm14, $0xFFFFFFFF, v0  }
0x1a8: {  	v2 =	vadd.s32 v3, v2;
	v3 =	vsel vm15, $0xFFFFFFFE, v0  }
0x1a9: {  	v2 =	vadd.s32 v3, v2  }
0x1aa: {  	v2 =	vcvt.s32.f32 v2;
	_ =	sdelay $0x1  }
0x1ab: {  	s1 =	simm.s32 @!p1 $0x5;
	[tilespmem:$0x2780] =	vst v2  }
0x1ac: {  	_ =	swait.ge @!p1 [sflag:s1], $0x800  }
0x1ad: {  	[sflag:s1] =	ssyncset.done @!p1 $0x0  }
0x1ae: {  	[sflag:s1] =	ssyncadd.s32 @!p1 $0xFFFFF800  }
0x1af: {  	_ =	swait.ge @!p1 [sflag:s1], $0x800  }
0x1b0: {  	[sflag:s1] =	ssyncset.done @!p1 $0x0  }
0x1b1: {  	s17 =	simm.s32 $0x9DD0;
	s16 =	simm.s32 $0x0;
	[sflag:s1] =	ssyncadd.s32 @!p1 $0xFFFFF800  }
0x1b2: {  	s18 =	simm.s32 $0x95D0;
	v3 =	vmov s16;
	v2 =	vld [tilespmem:s17+$0xFFFFFFC0]  }
0x1b3: {  	v3 =	vshrl.u32 v3, $0x3;
	v4 =	vld [tilespmem:s18+$0xFFFFFFC0]  }
0x1b4: {  	v3 =	vshll.u32 v3, v1  }
0x1b5: {  	v3 =	vbroadcast v3, $0x0;
	_ =	sdelay $0x2  }
0x1b6: {  	v2 =	vadd.f32 v2, v4  }
0x1b7: {  	s13 =	simm.s32 $0xA5D0  }
0x1b8: {  	[tilespmem:s13+$0xFFFFFFC0] =	vst v2  }
0x1b9: {  	v2 =	vld.idx.msk [tilespmem:v3+s30+$0x0], $0xffff;
	_ =	sdelay $0x3  }
0x1ba: {  	s26 =	simm.s32 $0x1;
	s12 =	simm.s32 $0xADD0  }
0x1bb: {  	v3 =	vmov s26;
	[tilespmem:s12+$0xFFFFFFC0] =	vst v2  }
0x1bc: {  	v2 =	vshrl.u32 v3, $0x3;
	v3 =	vld [tilespmem:s18+$0xFFFFFFD0]  }
0x1bd: {  	v2 =	vshll.u32 v2, v1;
	v4 =	vld [tilespmem:s17+$0xFFFFFFD0]  }
0x1be: {  	v2 =	vadd.s32 $0x1, v2  }
0x1bf: {  	v2 =	vbroadcast v2, $0x0;
	_ =	sdelay $0x2  }
0x1c0: {  	v3 =	vadd.f32 v4, v3;
	_ =	sdelay $0x1  }
0x1c1: {  	[tilespmem:s13+$0xFFFFFFD0] =	vst v3  }
0x1c2: {  	v2 =	vld.idx.msk [tilespmem:v2+s30+$0x0], $0xffff;
	_ =	sdelay $0x3  }
0x1c3: {  	s28 =	simm.s32 $0x2  }
0x1c4: {  	v3 =	vmov s28;
	[tilespmem:s12+$0xFFFFFFD0] =	vst v2  }
0x1c5: {  	v2 =	vshrl.u32 v3, $0x3;
	v3 =	vld [tilespmem:s18+$0xFFFFFFE0]  }
0x1c6: {  	v2 =	vshll.u32 v2, v1;
	v4 =	vld [tilespmem:s17+$0xFFFFFFE0]  }
0x1c7: {  	v2 =	vadd.s32 $0x2, v2  }
0x1c8: {  	v2 =	vbroadcast v2, $0x0;
	_ =	sdelay $0x2  }
0x1c9: {  	v3 =	vadd.f32 v4, v3;
	_ =	sdelay $0x1  }
0x1ca: {  	[tilespmem:s13+$0xFFFFFFE0] =	vst v3  }
0x1cb: {  	v2 =	vld.idx.msk [tilespmem:v2+s30+$0x0], $0xffff;
	_ =	sdelay $0x3  }
0x1cc: {  	s11 =	simm.s32 $0x3  }
0x1cd: {  	v3 =	vmov s11;
	[tilespmem:s12+$0xFFFFFFE0] =	vst v2  }
0x1ce: {  	v2 =	vshrl.u32 v3, $0x3;
	v3 =	vld [tilespmem:s18+$0xFFFFFFF0]  }
0x1cf: {  	v2 =	vshll.u32 v2, v1;
	v4 =	vld [tilespmem:s17+$0xFFFFFFF0]  }
0x1d0: {  	v2 =	vadd.s32 $0x3, v2  }
0x1d1: {  	v2 =	vbroadcast v2, $0x0;
	_ =	sdelay $0x2  }
0x1d2: {  	v3 =	vadd.f32 v4, v3;
	_ =	sdelay $0x1  }
0x1d3: {  	[tilespmem:s13+$0xFFFFFFF0] =	vst v3  }
0x1d4: {  	v2 =	vld.idx.msk [tilespmem:v2+s30+$0x0], $0xffff;
	_ =	sdelay $0x3  }
0x1d5: {  	s14 =	simm.s32 $0x4  }
0x1d6: {  	v3 =	vmov s14;
	[tilespmem:s12+$0xFFFFFFF0] =	vst v2  }
0x1d7: {  	v2 =	vshrl.u32 v3, $0x3;
	v3 =	vld [tilespmem:s18+$0x0]  }
0x1d8: {  	v2 =	vshll.u32 v2, v1;
	v4 =	vld [tilespmem:s17+$0x0]  }
0x1d9: {  	v2 =	vadd.s32 $0x4, v2  }
0x1da: {  	v2 =	vbroadcast v2, $0x0;
	_ =	sdelay $0x2  }
0x1db: {  	v3 =	vadd.f32 v4, v3;
	_ =	sdelay $0x1  }
0x1dc: {  	[tilespmem:s13+$0x0] =	vst v3  }
0x1dd: {  	v2 =	vld.idx.msk [tilespmem:v2+s30+$0x0], $0xffff;
	_ =	sdelay $0x3  }
0x1de: {  	s16 =	simm.s32 $0x5  }
0x1df: {  	v3 =	vmov s16;
	[tilespmem:s12+$0x0] =	vst v2  }
0x1e0: {  	v2 =	vshrl.u32 v3, $0x3;
	v3 =	vld [tilespmem:s18+$0x10]  }
0x1e1: {  	v2 =	vshll.u32 v2, v1;
	v4 =	vld [tilespmem:s17+$0x10]  }
0x1e2: {  	v2 =	vadd.s32 $0x5, v2  }
0x1e3: {  	v2 =	vbroadcast v2, $0x0;
	_ =	sdelay $0x2  }
0x1e4: {  	v3 =	vadd.f32 v4, v3;
	_ =	sdelay $0x1  }
0x1e5: {  	[tilespmem:s13+$0x10] =	vst v3  }
0x1e6: {  	v2 =	vld.idx.msk [tilespmem:v2+s30+$0x0], $0xffff;
	_ =	sdelay $0x3  }
0x1e7: {  	s26 =	simm.s32 $0x6  }
0x1e8: {  	v3 =	vmov s26;
	[tilespmem:s12+$0x10] =	vst v2  }
0x1e9: {  	v2 =	vshrl.u32 v3, $0x3;
	v3 =	vld [tilespmem:s18+$0x20]  }
0x1ea: {  	v2 =	vshll.u32 v2, v1;
	v4 =	vld [tilespmem:s17+$0x20]  }
0x1eb: {  	v2 =	vadd.s32 $0x6, v2  }
0x1ec: {  	v2 =	vbroadcast v2, $0x0;
	_ =	sdelay $0x2  }
0x1ed: {  	v3 =	vadd.f32 v4, v3;
	_ =	sdelay $0x1  }
0x1ee: {  	[tilespmem:s13+$0x20] =	vst v3  }
0x1ef: {  	v2 =	vld.idx.msk [tilespmem:v2+s30+$0x0], $0xffff;
	_ =	sdelay $0x3  }
0x1f0: {  	s28 =	simm.s32 $0x7  }
0x1f1: {  	[tilespmem:s12+$0x20] =	vst v2;
	v2 =	vmov s28  }
0x1f2: {  	v3 =	vld [tilespmem:s18+$0x30];
	v2 =	vshrl.u32 v2, $0x3  }
0x1f3: {  	v4 =	vld [tilespmem:s17+$0x30];
	v2 =	vshll.u32 v2, v1  }
0x1f4: {  	v2 =	vadd.s32 $0x7, v2  }
0x1f5: {  	v2 =	vbroadcast v2, $0x0;
	_ =	sdelay $0x2  }
0x1f6: {  	v3 =	vadd.f32 v4, v3  }
0x1f7: {  	s11 =	simm.s32 $0xF;
	s14 =	simm.s32 $0xA650;
	s16 =	simm.s32 $0xADD0  }
.LBB2_5:
0x1f8: {  	[tilespmem:s13+$0x30] =	vst v3;
	s18 =	sadd.s32 $0x80, s18;
	s17 =	sadd.s32 $0x80, s17;
	s12 =	sadd.s32 $0x80, s12  }
0x1f9: {  	p3 =	sne.s32 s11, $0x7F;
	s26 =	smov.u32 s11;
	s11 =	sadd.s32 $0x8, s11;
	v2 =	vld.idx.msk [tilespmem:v2+s30+$0x0], $0xffff  }
0x1fa: {  	s13 =	smov.u32 s14;
	_ =	sdelay $0x4  }
0x1fb: {  	s1 =	sadd.s32 $0xFFFFFFF9, s26;
	[tilespmem:s16+$0x30] =	vst v2;
	s16 =	smov.u32 s12  }
0x1fc: {  	v3 =	vmov s1;
	v2 =	vld [tilespmem:s17+$0xFFFFFFC0]  }
0x1fd: {  	v3 =	vshrl.u32 v3, $0x3;
	v4 =	vld [tilespmem:s18+$0xFFFFFFC0]  }
0x1fe: {  	v3 =	vshll.u32 v3, v1  }
0x1ff: {  	v3 =	vbroadcast v3, $0x0;
	_ =	sdelay $0x2  }
0x200: {  	v2 =	vadd.f32 v2, v4;
	_ =	sdelay $0x1  }
0x201: {  	[tilespmem:s14+$0xFFFFFFC0] =	vst v2  }
0x202: {  	v2 =	vld.idx.msk [tilespmem:v3+s30+$0x0], $0xffff;
	_ =	sdelay $0x3  }
0x203: {  	s1 =	sadd.s32 $0xFFFFFFFA, s26  }
0x204: {  	v3 =	vmov s1  }
0x205: {  	[tilespmem:s12+$0xFFFFFFC0] =	vst v2;
	v2 =	vshrl.u32 v3, $0x3  }
0x206: {  	v3 =	vld [tilespmem:s18+$0xFFFFFFD0];
	v2 =	vshll.u32 v2, v1  }
0x207: {  	v4 =	vld [tilespmem:s17+$0xFFFFFFD0];
	v2 =	vadd.s32 $0x1, v2  }
0x208: {  	v2 =	vbroadcast v2, $0x0;
	_ =	sdelay $0x3  }
0x209: {  	v3 =	vadd.f32 v4, v3;
	_ =	sdelay $0x1  }
0x20a: {  	[tilespmem:s14+$0xFFFFFFD0] =	vst v3  }
0x20b: {  	v2 =	vld.idx.msk [tilespmem:v2+s30+$0x0], $0xffff;
	_ =	sdelay $0x2  }
0x20c: {  	s1 =	sadd.s32 $0xFFFFFFFB, s26  }
0x20d: {  	v3 =	vmov s1  }
0x20e: {  	v3 =	vshrl.u32 v3, $0x3  }
0x20f: {  	[tilespmem:s12+$0xFFFFFFD0] =	vst v2;
	v2 =	vshll.u32 v3, v1  }
0x210: {  	v3 =	vld [tilespmem:s18+$0xFFFFFFE0];
	v2 =	vadd.s32 $0x2, v2  }
0x211: {  	v4 =	vld [tilespmem:s17+$0xFFFFFFE0];
	v2 =	vbroadcast v2, $0x0;
	_ =	sdelay $0x4  }
0x212: {  	v3 =	vadd.f32 v4, v3;
	_ =	sdelay $0x1  }
0x213: {  	[tilespmem:s14+$0xFFFFFFE0] =	vst v3  }
0x214: {  	v2 =	vld.idx.msk [tilespmem:v2+s30+$0x0], $0xffff;
	_ =	sdelay $0x1  }
0x215: {  	s1 =	sadd.s32 $0xFFFFFFFC, s26  }
0x216: {  	v3 =	vmov s1  }
0x217: {  	v3 =	vshrl.u32 v3, $0x3  }
0x218: {  	v3 =	vshll.u32 v3, v1  }
0x219: {  	[tilespmem:s12+$0xFFFFFFE0] =	vst v2;
	v2 =	vadd.s32 $0x3, v3  }
0x21a: {  	v3 =	vld [tilespmem:s18+$0xFFFFFFF0];
	v2 =	vbroadcast v2, $0x0  }
0x21b: {  	v4 =	vld [tilespmem:s17+$0xFFFFFFF0];
	_ =	sdelay $0x4  }
0x21c: {  	v3 =	vadd.f32 v4, v3;
	_ =	sdelay $0x1  }
0x21d: {  	[tilespmem:s14+$0xFFFFFFF0] =	vst v3  }
0x21e: {  	v2 =	vld.idx.msk [tilespmem:v2+s30+$0x0], $0xffff  }
0x21f: {  	s1 =	sadd.s32 $0xFFFFFFFD, s26  }
0x220: {  	v3 =	vmov s1  }
0x221: {  	v3 =	vshrl.u32 v3, $0x3  }
0x222: {  	v3 =	vshll.u32 v3, v1  }
0x223: {  	v3 =	vadd.s32 $0x4, v3  }
0x224: {  	[tilespmem:s12+$0xFFFFFFF0] =	vst v2;
	v2 =	vbroadcast v3, $0x0  }
0x225: {  	v3 =	vld [tilespmem:s18+$0x0]  }
0x226: {  	v4 =	vld [tilespmem:s17+$0x0];
	_ =	sdelay $0x4  }
0x227: {  	v3 =	vadd.f32 v4, v3;
	_ =	sdelay $0x1  }
0x228: {  	[tilespmem:s14+$0x0] =	vst v3  }
0x229: {  	s1 =	sadd.s32 $0xFFFFFFFE, s26;
	v2 =	vld.idx.msk [tilespmem:v2+s30+$0x0], $0xffff  }
0x22a: {  	v3 =	vmov s1  }
0x22b: {  	v3 =	vshrl.u32 v3, $0x3  }
0x22c: {  	v3 =	vshll.u32 v3, v1  }
0x22d: {  	v3 =	vadd.s32 $0x5, v3  }
0x22e: {  	v3 =	vbroadcast v3, $0x0  }
0x22f: {  	[tilespmem:s12+$0x0] =	vst v2  }
0x230: {  	v2 =	vld [tilespmem:s18+$0x10]  }
0x231: {  	v4 =	vld [tilespmem:s17+$0x10];
	_ =	sdelay $0x4  }
0x232: {  	v2 =	vadd.f32 v4, v2;
	_ =	sdelay $0x1  }
0x233: {  	s1 =	sadd.s32 $0xFFFFFFFF, s26;
	[tilespmem:s14+$0x10] =	vst v2  }
0x234: {  	v2 =	vld.idx.msk [tilespmem:v3+s30+$0x0], $0xffff;
	v3 =	vmov s1  }
0x235: {  	v3 =	vshrl.u32 v3, $0x3  }
0x236: {  	v3 =	vshll.u32 v3, v1  }
0x237: {  	v3 =	vadd.s32 $0x6, v3  }
0x238: {  	v3 =	vbroadcast v3, $0x0;
	_ =	sdelay $0x1  }
0x239: {  	[tilespmem:s12+$0x10] =	vst v2  }
0x23a: {  	v2 =	vld [tilespmem:s18+$0x20]  }
0x23b: {  	v4 =	vld [tilespmem:s17+$0x20];
	_ =	sdelay $0x4  }
0x23c: {  	v2 =	vadd.f32 v4, v2;
	_ =	sdelay $0x1  }
0x23d: {  	[tilespmem:s14+$0x20] =	vst v2;
	v2 =	vmov s26  }
0x23e: {  	v3 =	vld.idx.msk [tilespmem:v3+s30+$0x0], $0xffff;
	v2 =	vshrl.u32 v2, $0x3  }
0x23f: {  	v2 =	vshll.u32 v2, v1  }
0x240: {  	v2 =	vadd.s32 $0x7, v2  }
0x241: {  	v2 =	vbroadcast v2, $0x0;
	_ =	sdelay $0x2  }
0x242: {  	[tilespmem:s12+$0x20] =	vst v3  }
0x243: {  	v3 =	vld [tilespmem:s18+$0x30]  }
0x244: {  	v4 =	vld [tilespmem:s17+$0x30];
	_ =	sdelay $0x1  }
.Ltmp3:
0x245: {  	(pc) =	sbr.rel @p3 .LBB2_5-.Ltmp3, $3  }
0x246: {  	_ =	sdelay $0x1  }
0x247: {  	v3 =	vadd.f32 v4, v3  }
0x248: {  	s14 =	sadd.s32 $0x80, s14  }
0x249: {  	_ =	sdelay $0x2  }
0x24a: {  	[tilespmem:s13+$0x30] =	vst v3  }
0x24b: {  	v2 =	vld.idx.msk [tilespmem:v2+s30+$0x0], $0xffff;
	_ =	sdelay $0x1  }
0x24c: {  	s1 =	sshll.u32 s15, $0xB  }
0x24d: {  	s1 =	sadd.s32 s10, s1  }
0x24e: {  	s1 =	sshrl.u32 s1, $0x3  }
0x24f: {  	s12 =	simm.s32 $0xA590;
	s11 =	sadd.s32 s3, s1;
	[tilespmem:s16+$0x30] =	vst v2  }
0x250: {  	[hbm4b:s11+s5] =	stream.linear.scatter [tilespmem:s12], [sflag:$0x5], $0x800, $0x38;
	[tilespmem:$0xD590] =	vst v63  }
0x251: {  	s1 =	sadd.s32 s4, s1  }
0x252: {  	[hbm4b:s1+s5] =	stream.linear.scatter [tilespmem:s22], [sflag:$0x5], $0x800, $0x38;
	[tilespmem:$0xD590] =	vst v63  }
0x253: {  	s11 =	simm.s32 @!p2 $0x80;
	s12 =	simm.s32 @!p2 $0x9590;
	s1 =	sadd.s32 @!p2 $0x2990, s9  }
0x254: {  	[tilespmem:s12], [sflag:$0x2] =	stream.indirect.gather @!p2 [hbm4b:s7+s11], $0x10, s1, s11, $0xb8;
	[tilespmem:$0xD590] =	vst v63  }
0x255: {  	s1 =	sadd.s32 @!p2 $0x5090, s9;
	s9 =	simm.s32 @!p2 $0x9D90  }
0x256: {  	[tilespmem:s9], [sflag:$0x2] =	stream.indirect.gather @!p2 [hbm4b:s7+s11], $0x10, s1, s11, $0xb8;
	[tilespmem:$0xD590] =	vst v63  }
0x257: {  	_ =	swait.ge [sflag:s23], $0x800  }
0x258: {  	[sflag:s23] =	ssyncset.done $0x0  }
0x259: {  	[sflag:s23] =	ssyncadd.s32 $0xFFFFF800  }
0x25a: {  	_ =	swait.ge [sflag:s23], $0x800  }
0x25b: {  	[sflag:s23] =	ssyncset.done $0x0  }
0x25c: {  	[sflag:s23] =	ssyncadd.s32 $0xFFFFF800  }
0x25d: {  	v2 =	vld [tilespmem:s8+$0x2790]  }
0x25e: {  	v3 =	vld [tilespmem:s8+$0x4E90];
	_ =	sdelay $0x6  }
0x25f: {  	v2 =	vld.idx.msk [tilespmem:v2+s5+$0x0], $0xffff  }
0x260: {  	v3 =	vld.idx.msk [tilespmem:v3+s5+$0x0], $0xffff;
	_ =	sdelay $0x4  }
0x261: {  	v2 =	vmul.u32 v2, v2;
	v3 =	vmul.u32 v3, v3;
	_ =	sdelay $0x1  }
0x262: {  	v2 =	vadd.s32 v2, v3  }
0x263: {  	vm0 =	vgt.s32 v2, $0x2  }
0x264: {  	vm13 =	vgt.s32 v2, $0x5;
	v3 =	vsel vm0, $0xFFFFFFFF, v0  }
0x265: {  	v2 =	vadd.s32 v3, v2;
	v3 =	vsel vm13, $0xFFFFFFFE, v0  }
0x266: {  	v2 =	vadd.s32 v3, v2  }
0x267: {  	v2 =	vcvt.s32.f32 v2;
	_ =	sdelay $0x1  }
0x268: {  	[tilespmem:$0x2710] =	vst v2  }
0x269: {  	v2 =	vld [tilespmem:s8+$0x27A0]  }
0x26a: {  	v3 =	vld [tilespmem:s8+$0x4EA0];
	_ =	sdelay $0x6  }
0x26b: {  	v2 =	vld.idx.msk [tilespmem:v2+s5+$0x0], $0xffff  }
0x26c: {  	v3 =	vld.idx.msk [tilespmem:v3+s5+$0x0], $0xffff;
	_ =	sdelay $0x4  }
0x26d: {  	v2 =	vmul.u32 v2, v2;
	v3 =	vmul.u32 v3, v3;
	_ =	sdelay $0x1  }
0x26e: {  	v2 =	vadd.s32 v2, v3  }
0x26f: {  	vm14 =	vgt.s32 v2, $0x2  }
0x270: {  	vm15 =	vgt.s32 v2, $0x5;
	v3 =	vsel vm14, $0xFFFFFFFF, v0  }
0x271: {  	v2 =	vadd.s32 v3, v2;
	v3 =	vsel vm15, $0xFFFFFFFE, v0  }
0x272: {  	v2 =	vadd.s32 v3, v2  }
0x273: {  	v2 =	vcvt.s32.f32 v2;
	_ =	sdelay $0x1  }
0x274: {  	[tilespmem:$0x2720] =	vst v2  }
0x275: {  	v2 =	vld [tilespmem:s8+$0x27B0]  }
0x276: {  	v3 =	vld [tilespmem:s8+$0x4EB0];
	_ =	sdelay $0x6  }
0x277: {  	v2 =	vld.idx.msk [tilespmem:v2+s5+$0x0], $0xffff  }
0x278: {  	v3 =	vld.idx.msk [tilespmem:v3+s5+$0x0], $0xffff;
	_ =	sdelay $0x4  }
0x279: {  	v2 =	vmul.u32 v2, v2;
	v3 =	vmul.u32 v3, v3;
	_ =	sdelay $0x1  }
0x27a: {  	v2 =	vadd.s32 v2, v3  }
0x27b: {  	vm4 =	vgt.s32 v2, $0x2  }
0x27c: {  	vm5 =	vgt.s32 v2, $0x5;
	v3 =	vsel vm4, $0xFFFFFFFF, v0  }
0x27d: {  	v2 =	vadd.s32 v3, v2;
	v3 =	vsel vm5, $0xFFFFFFFE, v0  }
0x27e: {  	v2 =	vadd.s32 v3, v2  }
0x27f: {  	v2 =	vcvt.s32.f32 v2;
	_ =	sdelay $0x1  }
0x280: {  	[tilespmem:$0x2730] =	vst v2  }
0x281: {  	v2 =	vld [tilespmem:s8+$0x27C0]  }
0x282: {  	v3 =	vld [tilespmem:s8+$0x4EC0];
	_ =	sdelay $0x6  }
0x283: {  	v2 =	vld.idx.msk [tilespmem:v2+s5+$0x0], $0xffff  }
0x284: {  	v3 =	vld.idx.msk [tilespmem:v3+s5+$0x0], $0xffff;
	_ =	sdelay $0x4  }
0x285: {  	v2 =	vmul.u32 v2, v2;
	v3 =	vmul.u32 v3, v3;
	_ =	sdelay $0x1  }
0x286: {  	v2 =	vadd.s32 v2, v3  }
0x287: {  	vm6 =	vgt.s32 v2, $0x2  }
0x288: {  	vm7 =	vgt.s32 v2, $0x5;
	v3 =	vsel vm6, $0xFFFFFFFF, v0  }
0x289: {  	v2 =	vadd.s32 v3, v2;
	v3 =	vsel vm7, $0xFFFFFFFE, v0  }
0x28a: {  	v2 =	vadd.s32 v3, v2  }
0x28b: {  	v2 =	vcvt.s32.f32 v2;
	_ =	sdelay $0x1  }
0x28c: {  	[tilespmem:$0x2740] =	vst v2  }
0x28d: {  	v2 =	vld [tilespmem:s8+$0x27D0]  }
0x28e: {  	v3 =	vld [tilespmem:s8+$0x4ED0];
	_ =	sdelay $0x6  }
0x28f: {  	v2 =	vld.idx.msk [tilespmem:v2+s5+$0x0], $0xffff  }
0x290: {  	v3 =	vld.idx.msk [tilespmem:v3+s5+$0x0], $0xffff;
	_ =	sdelay $0x4  }
0x291: {  	v2 =	vmul.u32 v2, v2;
	v3 =	vmul.u32 v3, v3;
	_ =	sdelay $0x1  }
0x292: {  	v2 =	vadd.s32 v2, v3  }
0x293: {  	vm8 =	vgt.s32 v2, $0x2  }
0x294: {  	vm9 =	vgt.s32 v2, $0x5;
	v3 =	vsel vm8, $0xFFFFFFFF, v0  }
0x295: {  	v2 =	vadd.s32 v3, v2;
	v3 =	vsel vm9, $0xFFFFFFFE, v0  }
0x296: {  	v2 =	vadd.s32 v3, v2  }
0x297: {  	v2 =	vcvt.s32.f32 v2;
	_ =	sdelay $0x1  }
0x298: {  	[tilespmem:$0x2750] =	vst v2  }
0x299: {  	v2 =	vld [tilespmem:s8+$0x27E0]  }
0x29a: {  	v3 =	vld [tilespmem:s8+$0x4EE0];
	_ =	sdelay $0x6  }
0x29b: {  	v2 =	vld.idx.msk [tilespmem:v2+s5+$0x0], $0xffff  }
0x29c: {  	v3 =	vld.idx.msk [tilespmem:v3+s5+$0x0], $0xffff;
	_ =	sdelay $0x4  }
0x29d: {  	v2 =	vmul.u32 v2, v2;
	v3 =	vmul.u32 v3, v3;
	_ =	sdelay $0x1  }
0x29e: {  	v2 =	vadd.s32 v2, v3  }
0x29f: {  	vm10 =	vgt.s32 v2, $0x2  }
0x2a0: {  	vm11 =	vgt.s32 v2, $0x5;
	v3 =	vsel vm10, $0xFFFFFFFF, v0  }
0x2a1: {  	v2 =	vadd.s32 v3, v2;
	v3 =	vsel vm11, $0xFFFFFFFE, v0  }
0x2a2: {  	v2 =	vadd.s32 v3, v2  }
0x2a3: {  	v2 =	vcvt.s32.f32 v2;
	_ =	sdelay $0x1  }
0x2a4: {  	[tilespmem:$0x2760] =	vst v2  }
0x2a5: {  	v2 =	vld [tilespmem:s8+$0x27F0]  }
0x2a6: {  	v3 =	vld [tilespmem:s8+$0x4EF0];
	_ =	sdelay $0x6  }
0x2a7: {  	v2 =	vld.idx.msk [tilespmem:v2+s5+$0x0], $0xffff  }
0x2a8: {  	v3 =	vld.idx.msk [tilespmem:v3+s5+$0x0], $0xffff;
	_ =	sdelay $0x4  }
0x2a9: {  	v2 =	vmul.u32 v2, v2;
	v3 =	vmul.u32 v3, v3;
	_ =	sdelay $0x1  }
0x2aa: {  	v2 =	vadd.s32 v2, v3  }
0x2ab: {  	vm12 =	vgt.s32 v2, $0x2  }
0x2ac: {  	vm13 =	vgt.s32 v2, $0x5;
	v3 =	vsel vm12, $0xFFFFFFFF, v0  }
0x2ad: {  	v2 =	vadd.s32 v3, v2;
	v3 =	vsel vm13, $0xFFFFFFFE, v0  }
0x2ae: {  	v2 =	vadd.s32 v3, v2  }
0x2af: {  	v2 =	vcvt.s32.f32 v2;
	_ =	sdelay $0x1  }
0x2b0: {  	[tilespmem:$0x2770] =	vst v2  }
0x2b1: {  	v2 =	vld [tilespmem:s8+$0x2800]  }
0x2b2: {  	v3 =	vld [tilespmem:s8+$0x4F00];
	_ =	sdelay $0x6  }
0x2b3: {  	v2 =	vld.idx.msk [tilespmem:v2+s5+$0x0], $0xffff  }
0x2b4: {  	v3 =	vld.idx.msk [tilespmem:v3+s5+$0x0], $0xffff;
	_ =	sdelay $0x4  }
0x2b5: {  	v2 =	vmul.u32 v2, v2;
	v3 =	vmul.u32 v3, v3;
	_ =	sdelay $0x1  }
0x2b6: {  	v2 =	vadd.s32 v2, v3  }
0x2b7: {  	vm14 =	vgt.s32 v2, $0x2  }
0x2b8: {  	vm15 =	vgt.s32 v2, $0x5;
	v3 =	vsel vm14, $0xFFFFFFFF, v0  }
0x2b9: {  	v2 =	vadd.s32 v3, v2;
	v3 =	vsel vm15, $0xFFFFFFFE, v0  }
0x2ba: {  	v2 =	vadd.s32 v3, v2  }
0x2bb: {  	v2 =	vcvt.s32.f32 v2;
	_ =	sdelay $0x1  }
0x2bc: {  	s1 =	simm.s32 @!p1 $0x6;
	[tilespmem:$0x2780] =	vst v2  }
0x2bd: {  	_ =	swait.ge @!p1 [sflag:s1], $0x800  }
0x2be: {  	[sflag:s1] =	ssyncset.done @!p1 $0x0  }
0x2bf: {  	[sflag:s1] =	ssyncadd.s32 @!p1 $0xFFFFF800  }
0x2c0: {  	_ =	swait.ge @!p1 [sflag:s1], $0x800  }
0x2c1: {  	[sflag:s1] =	ssyncset.done @!p1 $0x0  }
0x2c2: {  	s13 =	simm.s32 $0x0;
	s8 =	simm.s32 $0xBDD0;
	[sflag:s1] =	ssyncadd.s32 @!p1 $0xFFFFF800  }
0x2c3: {  	s9 =	simm.s32 $0xB5D0;
	v3 =	vmov s13;
	v2 =	vld [tilespmem:s8+$0xFFFFFFC0]  }
0x2c4: {  	v3 =	vshrl.u32 v3, $0x3;
	v4 =	vld [tilespmem:s9+$0xFFFFFFC0]  }
0x2c5: {  	v3 =	vshll.u32 v3, v1  }
0x2c6: {  	v3 =	vbroadcast v3, $0x0;
	_ =	sdelay $0x2  }
0x2c7: {  	v2 =	vadd.f32 v2, v4  }
0x2c8: {  	s13 =	simm.s32 $0xC5D0  }
0x2c9: {  	[tilespmem:s13+$0xFFFFFFC0] =	vst v2  }
0x2ca: {  	v2 =	vld.idx.msk [tilespmem:v3+s30+$0x0], $0xffff;
	_ =	sdelay $0x3  }
0x2cb: {  	s14 =	simm.s32 $0x1;
	s12 =	simm.s32 $0xCDD0  }
0x2cc: {  	v3 =	vmov s14;
	[tilespmem:s12+$0xFFFFFFC0] =	vst v2  }
0x2cd: {  	v2 =	vshrl.u32 v3, $0x3;
	v3 =	vld [tilespmem:s9+$0xFFFFFFD0]  }
0x2ce: {  	v2 =	vshll.u32 v2, v1;
	v4 =	vld [tilespmem:s8+$0xFFFFFFD0]  }
0x2cf: {  	v2 =	vadd.s32 $0x1, v2  }
0x2d0: {  	v2 =	vbroadcast v2, $0x0;
	_ =	sdelay $0x2  }
0x2d1: {  	v3 =	vadd.f32 v4, v3;
	_ =	sdelay $0x1  }
0x2d2: {  	[tilespmem:s13+$0xFFFFFFD0] =	vst v3  }
0x2d3: {  	v2 =	vld.idx.msk [tilespmem:v2+s30+$0x0], $0xffff;
	_ =	sdelay $0x3  }
0x2d4: {  	s15 =	simm.s32 $0x2  }
0x2d5: {  	v3 =	vmov s15;
	[tilespmem:s12+$0xFFFFFFD0] =	vst v2  }
0x2d6: {  	v2 =	vshrl.u32 v3, $0x3;
	v3 =	vld [tilespmem:s9+$0xFFFFFFE0]  }
0x2d7: {  	v2 =	vshll.u32 v2, v1;
	v4 =	vld [tilespmem:s8+$0xFFFFFFE0]  }
0x2d8: {  	v2 =	vadd.s32 $0x2, v2  }
0x2d9: {  	v2 =	vbroadcast v2, $0x0;
	_ =	sdelay $0x2  }
0x2da: {  	v3 =	vadd.f32 v4, v3;
	_ =	sdelay $0x1  }
0x2db: {  	[tilespmem:s13+$0xFFFFFFE0] =	vst v3  }
0x2dc: {  	v2 =	vld.idx.msk [tilespmem:v2+s30+$0x0], $0xffff;
	_ =	sdelay $0x3  }
0x2dd: {  	s16 =	simm.s32 $0x3  }
0x2de: {  	v3 =	vmov s16;
	[tilespmem:s12+$0xFFFFFFE0] =	vst v2  }
0x2df: {  	v2 =	vshrl.u32 v3, $0x3;
	v3 =	vld [tilespmem:s9+$0xFFFFFFF0]  }
0x2e0: {  	v2 =	vshll.u32 v2, v1;
	v4 =	vld [tilespmem:s8+$0xFFFFFFF0]  }
0x2e1: {  	v2 =	vadd.s32 $0x3, v2  }
0x2e2: {  	v2 =	vbroadcast v2, $0x0;
	_ =	sdelay $0x2  }
0x2e3: {  	v3 =	vadd.f32 v4, v3;
	_ =	sdelay $0x1  }
0x2e4: {  	[tilespmem:s13+$0xFFFFFFF0] =	vst v3  }
0x2e5: {  	v2 =	vld.idx.msk [tilespmem:v2+s30+$0x0], $0xffff;
	_ =	sdelay $0x3  }
0x2e6: {  	s17 =	simm.s32 $0x4  }
0x2e7: {  	v3 =	vmov s17;
	[tilespmem:s12+$0xFFFFFFF0] =	vst v2  }
0x2e8: {  	v2 =	vshrl.u32 v3, $0x3;
	v3 =	vld [tilespmem:s9+$0x0]  }
0x2e9: {  	v2 =	vshll.u32 v2, v1;
	v4 =	vld [tilespmem:s8+$0x0]  }
0x2ea: {  	v2 =	vadd.s32 $0x4, v2  }
0x2eb: {  	v2 =	vbroadcast v2, $0x0;
	_ =	sdelay $0x2  }
0x2ec: {  	v3 =	vadd.f32 v4, v3;
	_ =	sdelay $0x1  }
0x2ed: {  	[tilespmem:s13+$0x0] =	vst v3  }
0x2ee: {  	v2 =	vld.idx.msk [tilespmem:v2+s30+$0x0], $0xffff;
	_ =	sdelay $0x3  }
0x2ef: {  	s18 =	simm.s32 $0x5  }
0x2f0: {  	v3 =	vmov s18;
	[tilespmem:s12+$0x0] =	vst v2  }
0x2f1: {  	v2 =	vshrl.u32 v3, $0x3;
	v3 =	vld [tilespmem:s9+$0x10]  }
0x2f2: {  	v2 =	vshll.u32 v2, v1;
	v4 =	vld [tilespmem:s8+$0x10]  }
0x2f3: {  	v2 =	vadd.s32 $0x5, v2  }
0x2f4: {  	v2 =	vbroadcast v2, $0x0;
	_ =	sdelay $0x2  }
0x2f5: {  	v3 =	vadd.f32 v4, v3;
	_ =	sdelay $0x1  }
0x2f6: {  	[tilespmem:s13+$0x10] =	vst v3  }
0x2f7: {  	v2 =	vld.idx.msk [tilespmem:v2+s30+$0x0], $0xffff;
	_ =	sdelay $0x3  }
0x2f8: {  	s26 =	simm.s32 $0x6  }
0x2f9: {  	v3 =	vmov s26;
	[tilespmem:s12+$0x10] =	vst v2  }
0x2fa: {  	v2 =	vshrl.u32 v3, $0x3;
	v3 =	vld [tilespmem:s9+$0x20]  }
0x2fb: {  	v2 =	vshll.u32 v2, v1;
	v4 =	vld [tilespmem:s8+$0x20]  }
0x2fc: {  	v2 =	vadd.s32 $0x6, v2  }
0x2fd: {  	v2 =	vbroadcast v2, $0x0;
	_ =	sdelay $0x2  }
0x2fe: {  	v3 =	vadd.f32 v4, v3;
	_ =	sdelay $0x1  }
0x2ff: {  	[tilespmem:s13+$0x20] =	vst v3  }
0x300: {  	v2 =	vld.idx.msk [tilespmem:v2+s30+$0x0], $0xffff;
	_ =	sdelay $0x3  }
0x301: {  	s28 =	simm.s32 $0x7  }
0x302: {  	[tilespmem:s12+$0x20] =	vst v2;
	v2 =	vmov s28  }
0x303: {  	v3 =	vld [tilespmem:s9+$0x30];
	v2 =	vshrl.u32 v2, $0x3  }
0x304: {  	v4 =	vld [tilespmem:s8+$0x30];
	v2 =	vshll.u32 v2, v1  }
0x305: {  	v2 =	vadd.s32 $0x7, v2  }
0x306: {  	v2 =	vbroadcast v2, $0x0;
	_ =	sdelay $0x2  }
0x307: {  	v3 =	vadd.f32 v4, v3  }
0x308: {  	s11 =	simm.s32 $0xF;
	s14 =	simm.s32 $0xC650;
	s15 =	simm.s32 $0xCDD0  }
.LBB2_7:
0x309: {  	[tilespmem:s13+$0x30] =	vst v3;
	s9 =	sadd.s32 $0x80, s9;
	s8 =	sadd.s32 $0x80, s8;
	s12 =	sadd.s32 $0x80, s12  }
0x30a: {  	p1 =	sne.s32 s11, $0x7F;
	s16 =	smov.u32 s11;
	s11 =	sadd.s32 $0x8, s11;
	v2 =	vld.idx.msk [tilespmem:v2+s30+$0x0], $0xffff  }
0x30b: {  	s13 =	smov.u32 s14;
	_ =	sdelay $0x4  }
0x30c: {  	s1 =	sadd.s32 $0xFFFFFFF9, s16;
	[tilespmem:s15+$0x30] =	vst v2;
	s15 =	smov.u32 s12  }
0x30d: {  	v3 =	vmov s1;
	v2 =	vld [tilespmem:s8+$0xFFFFFFC0]  }
0x30e: {  	v3 =	vshrl.u32 v3, $0x3;
	v4 =	vld [tilespmem:s9+$0xFFFFFFC0]  }
0x30f: {  	v3 =	vshll.u32 v3, v1  }
0x310: {  	v3 =	vbroadcast v3, $0x0;
	_ =	sdelay $0x2  }
0x311: {  	v2 =	vadd.f32 v2, v4;
	_ =	sdelay $0x1  }
0x312: {  	[tilespmem:s14+$0xFFFFFFC0] =	vst v2  }
0x313: {  	v2 =	vld.idx.msk [tilespmem:v3+s30+$0x0], $0xffff;
	_ =	sdelay $0x3  }
0x314: {  	s1 =	sadd.s32 $0xFFFFFFFA, s16  }
0x315: {  	v3 =	vmov s1  }
0x316: {  	[tilespmem:s12+$0xFFFFFFC0] =	vst v2;
	v2 =	vshrl.u32 v3, $0x3  }
0x317: {  	v3 =	vld [tilespmem:s9+$0xFFFFFFD0];
	v2 =	vshll.u32 v2, v1  }
0x318: {  	v4 =	vld [tilespmem:s8+$0xFFFFFFD0];
	v2 =	vadd.s32 $0x1, v2  }
0x319: {  	v2 =	vbroadcast v2, $0x0;
	_ =	sdelay $0x3  }
0x31a: {  	v3 =	vadd.f32 v4, v3;
	_ =	sdelay $0x1  }
0x31b: {  	[tilespmem:s14+$0xFFFFFFD0] =	vst v3  }
0x31c: {  	v2 =	vld.idx.msk [tilespmem:v2+s30+$0x0], $0xffff;
	_ =	sdelay $0x2  }
0x31d: {  	s1 =	sadd.s32 $0xFFFFFFFB, s16  }
0x31e: {  	v3 =	vmov s1  }
0x31f: {  	v3 =	vshrl.u32 v3, $0x3  }
0x320: {  	[tilespmem:s12+$0xFFFFFFD0] =	vst v2;
	v2 =	vshll.u32 v3, v1  }
0x321: {  	v3 =	vld [tilespmem:s9+$0xFFFFFFE0];
	v2 =	vadd.s32 $0x2, v2  }
0x322: {  	v4 =	vld [tilespmem:s8+$0xFFFFFFE0];
	v2 =	vbroadcast v2, $0x0;
	_ =	sdelay $0x4  }
0x323: {  	v3 =	vadd.f32 v4, v3;
	_ =	sdelay $0x1  }
0x324: {  	[tilespmem:s14+$0xFFFFFFE0] =	vst v3  }
0x325: {  	v2 =	vld.idx.msk [tilespmem:v2+s30+$0x0], $0xffff;
	_ =	sdelay $0x1  }
0x326: {  	s1 =	sadd.s32 $0xFFFFFFFC, s16  }
0x327: {  	v3 =	vmov s1  }
0x328: {  	v3 =	vshrl.u32 v3, $0x3  }
0x329: {  	v3 =	vshll.u32 v3, v1  }
0x32a: {  	[tilespmem:s12+$0xFFFFFFE0] =	vst v2;
	v2 =	vadd.s32 $0x3, v3  }
0x32b: {  	v3 =	vld [tilespmem:s9+$0xFFFFFFF0];
	v2 =	vbroadcast v2, $0x0  }
0x32c: {  	v4 =	vld [tilespmem:s8+$0xFFFFFFF0];
	_ =	sdelay $0x4  }
0x32d: {  	v3 =	vadd.f32 v4, v3;
	_ =	sdelay $0x1  }
0x32e: {  	[tilespmem:s14+$0xFFFFFFF0] =	vst v3  }
0x32f: {  	v2 =	vld.idx.msk [tilespmem:v2+s30+$0x0], $0xffff  }
0x330: {  	s1 =	sadd.s32 $0xFFFFFFFD, s16  }
0x331: {  	v3 =	vmov s1  }
0x332: {  	v3 =	vshrl.u32 v3, $0x3  }
0x333: {  	v3 =	vshll.u32 v3, v1  }
0x334: {  	v3 =	vadd.s32 $0x4, v3  }
0x335: {  	[tilespmem:s12+$0xFFFFFFF0] =	vst v2;
	v2 =	vbroadcast v3, $0x0  }
0x336: {  	v3 =	vld [tilespmem:s9+$0x0]  }
0x337: {  	v4 =	vld [tilespmem:s8+$0x0];
	_ =	sdelay $0x4  }
0x338: {  	v3 =	vadd.f32 v4, v3;
	_ =	sdelay $0x1  }
0x339: {  	[tilespmem:s14+$0x0] =	vst v3  }
0x33a: {  	s1 =	sadd.s32 $0xFFFFFFFE, s16;
	v2 =	vld.idx.msk [tilespmem:v2+s30+$0x0], $0xffff  }
0x33b: {  	v3 =	vmov s1  }
0x33c: {  	v3 =	vshrl.u32 v3, $0x3  }
0x33d: {  	v3 =	vshll.u32 v3, v1  }
0x33e: {  	v3 =	vadd.s32 $0x5, v3  }
0x33f: {  	v3 =	vbroadcast v3, $0x0  }
0x340: {  	[tilespmem:s12+$0x0] =	vst v2  }
0x341: {  	v2 =	vld [tilespmem:s9+$0x10]  }
0x342: {  	v4 =	vld [tilespmem:s8+$0x10];
	_ =	sdelay $0x4  }
0x343: {  	v2 =	vadd.f32 v4, v2;
	_ =	sdelay $0x1  }
0x344: {  	s1 =	sadd.s32 $0xFFFFFFFF, s16;
	[tilespmem:s14+$0x10] =	vst v2  }
0x345: {  	v2 =	vld.idx.msk [tilespmem:v3+s30+$0x0], $0xffff;
	v3 =	vmov s1  }
0x346: {  	v3 =	vshrl.u32 v3, $0x3  }
0x347: {  	v3 =	vshll.u32 v3, v1  }
0x348: {  	v3 =	vadd.s32 $0x6, v3  }
0x349: {  	v3 =	vbroadcast v3, $0x0;
	_ =	sdelay $0x1  }
0x34a: {  	[tilespmem:s12+$0x10] =	vst v2  }
0x34b: {  	v2 =	vld [tilespmem:s9+$0x20]  }
0x34c: {  	v4 =	vld [tilespmem:s8+$0x20];
	_ =	sdelay $0x4  }
0x34d: {  	v2 =	vadd.f32 v4, v2;
	_ =	sdelay $0x1  }
0x34e: {  	[tilespmem:s14+$0x20] =	vst v2;
	v2 =	vmov s16  }
0x34f: {  	v3 =	vld.idx.msk [tilespmem:v3+s30+$0x0], $0xffff;
	v2 =	vshrl.u32 v2, $0x3  }
0x350: {  	v2 =	vshll.u32 v2, v1  }
0x351: {  	v2 =	vadd.s32 $0x7, v2  }
0x352: {  	v2 =	vbroadcast v2, $0x0;
	_ =	sdelay $0x2  }
0x353: {  	[tilespmem:s12+$0x20] =	vst v3  }
0x354: {  	v3 =	vld [tilespmem:s9+$0x30]  }
0x355: {  	v4 =	vld [tilespmem:s8+$0x30];
	_ =	sdelay $0x1  }
.Ltmp4:
0x356: {  	(pc) =	sbr.rel @p1 .LBB2_7-.Ltmp4, $3  }
0x357: {  	_ =	sdelay $0x1  }
0x358: {  	v3 =	vadd.f32 v4, v3  }
0x359: {  	s14 =	sadd.s32 $0x80, s14  }
0x35a: {  	_ =	sdelay $0x2  }
0x35b: {  	[tilespmem:s13+$0x30] =	vst v3  }
0x35c: {  	v2 =	vld.idx.msk [tilespmem:v2+s30+$0x0], $0xffff;
	_ =	sdelay $0x1  }
0x35d: {  	s1 =	sshll.u32 s21, $0xB;
	s20 =	sadd.s32 $0x1, s20  }
0x35e: {  	s1 =	sadd.s32 s10, s1;
	p1 =	sne.s32 s20, $0x1A  }
.Ltmp5:
0x35f: {  	s1 =	sshrl.u32 s1, $0x3;
	(pc) =	sbr.rel @p1 .LBB2_2-.Ltmp5, $4  }
0x360: {  	s8 =	sadd.s32 s3, s1;
	[tilespmem:s15+$0x30] =	vst v2  }
0x361: {  	[hbm4b:s8+s5] =	stream.linear.scatter [tilespmem:s24], [sflag:$0x6], $0x800, $0x38;
	[tilespmem:$0xD590] =	vst v63  }
0x362: {  	s1 =	sadd.s32 s4, s1  }
0x363: {  	[hbm4b:s1+s5] =	stream.linear.scatter [tilespmem:s25], [sflag:$0x6], $0x800, $0x38;
	[tilespmem:$0xD590] =	vst v63  }
0x364: {  	s1 =	simm.s32 $0x4  }
0x365: {  	_ =	swait.ge [sflag:s1], $0x800  }
0x366: {  	[sflag:s1] =	ssyncset.done $0x0  }
0x367: {  	[sflag:s1] =	ssyncadd.s32 $0xFFFFF800  }
0x368: {  	_ =	swait.ge [sflag:s1], $0x800  }
0x369: {  	[sflag:s1] =	ssyncset.done $0x0  }
0x36a: {  	s26 =	simm.s32 $0x5;
	[sflag:s1] =	ssyncadd.s32 $0xFFFFF800  }
0x36b: {  	_ =	swait.ge [sflag:s26], $0x800  }
0x36c: {  	[sflag:s26] =	ssyncset.done $0x0  }
0x36d: {  	[sflag:s26] =	ssyncadd.s32 $0xFFFFF800  }
0x36e: {  	_ =	swait.ge [sflag:s26], $0x800  }
0x36f: {  	[sflag:s26] =	ssyncset.done $0x0  }
0x370: {  	s28 =	simm.s32 $0x6;
	[sflag:s26] =	ssyncadd.s32 $0xFFFFF800  }
0x371: {  	_ =	swait.ge [sflag:s28], $0x800  }
.Ltmp6:
0x372: {  	[sflag:s28] =	ssyncset.done $0x0;
	(pc) =	sbr.rel @p0 .LBB2_13-.Ltmp6, $4  }
0x373: {  	[sflag:s28] =	ssyncadd.s32 $0xFFFFF800  }
0x374: {  	_ =	swait.ge [sflag:s28], $0x800  }
0x375: {  	[sflag:s28] =	ssyncset.done $0x0  }
0x376: {  	s8 =	rddreg [dreg:$0xe];
	[sflag:s28] =	ssyncadd.s32 $0xFFFFF800  }
0x377: {  	s1 =	rddreg [dreg:$0x9];
	s8 =	simm.s32 $0x2790;
	s11 =	simm.s32 $0x7  }
0x378: {  	[tilespmem:s8], [sflag:$0x7] =	stream.linear.gather [hbm4b:s1+s5], $0x80, $0x38;
	[tilespmem:$0xD590] =	vst v63  }
0x379: {  	_ =	swait.ge [sflag:s11], $0x80  }
0x37a: {  	[sflag:s11] =	ssyncset.done $0x0  }
0x37b: {  	s9 =	simm.s32 $0x4E90;
	s13 =	rddreg [dreg:$0xa];
	[sflag:s11] =	ssyncadd.s32 $0xFFFFFF80  }
0x37c: {  	[tilespmem:s9], [sflag:$0x7] =	stream.linear.gather [hbm4b:s13+s5], $0x80, $0x38;
	[tilespmem:$0xD590] =	vst v63  }
0x37d: {  	_ =	swait.ge [sflag:s11], $0x80  }
0x37e: {  	[sflag:s11] =	ssyncset.done $0x0  }
0x37f: {  	s14 =	simm.s32 $0x7590;
	[sflag:s11] =	ssyncadd.s32 $0xFFFFFF80  }
0x380: {  	[tilespmem:s14], [sflag:$0x1] =	stream.indirect.gather [hbm4b:s7+s19], $0x10, s8, s19, $0xb8;
	[tilespmem:$0xD590] =	vst v63  }
0x381: {  	s15 =	simm.s32 $0x7D90  }
0x382: {  	[tilespmem:s15], [sflag:$0x1] =	stream.indirect.gather [hbm4b:s7+s19], $0x10, s9, s19, $0xb8;
	[tilespmem:$0xD590] =	vst v63  }
0x383: {  	_ =	swait.ge [sflag:s29], $0x800  }
0x384: {  	[sflag:s29] =	ssyncset.done $0x0  }
0x385: {  	[sflag:s29] =	ssyncadd.s32 $0xFFFFF800  }
0x386: {  	_ =	swait.ge [sflag:s29], $0x800  }
0x387: {  	[sflag:s29] =	ssyncset.done $0x0  }
0x388: {  	[sflag:s29] =	ssyncadd.s32 $0xFFFFF800  }
0x389: {  	v2 =	vld [tilespmem:$0x2790]  }
0x38a: {  	v3 =	vld [tilespmem:$0x4E90];
	_ =	sdelay $0x6  }
0x38b: {  	v2 =	vld.idx.msk [tilespmem:v2+s5+$0x0], $0xffff  }
0x38c: {  	v3 =	vld.idx.msk [tilespmem:v3+s5+$0x0], $0xffff;
	_ =	sdelay $0x4  }
0x38d: {  	v2 =	vmul.u32 v2, v2;
	v3 =	vmul.u32 v3, v3;
	_ =	sdelay $0x1  }
0x38e: {  	v2 =	vadd.s32 v2, v3;
	v3 =	vld [tilespmem:$0x27A0]  }
0x38f: {  	v4 =	vld [tilespmem:$0x4EA0];
	vm0 =	vgt.s32 v2, $0x2  }
0x390: {  	vm13 =	vgt.s32 v2, $0x5;
	v5 =	vsel vm0, $0xFFFFFFFF, v0  }
0x391: {  	v2 =	vadd.s32 v5, v2;
	v5 =	vsel vm13, $0xFFFFFFFE, v0  }
0x392: {  	v2 =	vadd.s32 v5, v2  }
0x393: {  	v2 =	vcvt.s32.f32 v2;
	_ =	sdelay $0x1  }
0x394: {  	[tilespmem:$0x2710] =	vst v2  }
0x395: {  	v2 =	vld.idx.msk [tilespmem:v3+s5+$0x0], $0xffff  }
0x396: {  	v3 =	vld.idx.msk [tilespmem:v4+s5+$0x0], $0xffff;
	_ =	sdelay $0x4  }
0x397: {  	v2 =	vmul.u32 v2, v2;
	v3 =	vmul.u32 v3, v3;
	_ =	sdelay $0x1  }
0x398: {  	v2 =	vadd.s32 v2, v3;
	v3 =	vld [tilespmem:$0x27B0]  }
0x399: {  	v4 =	vld [tilespmem:$0x4EB0];
	vm14 =	vgt.s32 v2, $0x2  }
0x39a: {  	vm15 =	vgt.s32 v2, $0x5;
	v5 =	vsel vm14, $0xFFFFFFFF, v0  }
0x39b: {  	v2 =	vadd.s32 v5, v2;
	v5 =	vsel vm15, $0xFFFFFFFE, v0  }
0x39c: {  	v2 =	vadd.s32 v5, v2  }
0x39d: {  	v2 =	vcvt.s32.f32 v2;
	_ =	sdelay $0x1  }
0x39e: {  	[tilespmem:$0x2720] =	vst v2  }
0x39f: {  	v2 =	vld.idx.msk [tilespmem:v3+s5+$0x0], $0xffff  }
0x3a0: {  	v3 =	vld.idx.msk [tilespmem:v4+s5+$0x0], $0xffff;
	_ =	sdelay $0x4  }
0x3a1: {  	v2 =	vmul.u32 v2, v2;
	v3 =	vmul.u32 v3, v3;
	_ =	sdelay $0x1  }
0x3a2: {  	v2 =	vadd.s32 v2, v3;
	v3 =	vld [tilespmem:$0x27C0]  }
0x3a3: {  	v4 =	vld [tilespmem:$0x4EC0];
	vm4 =	vgt.s32 v2, $0x2  }
0x3a4: {  	vm5 =	vgt.s32 v2, $0x5;
	v5 =	vsel vm4, $0xFFFFFFFF, v0  }
0x3a5: {  	v2 =	vadd.s32 v5, v2;
	v5 =	vsel vm5, $0xFFFFFFFE, v0  }
0x3a6: {  	v2 =	vadd.s32 v5, v2  }
0x3a7: {  	v2 =	vcvt.s32.f32 v2;
	_ =	sdelay $0x1  }
0x3a8: {  	[tilespmem:$0x2730] =	vst v2  }
0x3a9: {  	v2 =	vld.idx.msk [tilespmem:v3+s5+$0x0], $0xffff  }
0x3aa: {  	v3 =	vld.idx.msk [tilespmem:v4+s5+$0x0], $0xffff;
	_ =	sdelay $0x4  }
0x3ab: {  	v2 =	vmul.u32 v2, v2;
	v3 =	vmul.u32 v3, v3;
	_ =	sdelay $0x1  }
0x3ac: {  	v2 =	vadd.s32 v2, v3;
	v3 =	vld [tilespmem:$0x27D0]  }
0x3ad: {  	v4 =	vld [tilespmem:$0x4ED0];
	vm6 =	vgt.s32 v2, $0x2  }
0x3ae: {  	vm7 =	vgt.s32 v2, $0x5;
	v5 =	vsel vm6, $0xFFFFFFFF, v0  }
0x3af: {  	v2 =	vadd.s32 v5, v2;
	v5 =	vsel vm7, $0xFFFFFFFE, v0  }
0x3b0: {  	v2 =	vadd.s32 v5, v2  }
0x3b1: {  	v2 =	vcvt.s32.f32 v2;
	_ =	sdelay $0x1  }
0x3b2: {  	[tilespmem:$0x2740] =	vst v2  }
0x3b3: {  	v2 =	vld.idx.msk [tilespmem:v3+s5+$0x0], $0xffff  }
0x3b4: {  	v3 =	vld.idx.msk [tilespmem:v4+s5+$0x0], $0xffff;
	_ =	sdelay $0x4  }
0x3b5: {  	v2 =	vmul.u32 v2, v2;
	v3 =	vmul.u32 v3, v3;
	_ =	sdelay $0x1  }
0x3b6: {  	v2 =	vadd.s32 v2, v3;
	v3 =	vld [tilespmem:$0x27E0]  }
0x3b7: {  	v4 =	vld [tilespmem:$0x4EE0];
	vm8 =	vgt.s32 v2, $0x2  }
0x3b8: {  	vm9 =	vgt.s32 v2, $0x5;
	v5 =	vsel vm8, $0xFFFFFFFF, v0  }
0x3b9: {  	v2 =	vadd.s32 v5, v2;
	v5 =	vsel vm9, $0xFFFFFFFE, v0  }
0x3ba: {  	v2 =	vadd.s32 v5, v2  }
0x3bb: {  	v2 =	vcvt.s32.f32 v2;
	_ =	sdelay $0x1  }
0x3bc: {  	[tilespmem:$0x2750] =	vst v2  }
0x3bd: {  	v2 =	vld.idx.msk [tilespmem:v3+s5+$0x0], $0xffff  }
0x3be: {  	v3 =	vld.idx.msk [tilespmem:v4+s5+$0x0], $0xffff;
	_ =	sdelay $0x4  }
0x3bf: {  	v2 =	vmul.u32 v2, v2;
	v3 =	vmul.u32 v3, v3;
	_ =	sdelay $0x1  }
0x3c0: {  	v2 =	vadd.s32 v2, v3;
	v3 =	vld [tilespmem:$0x27F0]  }
0x3c1: {  	v4 =	vld [tilespmem:$0x4EF0];
	vm10 =	vgt.s32 v2, $0x2  }
0x3c2: {  	vm11 =	vgt.s32 v2, $0x5;
	v5 =	vsel vm10, $0xFFFFFFFF, v0  }
0x3c3: {  	v2 =	vadd.s32 v5, v2;
	v5 =	vsel vm11, $0xFFFFFFFE, v0  }
0x3c4: {  	v2 =	vadd.s32 v5, v2  }
0x3c5: {  	v2 =	vcvt.s32.f32 v2;
	_ =	sdelay $0x1  }
0x3c6: {  	[tilespmem:$0x2760] =	vst v2  }
0x3c7: {  	v2 =	vld.idx.msk [tilespmem:v3+s5+$0x0], $0xffff  }
0x3c8: {  	v3 =	vld.idx.msk [tilespmem:v4+s5+$0x0], $0xffff;
	_ =	sdelay $0x4  }
0x3c9: {  	v2 =	vmul.u32 v2, v2;
	v3 =	vmul.u32 v3, v3;
	_ =	sdelay $0x1  }
0x3ca: {  	v2 =	vadd.s32 v2, v3;
	v3 =	vld [tilespmem:$0x2800]  }
0x3cb: {  	v4 =	vld [tilespmem:$0x4F00];
	vm12 =	vgt.s32 v2, $0x2  }
0x3cc: {  	vm13 =	vgt.s32 v2, $0x5;
	v5 =	vsel vm12, $0xFFFFFFFF, v0  }
0x3cd: {  	v2 =	vadd.s32 v5, v2;
	v5 =	vsel vm13, $0xFFFFFFFE, v0  }
0x3ce: {  	v2 =	vadd.s32 v5, v2  }
0x3cf: {  	v2 =	vcvt.s32.f32 v2;
	_ =	sdelay $0x1  }
0x3d0: {  	[tilespmem:$0x2770] =	vst v2  }
0x3d1: {  	v2 =	vld.idx.msk [tilespmem:v3+s5+$0x0], $0xffff  }
0x3d2: {  	v3 =	vld.idx.msk [tilespmem:v4+s5+$0x0], $0xffff;
	_ =	sdelay $0x4  }
0x3d3: {  	v2 =	vmul.u32 v2, v2;
	v3 =	vmul.u32 v3, v3;
	_ =	sdelay $0x1  }
0x3d4: {  	v2 =	vadd.s32 v2, v3  }
0x3d5: {  	vm14 =	vgt.s32 v2, $0x2  }
0x3d6: {  	vm15 =	vgt.s32 v2, $0x5;
	v3 =	vsel vm14, $0xFFFFFFFF, v0  }
0x3d7: {  	v2 =	vadd.s32 v3, v2;
	v3 =	vsel vm15, $0xFFFFFFFE, v0  }
0x3d8: {  	v2 =	vadd.s32 v3, v2  }
0x3d9: {  	v2 =	vcvt.s32.f32 v2;
	_ =	sdelay $0x1  }
0x3da: {  	s16 =	simm.s32 $0x0;
	s8 =	simm.s32 $0x7DD0;
	[tilespmem:$0x2780] =	vst v2  }
0x3db: {  	s9 =	simm.s32 $0x75D0;
	v3 =	vmov s16;
	v2 =	vld [tilespmem:s8+$0xFFFFFFC0]  }
0x3dc: {  	v3 =	vshrl.u32 v3, $0x3;
	v4 =	vld [tilespmem:s9+$0xFFFFFFC0]  }
0x3dd: {  	v3 =	vshll.u32 v3, v1  }
0x3de: {  	v3 =	vbroadcast v3, $0x0;
	_ =	sdelay $0x2  }
0x3df: {  	v2 =	vadd.f32 v2, v4  }
0x3e0: {  	s13 =	simm.s32 $0x85D0  }
0x3e1: {  	[tilespmem:s13+$0xFFFFFFC0] =	vst v2  }
0x3e2: {  	v2 =	vld.idx.msk [tilespmem:v3+s30+$0x0], $0xffff;
	_ =	sdelay $0x3  }
0x3e3: {  	s12 =	simm.s32 $0x8DD0;
	s17 =	simm.s32 $0x1  }
0x3e4: {  	v3 =	vmov s17;
	[tilespmem:s12+$0xFFFFFFC0] =	vst v2  }
0x3e5: {  	v2 =	vshrl.u32 v3, $0x3;
	v3 =	vld [tilespmem:s9+$0xFFFFFFD0]  }
0x3e6: {  	v2 =	vshll.u32 v2, v1;
	v4 =	vld [tilespmem:s8+$0xFFFFFFD0]  }
0x3e7: {  	v2 =	vadd.s32 $0x1, v2  }
0x3e8: {  	v2 =	vbroadcast v2, $0x0;
	_ =	sdelay $0x2  }
0x3e9: {  	v3 =	vadd.f32 v4, v3;
	_ =	sdelay $0x1  }
0x3ea: {  	[tilespmem:s13+$0xFFFFFFD0] =	vst v3  }
0x3eb: {  	v2 =	vld.idx.msk [tilespmem:v2+s30+$0x0], $0xffff;
	_ =	sdelay $0x3  }
0x3ec: {  	s18 =	simm.s32 $0x2  }
0x3ed: {  	v3 =	vmov s18;
	[tilespmem:s12+$0xFFFFFFD0] =	vst v2  }
0x3ee: {  	v2 =	vshrl.u32 v3, $0x3;
	v3 =	vld [tilespmem:s9+$0xFFFFFFE0]  }
0x3ef: {  	v2 =	vshll.u32 v2, v1;
	v4 =	vld [tilespmem:s8+$0xFFFFFFE0]  }
0x3f0: {  	v2 =	vadd.s32 $0x2, v2  }
0x3f1: {  	v2 =	vbroadcast v2, $0x0;
	_ =	sdelay $0x2  }
0x3f2: {  	v3 =	vadd.f32 v4, v3;
	_ =	sdelay $0x1  }
0x3f3: {  	[tilespmem:s13+$0xFFFFFFE0] =	vst v3  }
0x3f4: {  	v2 =	vld.idx.msk [tilespmem:v2+s30+$0x0], $0xffff;
	_ =	sdelay $0x3  }
0x3f5: {  	s20 =	simm.s32 $0x3  }
0x3f6: {  	v3 =	vmov s20;
	[tilespmem:s12+$0xFFFFFFE0] =	vst v2  }
0x3f7: {  	v2 =	vshrl.u32 v3, $0x3;
	v3 =	vld [tilespmem:s9+$0xFFFFFFF0]  }
0x3f8: {  	v2 =	vshll.u32 v2, v1;
	v4 =	vld [tilespmem:s8+$0xFFFFFFF0]  }
0x3f9: {  	v2 =	vadd.s32 $0x3, v2  }
0x3fa: {  	v2 =	vbroadcast v2, $0x0;
	_ =	sdelay $0x2  }
0x3fb: {  	v3 =	vadd.f32 v4, v3;
	_ =	sdelay $0x1  }
0x3fc: {  	[tilespmem:s13+$0xFFFFFFF0] =	vst v3  }
0x3fd: {  	v2 =	vld.idx.msk [tilespmem:v2+s30+$0x0], $0xffff;
	_ =	sdelay $0x3  }
0x3fe: {  	s21 =	simm.s32 $0x4  }
0x3ff: {  	v3 =	vmov s21;
	[tilespmem:s12+$0xFFFFFFF0] =	vst v2  }
0x400: {  	v2 =	vshrl.u32 v3, $0x3;
	v3 =	vld [tilespmem:s9+$0x0]  }
0x401: {  	v2 =	vshll.u32 v2, v1;
	v4 =	vld [tilespmem:s8+$0x0]  }
0x402: {  	v2 =	vadd.s32 $0x4, v2  }
0x403: {  	v2 =	vbroadcast v2, $0x0;
	_ =	sdelay $0x2  }
0x404: {  	v3 =	vadd.f32 v4, v3;
	_ =	sdelay $0x1  }
0x405: {  	[tilespmem:s13+$0x0] =	vst v3  }
0x406: {  	v2 =	vld.idx.msk [tilespmem:v2+s30+$0x0], $0xffff;
	_ =	sdelay $0x3  }
0x407: {  	s26 =	simm.s32 $0x5  }
0x408: {  	v3 =	vmov s26;
	[tilespmem:s12+$0x0] =	vst v2  }
0x409: {  	v2 =	vshrl.u32 v3, $0x3;
	v3 =	vld [tilespmem:s9+$0x10]  }
0x40a: {  	v2 =	vshll.u32 v2, v1;
	v4 =	vld [tilespmem:s8+$0x10]  }
0x40b: {  	v2 =	vadd.s32 $0x5, v2  }
0x40c: {  	v2 =	vbroadcast v2, $0x0;
	_ =	sdelay $0x2  }
0x40d: {  	v3 =	vadd.f32 v4, v3;
	_ =	sdelay $0x1  }
0x40e: {  	[tilespmem:s13+$0x10] =	vst v3  }
0x40f: {  	v2 =	vld.idx.msk [tilespmem:v2+s30+$0x0], $0xffff;
	_ =	sdelay $0x3  }
0x410: {  	s28 =	simm.s32 $0x6  }
0x411: {  	v3 =	vmov s28;
	[tilespmem:s12+$0x10] =	vst v2  }
0x412: {  	v2 =	vshrl.u32 v3, $0x3;
	v3 =	vld [tilespmem:s9+$0x20]  }
0x413: {  	v2 =	vshll.u32 v2, v1;
	v4 =	vld [tilespmem:s8+$0x20]  }
0x414: {  	v2 =	vadd.s32 $0x6, v2  }
0x415: {  	v2 =	vbroadcast v2, $0x0;
	_ =	sdelay $0x2  }
0x416: {  	v3 =	vadd.f32 v4, v3;
	_ =	sdelay $0x1  }
0x417: {  	[tilespmem:s13+$0x20] =	vst v3  }
0x418: {  	v2 =	vld.idx.msk [tilespmem:v2+s30+$0x0], $0xffff;
	_ =	sdelay $0x4  }
0x419: {  	[tilespmem:s12+$0x20] =	vst v2;
	v2 =	vmov s11  }
0x41a: {  	v3 =	vld [tilespmem:s9+$0x30];
	v2 =	vshrl.u32 v2, $0x3  }
0x41b: {  	v4 =	vld [tilespmem:s8+$0x30];
	v2 =	vshll.u32 v2, v1  }
0x41c: {  	v2 =	vadd.s32 $0x7, v2  }
0x41d: {  	v2 =	vbroadcast v2, $0x0;
	_ =	sdelay $0x2  }
0x41e: {  	v3 =	vadd.f32 v4, v3  }
0x41f: {  	s14 =	simm.s32 $0x8DD0;
	s15 =	simm.s32 $0x8650;
	s11 =	simm.s32 $0xF  }
.LBB2_11:
0x420: {  	[tilespmem:s13+$0x30] =	vst v3;
	s9 =	sadd.s32 $0x80, s9;
	s8 =	sadd.s32 $0x80, s8;
	s12 =	sadd.s32 $0x80, s12  }
0x421: {  	p1 =	sne.s32 s11, $0x7F;
	s16 =	smov.u32 s11;
	s11 =	sadd.s32 $0x8, s11;
	v2 =	vld.idx.msk [tilespmem:v2+s30+$0x0], $0xffff  }
0x422: {  	s13 =	smov.u32 s15;
	_ =	sdelay $0x4  }
0x423: {  	s1 =	sadd.s32 $0xFFFFFFF9, s16;
	[tilespmem:s14+$0x30] =	vst v2;
	s14 =	smov.u32 s12  }
0x424: {  	v3 =	vmov s1;
	v2 =	vld [tilespmem:s8+$0xFFFFFFC0]  }
0x425: {  	v3 =	vshrl.u32 v3, $0x3;
	v4 =	vld [tilespmem:s9+$0xFFFFFFC0]  }
0x426: {  	v3 =	vshll.u32 v3, v1  }
0x427: {  	v3 =	vbroadcast v3, $0x0;
	_ =	sdelay $0x2  }
0x428: {  	v2 =	vadd.f32 v2, v4;
	_ =	sdelay $0x1  }
0x429: {  	[tilespmem:s15+$0xFFFFFFC0] =	vst v2  }
0x42a: {  	v2 =	vld.idx.msk [tilespmem:v3+s30+$0x0], $0xffff;
	_ =	sdelay $0x3  }
0x42b: {  	s1 =	sadd.s32 $0xFFFFFFFA, s16  }
0x42c: {  	v3 =	vmov s1  }
0x42d: {  	[tilespmem:s12+$0xFFFFFFC0] =	vst v2;
	v2 =	vshrl.u32 v3, $0x3  }
0x42e: {  	v3 =	vld [tilespmem:s9+$0xFFFFFFD0];
	v2 =	vshll.u32 v2, v1  }
0x42f: {  	v4 =	vld [tilespmem:s8+$0xFFFFFFD0];
	v2 =	vadd.s32 $0x1, v2  }
0x430: {  	v2 =	vbroadcast v2, $0x0;
	_ =	sdelay $0x3  }
0x431: {  	v3 =	vadd.f32 v4, v3;
	_ =	sdelay $0x1  }
0x432: {  	[tilespmem:s15+$0xFFFFFFD0] =	vst v3  }
0x433: {  	v2 =	vld.idx.msk [tilespmem:v2+s30+$0x0], $0xffff;
	_ =	sdelay $0x2  }
0x434: {  	s1 =	sadd.s32 $0xFFFFFFFB, s16  }
0x435: {  	v3 =	vmov s1  }
0x436: {  	v3 =	vshrl.u32 v3, $0x3  }
0x437: {  	[tilespmem:s12+$0xFFFFFFD0] =	vst v2;
	v2 =	vshll.u32 v3, v1  }
0x438: {  	v3 =	vld [tilespmem:s9+$0xFFFFFFE0];
	v2 =	vadd.s32 $0x2, v2  }
0x439: {  	v4 =	vld [tilespmem:s8+$0xFFFFFFE0];
	v2 =	vbroadcast v2, $0x0;
	_ =	sdelay $0x4  }
0x43a: {  	v3 =	vadd.f32 v4, v3;
	_ =	sdelay $0x1  }
0x43b: {  	[tilespmem:s15+$0xFFFFFFE0] =	vst v3  }
0x43c: {  	v2 =	vld.idx.msk [tilespmem:v2+s30+$0x0], $0xffff;
	_ =	sdelay $0x1  }
0x43d: {  	s1 =	sadd.s32 $0xFFFFFFFC, s16  }
0x43e: {  	v3 =	vmov s1  }
0x43f: {  	v3 =	vshrl.u32 v3, $0x3  }
0x440: {  	v3 =	vshll.u32 v3, v1  }
0x441: {  	[tilespmem:s12+$0xFFFFFFE0] =	vst v2;
	v2 =	vadd.s32 $0x3, v3  }
0x442: {  	v3 =	vld [tilespmem:s9+$0xFFFFFFF0];
	v2 =	vbroadcast v2, $0x0  }
0x443: {  	v4 =	vld [tilespmem:s8+$0xFFFFFFF0];
	_ =	sdelay $0x4  }
0x444: {  	v3 =	vadd.f32 v4, v3;
	_ =	sdelay $0x1  }
0x445: {  	[tilespmem:s15+$0xFFFFFFF0] =	vst v3  }
0x446: {  	v2 =	vld.idx.msk [tilespmem:v2+s30+$0x0], $0xffff  }
0x447: {  	s1 =	sadd.s32 $0xFFFFFFFD, s16  }
0x448: {  	v3 =	vmov s1  }
0x449: {  	v3 =	vshrl.u32 v3, $0x3  }
0x44a: {  	v3 =	vshll.u32 v3, v1  }
0x44b: {  	v3 =	vadd.s32 $0x4, v3  }
0x44c: {  	[tilespmem:s12+$0xFFFFFFF0] =	vst v2;
	v2 =	vbroadcast v3, $0x0  }
0x44d: {  	v3 =	vld [tilespmem:s9+$0x0]  }
0x44e: {  	v4 =	vld [tilespmem:s8+$0x0];
	_ =	sdelay $0x4  }
0x44f: {  	v3 =	vadd.f32 v4, v3;
	_ =	sdelay $0x1  }
0x450: {  	[tilespmem:s15+$0x0] =	vst v3  }
0x451: {  	s1 =	sadd.s32 $0xFFFFFFFE, s16;
	v2 =	vld.idx.msk [tilespmem:v2+s30+$0x0], $0xffff  }
0x452: {  	v3 =	vmov s1  }
0x453: {  	v3 =	vshrl.u32 v3, $0x3  }
0x454: {  	v3 =	vshll.u32 v3, v1  }
0x455: {  	v3 =	vadd.s32 $0x5, v3  }
0x456: {  	v3 =	vbroadcast v3, $0x0  }
0x457: {  	[tilespmem:s12+$0x0] =	vst v2  }
0x458: {  	v2 =	vld [tilespmem:s9+$0x10]  }
0x459: {  	v4 =	vld [tilespmem:s8+$0x10];
	_ =	sdelay $0x4  }
0x45a: {  	v2 =	vadd.f32 v4, v2;
	_ =	sdelay $0x1  }
0x45b: {  	s1 =	sadd.s32 $0xFFFFFFFF, s16;
	[tilespmem:s15+$0x10] =	vst v2  }
0x45c: {  	v2 =	vld.idx.msk [tilespmem:v3+s30+$0x0], $0xffff;
	v3 =	vmov s1  }
0x45d: {  	v3 =	vshrl.u32 v3, $0x3  }
0x45e: {  	v3 =	vshll.u32 v3, v1  }
0x45f: {  	v3 =	vadd.s32 $0x6, v3  }
0x460: {  	v3 =	vbroadcast v3, $0x0;
	_ =	sdelay $0x1  }
0x461: {  	[tilespmem:s12+$0x10] =	vst v2  }
0x462: {  	v2 =	vld [tilespmem:s9+$0x20]  }
0x463: {  	v4 =	vld [tilespmem:s8+$0x20];
	_ =	sdelay $0x4  }
0x464: {  	v2 =	vadd.f32 v4, v2;
	_ =	sdelay $0x1  }
0x465: {  	[tilespmem:s15+$0x20] =	vst v2;
	v2 =	vmov s16  }
0x466: {  	v3 =	vld.idx.msk [tilespmem:v3+s30+$0x0], $0xffff;
	v2 =	vshrl.u32 v2, $0x3  }
0x467: {  	v2 =	vshll.u32 v2, v1  }
0x468: {  	v2 =	vadd.s32 $0x7, v2  }
0x469: {  	v2 =	vbroadcast v2, $0x0;
	_ =	sdelay $0x2  }
0x46a: {  	[tilespmem:s12+$0x20] =	vst v3  }
0x46b: {  	v3 =	vld [tilespmem:s9+$0x30]  }
0x46c: {  	v4 =	vld [tilespmem:s8+$0x30];
	_ =	sdelay $0x1  }
.Ltmp7:
0x46d: {  	(pc) =	sbr.rel @p1 .LBB2_11-.Ltmp7, $3  }
0x46e: {  	_ =	sdelay $0x1  }
0x46f: {  	v3 =	vadd.f32 v4, v3  }
0x470: {  	s15 =	sadd.s32 $0x80, s15  }
0x471: {  	_ =	sdelay $0x2  }
0x472: {  	[tilespmem:s13+$0x30] =	vst v3  }
0x473: {  	v2 =	vld.idx.msk [tilespmem:v2+s30+$0x0], $0xffff;
	_ =	sdelay $0x4  }
0x474: {  	s1 =	rddreg [dreg:$0xb];
	[tilespmem:s14+$0x30] =	vst v2  }
0x475: {  	[hbm4b:s1+s5] =	stream.linear.scatter [tilespmem:s31], [sflag:$0x4], $0x800, $0x38;
	[tilespmem:$0xD590] =	vst v63  }
0x476: {  	s26 =	rddreg [dreg:$0xc];
	s28 =	simm.s32 $0x4  }
0x477: {  	[hbm4b:s26+s5] =	stream.linear.scatter [tilespmem:s0], [sflag:$0x4], $0x800, $0x38;
	[tilespmem:$0xD590] =	vst v63  }
0x478: {  	_ =	swait.ge [sflag:s28], $0x800  }
.Ltmp8:
0x479: {  	[sflag:s28] =	ssyncset.done $0x0;
	(pc) =	sbr.rel .LBB2_13-.Ltmp8, $4  }
0x47a: {  	[sflag:s28] =	ssyncadd.s32 $0xFFFFF800  }
0x47b: {  	_ =	swait.ge [sflag:s28], $0x800  }
0x47c: {  	[sflag:s28] =	ssyncset.done $0x0  }
0x47d: {  	s8 =	rddreg [dreg:$0xe];
	[sflag:s28] =	ssyncadd.s32 $0xFFFFF800  }
.LBB2_14:
0x47e: {  	_ =	sfence.sel $0x180000  }
0x47f: {  	[bflag:$0x0] =	sbarrier.arrive $0xFFFF  }
0x480: {  	_ =	strace $0x90000047  }
0x481: {  	s0 =	stileid.u32;
	[bflag:$0x2] =	sbarrier.arrive $0xFFFF  }
0x482: {  	p0 =	sne.s32 s0, $0x0;
	s0 =	rddreg [dreg:$0x6]  }
0x483: {  	s0 =	sadd.s32 @!p0 $0x100000, s0  }
0x484: {  	[sflag:s0] =	ssyncadd.tile.s32 @!p0 $0x1;
	_ =	shalt  }
.Lfunc_end2:
_tile_overlayer_lowered:
.L_overlay_start_2:
0x485: {  	(tag) =	ssettag $0x2  }
0x486: {  	s0 =	rddreg [dreg:$0x0];
	s2 =	stileid.u32  }
0x487: {  	s1 =	rddreg [dreg:$0x1];
	p0 =	sne.s32 s2, $0x0  }
0x488: {  	s3 =	rddreg [dreg:$0x2];
	[bflag:$0x3] =	sbarrier.arrive $0xFFFF;
	s2 =	simm.s32 @!p0 $0x1C07  }
0x489: {  	[timem:s3], [sflag:s2] =	dma.local @!p0 [hbm:s0], s1  }
0x48a: {  	s0 =	simm.s32 @!p0 $0x7  }
0x48b: {  	_ =	swait.ge @!p0 [sflag:s0], s1  }
0x48c: {  	s1 =	ssub.s32 @!p0 $0x0, s1;
	[sflag:s0] =	ssyncset.done @!p0 $0x0  }
0x48d: {  	[sflag:s0] =	ssyncadd.s32 @!p0 s1  }
0x48e: {  	[bflag:$0x3] =	sbarrier.arrive $0xFFFF  }
0x48f: {  	_ =	shalt  }

</sc_bundles>
